<compile_context>
chip_gen: v7x
topology: tpu7x:2x2x1
jax: 0.10.2.dev20260603
libtpu: 0.0.44.dev20260713+nightly
codegen_flags: <defaults>
</compile_context>

<pallas_src>
import functools
import jax
import jax.numpy as jnp
from jax import lax
from jax.experimental import pallas as pl
from jax.experimental.pallas import tpu as pltpu
from jax.experimental.pallas import tpu_sc as plsc

CH = 128
DEG_W = 16


def _sc_mesh():
    info = plsc.get_sparse_core_info()
    return (plsc.VectorSubcoreMesh(core_axis_name="c", subcore_axis_name="s"),
            info.num_cores, info.num_subcores)


def _zero_then_copy(buf, acc, base, RP, D16):
    def zero_row(i, _):
        for j in range(D16):
            buf[i, pl.ds(j * 16, 16)] = jnp.zeros((16,), jnp.float32)
        return 0
    lax.fori_loop(0, CH, zero_row, 0)
    off = 0
    while off < RP:
        m = min(CH, RP - off)
        pltpu.sync_copy(buf.at[pl.ds(0, m)], acc.at[pl.ds(base + off, m)])
        off += m


def _read_back(buf, acc, out_hbm, cid, base, RP):
    off = 0
    while off < RP:
        m = min(CH, RP - off)
        pltpu.sync_copy(acc.at[pl.ds(base + off, m)], buf.at[pl.ds(0, m)])
        pltpu.sync_copy(buf.at[pl.ds(0, m)],
                        out_hbm.at[cid, pl.ds(base + off, m)])
        off += m


def _make_deg_kernel(EP, NP, NC, NS, mesh):
    EW = EP // (NC * NS)
    n_chunks = EW // CH
    RP = NP // NS

    @functools.partial(
        pl.kernel,
        out_type=jax.ShapeDtypeStruct((NC, NP, DEG_W), jnp.float32),
        mesh=mesh,
        scratch_types=[
            pltpu.VMEM((CH,), jnp.int32),
            pltpu.VMEM((CH, DEG_W), jnp.float32),
            pltpu.VMEM_SHARED((NP, DEG_W), jnp.float32),
        ],
    )
    def deg_kernel(col_hbm, out_hbm, idxc, buf, acc):
        cid = lax.axis_index("c")
        sid = lax.axis_index("s")
        wid = sid * NC + cid
        base = sid * RP

        _zero_then_copy(buf, acc, base, RP, DEG_W // 16)
        def one_row(i, _):
            buf[i, :] = jnp.where(lax.iota(jnp.int32, 16) == 0, 1.0, 0.0)
            return 0
        lax.fori_loop(0, CH, one_row, 0)
        plsc.subcore_barrier()

        def edge_chunk(c, _):
            e0 = wid * EW + c * CH
            pltpu.sync_copy(col_hbm.at[pl.ds(e0, CH)], idxc)
            pltpu.sync_copy(buf, acc.at[idxc], add=True)
            return 0
        lax.fori_loop(0, n_chunks, edge_chunk, 0)
        plsc.subcore_barrier()

        _read_back(buf, acc, out_hbm, cid, base, RP)

    return deg_kernel


def _make_spmm_kernel(EP, NP, D, NC, NS, mesh):
    EW = EP // (NC * NS)
    n_chunks = EW // CH
    RP = NP // NS

    @functools.partial(
        pl.kernel,
        out_type=jax.ShapeDtypeStruct((NC, NP, D), jnp.float32),
        mesh=mesh,
        scratch_types=[
            pltpu.VMEM((CH,), jnp.int32),
            pltpu.VMEM((CH,), jnp.int32),
            pltpu.VMEM((CH, D), jnp.float32),
            pltpu.VMEM_SHARED((NP, D), jnp.float32),
            pltpu.SemaphoreType.DMA,
        ],
    )
    def spmm_kernel(g_hbm, row_hbm, col_hbm, out_hbm,
                    idxr, idxc, buf, acc, sem):
        cid = lax.axis_index("c")
        sid = lax.axis_index("s")
        wid = sid * NC + cid
        base = sid * RP

        _zero_then_copy(buf, acc, base, RP, D // 16)
        plsc.subcore_barrier()

        def edge_chunk(c, _):
            e0 = wid * EW + c * CH
            pltpu.sync_copy(row_hbm.at[pl.ds(e0, CH)], idxr)
            pltpu.sync_copy(col_hbm.at[pl.ds(e0, CH)], idxc)
            pltpu.async_copy(g_hbm.at[idxr], buf, sem).wait()
            pltpu.sync_copy(buf, acc.at[idxc], add=True)
            return 0
        lax.fori_loop(0, n_chunks, edge_chunk, 0)
        plsc.subcore_barrier()

        _read_back(buf, acc, out_hbm, cid, base, RP)

    return spmm_kernel


def _tc_prep(degp_ref, x_ref, dinv_ref, g_ref):
    N = x_ref.shape[0]
    deg = degp_ref[0] + degp_ref[1]
    deg = deg[:, 0:1] + 1.0
    dinv = lax.rsqrt(deg)
    dinv_ref[...] = dinv
    g_ref[...] = x_ref[...] * dinv[:N]


def _tc_layer(sp_ref, g_ref, dinv_ref, w_ref, b_ref, gam_ref, bet_ref,
              out_ref, *, relu):
    N = g_ref.shape[0]
    s = sp_ref[0, :N] + sp_ref[1, :N] + g_ref[...]
    agg = s * dinv_ref[:N]
    z = jnp.dot(agg, w_ref[...], preferred_element_type=jnp.float32) + b_ref[...]
    mu = jnp.mean(z, axis=0, keepdims=True)
    var = jnp.mean((z - mu) * (z - mu), axis=0, keepdims=True)
    h = gam_ref[...] * (z - mu) * lax.rsqrt(var + 1e-5) + bet_ref[...]
    if relu:
        h = jnp.maximum(h, 0.0)
    out_ref[...] = h * dinv_ref[:N]


def _tc_final(sp_ref, g_ref, dinv_ref, w_ref, b_ref, gam_ref, bet_ref,
              wc_ref, bc_ref, out_ref):
    N = g_ref.shape[0]
    s = sp_ref[0, :N] + sp_ref[1, :N] + g_ref[...]
    agg = s * dinv_ref[:N]
    z = jnp.dot(agg, w_ref[...], preferred_element_type=jnp.float32) + b_ref[...]
    mu = jnp.mean(z, axis=0, keepdims=True)
    var = jnp.mean((z - mu) * (z - mu), axis=0, keepdims=True)
    h = gam_ref[...] * (z - mu) * lax.rsqrt(var + 1e-5) + bet_ref[...]
    out_ref[...] = (jnp.dot(h, wc_ref[...], preferred_element_type=jnp.float32)
                    + bc_ref[...])


@jax.jit
def kernel(x, edge_index, W1, b1, g1, be1, W2, b2, g2, be2, Wc, bc):
    N, D = x.shape
    O = Wc.shape[1]
    E = edge_index.shape[1]

    mesh, NC, NS = _sc_mesh()
    NW = NC * NS
    NP = ((N + 1 + 127) // 128) * 128
    EW = ((E + NW * CH - 1) // (NW * CH)) * CH
    EP = EW * NW

    pad = EP - E
    row = jnp.concatenate([edge_index[0], jnp.zeros((pad,), jnp.int32)])
    col = jnp.concatenate([edge_index[1], jnp.full((pad,), N, jnp.int32)])

    deg_k = _make_deg_kernel(EP, NP, NC, NS, mesh)
    spmm_k = _make_spmm_kernel(EP, NP, D, NC, NS, mesh)

    degp = deg_k(col)

    dinv, gx = pl.pallas_call(
        _tc_prep,
        out_shape=(jax.ShapeDtypeStruct((NP, 1), jnp.float32),
                   jax.ShapeDtypeStruct((N, D), jnp.float32)),
    )(degp, x)

    s1 = spmm_k(gx, row, col)
    g2x = pl.pallas_call(
        functools.partial(_tc_layer, relu=True),
        out_shape=jax.ShapeDtypeStruct((N, D), jnp.float32),
    )(s1, gx, dinv, W1, b1, g1, be1)

    s2 = spmm_k(g2x, row, col)
    out = pl.pallas_call(
        _tc_final,
        out_shape=jax.ShapeDtypeStruct((N, O), jnp.float32),
    )(s2, g2x, dinv, W2, b2, g2, be2, Wc, bc)
    return out

# --- scband reference (transcript-rebuilt; emitter-appended) ---
"""Pipeline reference for scband-mixup-37263136260667 (READ-ONLY COPY).

The authoritative reference and input builder live on the scoring server;
editing this copy changes nothing except your own understanding.
"""

import jax, jax.numpy as jnp
import numpy as np

N = 10000
E = 320000
D = 128
H = 128
O = 70


def setup_inputs(seed: int = 0) -> dict:
    key = jax.random.key(seed)
    ks = jax.random.split(key, 12)
    x = jax.random.normal(ks[0], (N, D), dtype=jnp.float32)
    edge_index = jax.random.randint(ks[1], (2, E), 0, N, dtype=jnp.int32)
    s1 = 1.0 / np.sqrt(D)
    s2 = 1.0 / np.sqrt(H)
    W1 = jax.random.uniform(ks[2], (D, H), jnp.float32, -s1, s1)
    b1 = jnp.zeros((H,), jnp.float32)
    g1 = jnp.ones((H,), jnp.float32)
    be1 = jnp.zeros((H,), jnp.float32)
    W2 = jax.random.uniform(ks[3], (H, H), jnp.float32, -s2, s2)
    b2 = jnp.zeros((H,), jnp.float32)
    g2 = jnp.ones((H,), jnp.float32)
    be2 = jnp.zeros((H,), jnp.float32)
    Wc = jax.random.uniform(ks[4], (H, O), jnp.float32, -s2, s2)
    bc = jnp.zeros((O,), jnp.float32)
    return {"x": x, "edge_index": edge_index, "W1": W1, "b1": b1, "g1": g1,
            "be1": be1, "W2": W2, "b2": b2, "g2": g2, "be2": be2,
            "Wc": Wc, "bc": bc}


def _gcn_conv(h, row, col, W, b, n_nodes):
    # GCNConv with self-loops and symmetric normalization
    loop = jnp.arange(n_nodes, dtype=row.dtype)
    row2 = jnp.concatenate([row, loop])
    col2 = jnp.concatenate([col, loop])
    deg = jax.ops.segment_sum(jnp.ones_like(row2, dtype=h.dtype), col2, num_segments=n_nodes)
    dinv = jnp.where(deg > 0, jax.lax.rsqrt(deg), 0.0)
    norm = dinv[row2] * dinv[col2]
    msg = h[row2] * norm[:, None]
    agg = jax.ops.segment_sum(msg, col2, num_segments=n_nodes)
    return agg @ W + b


def _batch_norm(h, gamma, beta):
    mu = h.mean(axis=0)
    var = h.var(axis=0)
    return gamma * (h - mu) * jax.lax.rsqrt(var + 1e-5) + beta


def reference(x, edge_index, W1, b1, g1, be1, W2, b2, g2, be2, Wc, bc):
    row = edge_index[0]
    col = edge_index[1]
    n_nodes = x.shape[0]
    # encoder layer 1: GCNConv -> BN -> ReLU (dropout is identity in eval)
    h = _gcn_conv(x, row, col, W1, b1, n_nodes)
    h = _batch_norm(h, g1, be1)
    h = jax.nn.relu(h)
    # encoder layer 2: GCNConv -> BN, last_activation=False -> no ReLU
    h = _gcn_conv(h, row, col, W2, b2, n_nodes)
    h = _batch_norm(h, g2, be2)
    # classifier
    out = h @ Wc + bc
    return out

if __name__ == "__main__":
    import jax
    _d = setup_inputs()
    print(jax.jit(kernel)(*tuple(_d.values())))

</pallas_src>

<mosaic_0001>
#map = affine_map<(d0, d1) -> (0)>
#map1 = affine_map<(d0, d1) -> (0, 0, 0)>
module attributes {stable_mosaic.version = 14 : i64} {
  func.func @deg_kernel(%arg0: i32, %arg1: i32, %arg2: memref<323584xi32, #tpu.memory_space<hbm>>, %arg3: memref<2x10112x16xf32, #tpu.memory_space<hbm>>, %arg4: memref<128xi32, #tpu.memory_space<vmem>>, %arg5: memref<128x16xf32, #tpu.memory_space<vmem>>, %arg6: memref<10112x16xf32, #tpu.memory_space<vmem_shared>>) attributes {dimension_semantics = [#tpu.dimension_semantics<core_parallel>, #tpu.dimension_semantics<subcore_parallel>], iteration_bounds = array<i64: 2, 16>, scalar_prefetch = 0 : i64, scratch_operands = 3 : i64, tpu.core_type = #tpu.core_type<sc_vector_subcore>, window_params = [{transform_indices = #map}, {transform_indices = #map1}]} {
    %mul3A = arith.constant 2 : i32
    %mul3A_0 = arith.muli %arg1, %mul3A : i32
    %add3A = arith.addi %mul3A_0, %arg0 : i32
    %mul3A_1 = arith.constant 632 : i32
    %mul3A_2 = arith.muli %arg1, %mul3A_1 : i32
    %scan3A = arith.constant 0 : i32
    %scan3A_3 = arith.constant 0 : i32
    %scan3A_4 = arith.constant 128 : i32
    %scan3A_5 = arith.addi %scan3A_3, %scan3A_4 : i32
    %scan3A_6 = arith.constant 1 : i32
    %scan3A_7 = scf.for %scan3A_54 = %scan3A_3 to %scan3A_5 step %scan3A_6 iter_args(%scan3A_55 = %scan3A) -> (i32)  : i32 {
      %broadcast_in_dim3A = arith.constant 0.000000e+00 : f32
      %broadcast_in_dim3A_56 = vector.broadcast %broadcast_in_dim3A : f32 to vector<16xf32>
      %swap3A = arith.index_cast %scan3A_54 : i32 to index
      %swap3A_57 = arith.constant 0 : index
      %swap3A_58 = tpu.vector_load %arg5[%swap3A, %swap3A_57] {strides = array<i32>} : memref<128x16xf32, #tpu.memory_space<vmem>>, vector<1x16xf32>,
      %swap3A_59 = vector.shape_cast %swap3A_58 : vector<1x16xf32> to vector<16xf32>
      %swap3A_60 = vector.shape_cast %broadcast_in_dim3A_56 : vector<16xf32> to vector<1x16xf32>
      tpu.vector_store %arg5[%swap3A, %swap3A_57], %swap3A_60 {strides = array<i32>} : memref<128x16xf32, #tpu.memory_space<vmem>>, vector<1x16xf32>,
      %scan3A_61 = arith.constant 0 : i32
      scf.yield %scan3A_61 : i32
    }
    %scan3A_8 = arith.constant 128 : i32
    %add3A_9 = arith.constant 0 : i32
    %add3A_10 = arith.addi %mul3A_2, %add3A_9 : i32
    "tpu.region"() ({
      %run_scoped3A = tpu.sem_alloc : memref<!tpu.dma_semaphore, #tpu.memory_space<semaphore_mem>>
      %dma_start3A = arith.constant 0 : i32
      %dma_start3A_54 = arith.constant 0 : i32
      %dma_start3A_55 = tpu.memref_slice %arg5[%dma_start3A, %dma_start3A_54] : memref<128x16xf32, #tpu.memory_space<vmem>> -> memref<128x16xf32, #tpu.memory_space<vmem>>
      %dma_start3A_56 = arith.constant 0 : i32
      %dma_start3A_57 = tpu.memref_slice %arg6[%add3A_10, %dma_start3A_56] : memref<10112x16xf32, #tpu.memory_space<vmem_shared>> -> memref<128x16xf32, #tpu.memory_space<vmem_shared>>
      %dma_start3A_58 = arith.constant 0 : i32
      %dma_start3A_59 = tpu.memref_slice %arg6[%add3A_10, %dma_start3A_58] : memref<10112x16xf32, #tpu.memory_space<vmem_shared>> -> memref<128x16xf32, #tpu.memory_space<vmem_shared>>
      %dma_start3A_60 = arith.constant 0 : i32
      %dma_start3A_61 = arith.constant 0 : i32
      %dma_start3A_62 = tpu.memref_slice %arg5[%dma_start3A_60, %dma_start3A_61] : memref<128x16xf32, #tpu.memory_space<vmem>> -> memref<128x16xf32, #tpu.memory_space<vmem>>
      tpu.enqueue_dma source(%dma_start3A_62 : memref<128x16xf32, #tpu.memory_space<vmem>>) target(%dma_start3A_59 : memref<128x16xf32, #tpu.memory_space<vmem_shared>>) target_semaphore(%run_scoped3A : memref<!tpu.dma_semaphore, #tpu.memory_space<semaphore_mem>>)
      %dma_wait3A = arith.constant 0 : i32
      %dma_wait3A_63 = arith.constant 0 : i32
      %dma_wait3A_64 = tpu.memref_slice %arg5[%dma_wait3A, %dma_wait3A_63] : memref<128x16xf32, #tpu.memory_space<vmem>> -> memref<128x16xf32, #tpu.memory_space<vmem>>
      %dma_wait3A_65 = arith.constant 0 : i32
      %dma_wait3A_66 = tpu.memref_slice %arg6[%add3A_10, %dma_wait3A_65] : memref<10112x16xf32, #tpu.memory_space<vmem_shared>> -> memref<128x16xf32, #tpu.memory_space<vmem_shared>>
      %dma_wait3A_67 = arith.constant 0 : i32
      %dma_wait3A_68 = tpu.memref_slice %arg6[%add3A_10, %dma_wait3A_67] : memref<10112x16xf32, #tpu.memory_space<vmem_shared>> -> memref<128x16xf32, #tpu.memory_space<vmem_shared>>
      %dma_wait3A_69 = arith.constant 0 : i32
      %dma_wait3A_70 = arith.constant 0 : i32
      %dma_wait3A_71 = tpu.memref_slice %arg5[%dma_wait3A_69, %dma_wait3A_70] : memref<128x16xf32, #tpu.memory_space<vmem>> -> memref<128x16xf32, #tpu.memory_space<vmem>>
      tpu.wait_dma2 semaphore(%run_scoped3A : memref<!tpu.dma_semaphore, #tpu.memory_space<semaphore_mem>>) src(%dma_wait3A_71 : memref<128x16xf32, #tpu.memory_space<vmem>>) dst(%dma_wait3A_68 : memref<128x16xf32, #tpu.memory_space<vmem_shared>>)
      tpu.yield
    }) : () -> ()
    %add3A_11 = arith.constant 128 : i32
    %add3A_12 = arith.addi %mul3A_2, %add3A_11 : i32
    "tpu.region"() ({
      %run_scoped3A = tpu.sem_alloc : memref<!tpu.dma_semaphore, #tpu.memory_space<semaphore_mem>>
      %dma_start3A = arith.constant 0 : i32
      %dma_start3A_54 = arith.constant 0 : i32
      %dma_start3A_55 = tpu.memref_slice %arg5[%dma_start3A, %dma_start3A_54] : memref<128x16xf32, #tpu.memory_space<vmem>> -> memref<128x16xf32, #tpu.memory_space<vmem>>
      %dma_start3A_56 = arith.constant 0 : i32
      %dma_start3A_57 = tpu.memref_slice %arg6[%add3A_12, %dma_start3A_56] : memref<10112x16xf32, #tpu.memory_space<vmem_shared>> -> memref<128x16xf32, #tpu.memory_space<vmem_shared>>
      %dma_start3A_58 = arith.constant 0 : i32
      %dma_start3A_59 = tpu.memref_slice %arg6[%add3A_12, %dma_start3A_58] : memref<10112x16xf32, #tpu.memory_space<vmem_shared>> -> memref<128x16xf32, #tpu.memory_space<vmem_shared>>
      %dma_start3A_60 = arith.constant 0 : i32
      %dma_start3A_61 = arith.constant 0 : i32
      %dma_start3A_62 = tpu.memref_slice %arg5[%dma_start3A_60, %dma_start3A_61] : memref<128x16xf32, #tpu.memory_space<vmem>> -> memref<128x16xf32, #tpu.memory_space<vmem>>
      tpu.enqueue_dma source(%dma_start3A_62 : memref<128x16xf32, #tpu.memory_space<vmem>>) target(%dma_start3A_59 : memref<128x16xf32, #tpu.memory_space<vmem_shared>>) target_semaphore(%run_scoped3A : memref<!tpu.dma_semaphore, #tpu.memory_space<semaphore_mem>>)
      %dma_wait3A = arith.constant 0 : i32
      %dma_wait3A_63 = arith.constant 0 : i32
      %dma_wait3A_64 = tpu.memref_slice %arg5[%dma_wait3A, %dma_wait3A_63] : memref<128x16xf32, #tpu.memory_space<vmem>> -> memref<128x16xf32, #tpu.memory_space<vmem>>
      %dma_wait3A_65 = arith.constant 0 : i32
      %dma_wait3A_66 = tpu.memref_slice %arg6[%add3A_12, %dma_wait3A_65] : memref<10112x16xf32, #tpu.memory_space<vmem_shared>> -> memref<128x16xf32, #tpu.memory_space<vmem_shared>>
      %dma_wait3A_67 = arith.constant 0 : i32
      %dma_wait3A_68 = tpu.memref_slice %arg6[%add3A_12, %dma_wait3A_67] : memref<10112x16xf32, #tpu.memory_space<vmem_shared>> -> memref<128x16xf32, #tpu.memory_space<vmem_shared>>
      %dma_wait3A_69 = arith.constant 0 : i32
      %dma_wait3A_70 = arith.constant 0 : i32
      %dma_wait3A_71 = tpu.memref_slice %arg5[%dma_wait3A_69, %dma_wait3A_70] : memref<128x16xf32, #tpu.memory_space<vmem>> -> memref<128x16xf32, #tpu.memory_space<vmem>>
      tpu.wait_dma2 semaphore(%run_scoped3A : memref<!tpu.dma_semaphore, #tpu.memory_space<semaphore_mem>>) src(%dma_wait3A_71 : memref<128x16xf32, #tpu.memory_space<vmem>>) dst(%dma_wait3A_68 : memref<128x16xf32, #tpu.memory_space<vmem_shared>>)
      tpu.yield
    }) : () -> ()
    %add3A_13 = arith.constant 256 : i32
    %add3A_14 = arith.addi %mul3A_2, %add3A_13 : i32
    "tpu.region"() ({
      %run_scoped3A = tpu.sem_alloc : memref<!tpu.dma_semaphore, #tpu.memory_space<semaphore_mem>>
      %dma_start3A = arith.constant 0 : i32
      %dma_start3A_54 = arith.constant 0 : i32
      %dma_start3A_55 = tpu.memref_slice %arg5[%dma_start3A, %dma_start3A_54] : memref<128x16xf32, #tpu.memory_space<vmem>> -> memref<128x16xf32, #tpu.memory_space<vmem>>
      %dma_start3A_56 = arith.constant 0 : i32
      %dma_start3A_57 = tpu.memref_slice %arg6[%add3A_14, %dma_start3A_56] : memref<10112x16xf32, #tpu.memory_space<vmem_shared>> -> memref<128x16xf32, #tpu.memory_space<vmem_shared>>
      %dma_start3A_58 = arith.constant 0 : i32
      %dma_start3A_59 = tpu.memref_slice %arg6[%add3A_14, %dma_start3A_58] : memref<10112x16xf32, #tpu.memory_space<vmem_shared>> -> memref<128x16xf32, #tpu.memory_space<vmem_shared>>
      %dma_start3A_60 = arith.constant 0 : i32
      %dma_start3A_61 = arith.constant 0 : i32
      %dma_start3A_62 = tpu.memref_slice %arg5[%dma_start3A_60, %dma_start3A_61] : memref<128x16xf32, #tpu.memory_space<vmem>> -> memref<128x16xf32, #tpu.memory_space<vmem>>
      tpu.enqueue_dma source(%dma_start3A_62 : memref<128x16xf32, #tpu.memory_space<vmem>>) target(%dma_start3A_59 : memref<128x16xf32, #tpu.memory_space<vmem_shared>>) target_semaphore(%run_scoped3A : memref<!tpu.dma_semaphore, #tpu.memory_space<semaphore_mem>>)
      %dma_wait3A = arith.constant 0 : i32
      %dma_wait3A_63 = arith.constant 0 : i32
      %dma_wait3A_64 = tpu.memref_slice %arg5[%dma_wait3A, %dma_wait3A_63] : memref<128x16xf32, #tpu.memory_space<vmem>> -> memref<128x16xf32, #tpu.memory_space<vmem>>
      %dma_wait3A_65 = arith.constant 0 : i32
      %dma_wait3A_66 = tpu.memref_slice %arg6[%add3A_14, %dma_wait3A_65] : memref<10112x16xf32, #tpu.memory_space<vmem_shared>> -> memref<128x16xf32, #tpu.memory_space<vmem_shared>>
      %dma_wait3A_67 = arith.constant 0 : i32
      %dma_wait3A_68 = tpu.memref_slice %arg6[%add3A_14, %dma_wait3A_67] : memref<10112x16xf32, #tpu.memory_space<vmem_shared>> -> memref<128x16xf32, #tpu.memory_space<vmem_shared>>
      %dma_wait3A_69 = arith.constant 0 : i32
      %dma_wait3A_70 = arith.constant 0 : i32
      %dma_wait3A_71 = tpu.memref_slice %arg5[%dma_wait3A_69, %dma_wait3A_70] : memref<128x16xf32, #tpu.memory_space<vmem>> -> memref<128x16xf32, #tpu.memory_space<vmem>>
      tpu.wait_dma2 semaphore(%run_scoped3A : memref<!tpu.dma_semaphore, #tpu.memory_space<semaphore_mem>>) src(%dma_wait3A_71 : memref<128x16xf32, #tpu.memory_space<vmem>>) dst(%dma_wait3A_68 : memref<128x16xf32, #tpu.memory_space<vmem_shared>>)
      tpu.yield
    }) : () -> ()
    %add3A_15 = arith.constant 384 : i32
    %add3A_16 = arith.addi %mul3A_2, %add3A_15 : i32
    "tpu.region"() ({
      %run_scoped3A = tpu.sem_alloc : memref<!tpu.dma_semaphore, #tpu.memory_space<semaphore_mem>>
      %dma_start3A = arith.constant 0 : i32
      %dma_start3A_54 = arith.constant 0 : i32
      %dma_start3A_55 = tpu.memref_slice %arg5[%dma_start3A, %dma_start3A_54] : memref<128x16xf32, #tpu.memory_space<vmem>> -> memref<128x16xf32, #tpu.memory_space<vmem>>
      %dma_start3A_56 = arith.constant 0 : i32
      %dma_start3A_57 = tpu.memref_slice %arg6[%add3A_16, %dma_start3A_56] : memref<10112x16xf32, #tpu.memory_space<vmem_shared>> -> memref<128x16xf32, #tpu.memory_space<vmem_shared>>
      %dma_start3A_58 = arith.constant 0 : i32
      %dma_start3A_59 = tpu.memref_slice %arg6[%add3A_16, %dma_start3A_58] : memref<10112x16xf32, #tpu.memory_space<vmem_shared>> -> memref<128x16xf32, #tpu.memory_space<vmem_shared>>
      %dma_start3A_60 = arith.constant 0 : i32
      %dma_start3A_61 = arith.constant 0 : i32
      %dma_start3A_62 = tpu.memref_slice %arg5[%dma_start3A_60, %dma_start3A_61] : memref<128x16xf32, #tpu.memory_space<vmem>> -> memref<128x16xf32, #tpu.memory_space<vmem>>
      tpu.enqueue_dma source(%dma_start3A_62 : memref<128x16xf32, #tpu.memory_space<vmem>>) target(%dma_start3A_59 : memref<128x16xf32, #tpu.memory_space<vmem_shared>>) target_semaphore(%run_scoped3A : memref<!tpu.dma_semaphore, #tpu.memory_space<semaphore_mem>>)
      %dma_wait3A = arith.constant 0 : i32
      %dma_wait3A_63 = arith.constant 0 : i32
      %dma_wait3A_64 = tpu.memref_slice %arg5[%dma_wait3A, %dma_wait3A_63] : memref<128x16xf32, #tpu.memory_space<vmem>> -> memref<128x16xf32, #tpu.memory_space<vmem>>
      %dma_wait3A_65 = arith.constant 0 : i32
      %dma_wait3A_66 = tpu.memref_slice %arg6[%add3A_16, %dma_wait3A_65] : memref<10112x16xf32, #tpu.memory_space<vmem_shared>> -> memref<128x16xf32, #tpu.memory_space<vmem_shared>>
      %dma_wait3A_67 = arith.constant 0 : i32
      %dma_wait3A_68 = tpu.memref_slice %arg6[%add3A_16, %dma_wait3A_67] : memref<10112x16xf32, #tpu.memory_space<vmem_shared>> -> memref<128x16xf32, #tpu.memory_space<vmem_shared>>
      %dma_wait3A_69 = arith.constant 0 : i32
      %dma_wait3A_70 = arith.constant 0 : i32
      %dma_wait3A_71 = tpu.memref_slice %arg5[%dma_wait3A_69, %dma_wait3A_70] : memref<128x16xf32, #tpu.memory_space<vmem>> -> memref<128x16xf32, #tpu.memory_space<vmem>>
      tpu.wait_dma2 semaphore(%run_scoped3A : memref<!tpu.dma_semaphore, #tpu.memory_space<semaphore_mem>>) src(%dma_wait3A_71 : memref<128x16xf32, #tpu.memory_space<vmem>>) dst(%dma_wait3A_68 : memref<128x16xf32, #tpu.memory_space<vmem_shared>>)
      tpu.yield
    }) : () -> ()
    %add3A_17 = arith.constant 512 : i32
    %add3A_18 = arith.addi %mul3A_2, %add3A_17 : i32
    "tpu.region"() ({
      %run_scoped3A = tpu.sem_alloc : memref<!tpu.dma_semaphore, #tpu.memory_space<semaphore_mem>>
      %dma_start3A = arith.constant 0 : i32
      %dma_start3A_54 = arith.constant 0 : i32
      %dma_start3A_55 = tpu.memref_slice %arg5[%dma_start3A, %dma_start3A_54] : memref<128x16xf32, #tpu.memory_space<vmem>> -> memref<120x16xf32, #tpu.memory_space<vmem>>
      %dma_start3A_56 = arith.constant 0 : i32
      %dma_start3A_57 = tpu.memref_slice %arg6[%add3A_18, %dma_start3A_56] : memref<10112x16xf32, #tpu.memory_space<vmem_shared>> -> memref<120x16xf32, #tpu.memory_space<vmem_shared>>
      %dma_start3A_58 = arith.constant 0 : i32
      %dma_start3A_59 = tpu.memref_slice %arg6[%add3A_18, %dma_start3A_58] : memref<10112x16xf32, #tpu.memory_space<vmem_shared>> -> memref<120x16xf32, #tpu.memory_space<vmem_shared>>
      %dma_start3A_60 = arith.constant 0 : i32
      %dma_start3A_61 = arith.constant 0 : i32
      %dma_start3A_62 = tpu.memref_slice %arg5[%dma_start3A_60, %dma_start3A_61] : memref<128x16xf32, #tpu.memory_space<vmem>> -> memref<120x16xf32, #tpu.memory_space<vmem>>
      tpu.enqueue_dma source(%dma_start3A_62 : memref<120x16xf32, #tpu.memory_space<vmem>>) target(%dma_start3A_59 : memref<120x16xf32, #tpu.memory_space<vmem_shared>>) target_semaphore(%run_scoped3A : memref<!tpu.dma_semaphore, #tpu.memory_space<semaphore_mem>>)
      %dma_wait3A = arith.constant 0 : i32
      %dma_wait3A_63 = arith.constant 0 : i32
      %dma_wait3A_64 = tpu.memref_slice %arg5[%dma_wait3A, %dma_wait3A_63] : memref<128x16xf32, #tpu.memory_space<vmem>> -> memref<120x16xf32, #tpu.memory_space<vmem>>
      %dma_wait3A_65 = arith.constant 0 : i32
      %dma_wait3A_66 = tpu.memref_slice %arg6[%add3A_18, %dma_wait3A_65] : memref<10112x16xf32, #tpu.memory_space<vmem_shared>> -> memref<120x16xf32, #tpu.memory_space<vmem_shared>>
      %dma_wait3A_67 = arith.constant 0 : i32
      %dma_wait3A_68 = tpu.memref_slice %arg6[%add3A_18, %dma_wait3A_67] : memref<10112x16xf32, #tpu.memory_space<vmem_shared>> -> memref<120x16xf32, #tpu.memory_space<vmem_shared>>
      %dma_wait3A_69 = arith.constant 0 : i32
      %dma_wait3A_70 = arith.constant 0 : i32
      %dma_wait3A_71 = tpu.memref_slice %arg5[%dma_wait3A_69, %dma_wait3A_70] : memref<128x16xf32, #tpu.memory_space<vmem>> -> memref<120x16xf32, #tpu.memory_space<vmem>>
      tpu.wait_dma2 semaphore(%run_scoped3A : memref<!tpu.dma_semaphore, #tpu.memory_space<semaphore_mem>>) src(%dma_wait3A_71 : memref<120x16xf32, #tpu.memory_space<vmem>>) dst(%dma_wait3A_68 : memref<120x16xf32, #tpu.memory_space<vmem_shared>>)
      tpu.yield
    }) : () -> ()
    %scan3A_19 = arith.constant 0 : i32
    %scan3A_20 = arith.constant 0 : i32
    %scan3A_21 = arith.constant 128 : i32
    %scan3A_22 = arith.addi %scan3A_20, %scan3A_21 : i32
    %scan3A_23 = arith.constant 1 : i32
    %scan3A_24 = scf.for %scan3A_54 = %scan3A_20 to %scan3A_22 step %scan3A_23 iter_args(%scan3A_55 = %scan3A_19) -> (i32)  : i32 {
      %iota3A = tpu.iota {dimensions = array<i32: 0>} : vector<16xi32>
      %eq3A = arith.constant 0 : i32
      %eq3A_56 = vector.broadcast %eq3A : i32 to vector<16xi32>
      %eq3A_57 = arith.cmpi eq, %iota3A, %eq3A_56 : vector<16xi32>
      %jit3A = arith.constant 1.000000e+00 : f32
      %jit3A_58 = arith.constant 0.000000e+00 : f32
      %broadcast_in_dim3A = vector.broadcast %jit3A : f32 to vector<16xf32>
      %broadcast_in_dim3A_59 = vector.broadcast %jit3A_58 : f32 to vector<16xf32>
      %select_n3A = arith.select %eq3A_57, %broadcast_in_dim3A, %broadcast_in_dim3A_59 : vector<16xi1>, vector<16xf32>
      %swap3A = arith.index_cast %scan3A_54 : i32 to index
      %swap3A_60 = arith.constant 0 : index
      %swap3A_61 = tpu.vector_load %arg5[%swap3A, %swap3A_60] {strides = array<i32>} : memref<128x16xf32, #tpu.memory_space<vmem>>, vector<1x16xf32>,
      %swap3A_62 = vector.shape_cast %swap3A_61 : vector<1x16xf32> to vector<16xf32>
      %swap3A_63 = vector.shape_cast %select_n3A : vector<16xf32> to vector<1x16xf32>
      tpu.vector_store %arg5[%swap3A, %swap3A_60], %swap3A_63 {strides = array<i32>} : memref<128x16xf32, #tpu.memory_space<vmem>>, vector<1x16xf32>,
      %scan3A_64 = arith.constant 0 : i32
      scf.yield %scan3A_64 : i32
    }
    %scan3A_25 = arith.constant 128 : i32
    %barrier3A = arith.constant 0 : index
    tpu.barrier barrier_id(%barrier3A)
    %scan3A_26 = arith.constant 0 : i32
    %scan3A_27 = arith.constant 0 : i32
    %scan3A_28 = arith.constant 79 : i32
    %scan3A_29 = arith.addi %scan3A_27, %scan3A_28 : i32
    %scan3A_30 = arith.constant 1 : i32
    %scan3A_31 = scf.for %scan3A_54 = %scan3A_27 to %scan3A_29 step %scan3A_30 iter_args(%scan3A_55 = %scan3A_26) -> (i32)  : i32 {
      %mul3A_56 = arith.constant 10112 : i32
      %mul3A_57 = arith.muli %add3A, %mul3A_56 : i32
      %mul3A_58 = arith.constant 128 : i32
      %mul3A_59 = arith.muli %scan3A_54, %mul3A_58 : i32
      %add3A_60 = arith.addi %mul3A_57, %mul3A_59 : i32
      "tpu.region"() ({
        %run_scoped3A = tpu.sem_alloc : memref<!tpu.dma_semaphore, #tpu.memory_space<semaphore_mem>>
        %dma_start3A = tpu.memref_slice %arg2[%add3A_60] : memref<323584xi32, #tpu.memory_space<hbm>> -> memref<128xi32, #tpu.memory_space<hbm>>
        %dma_start3A_62 = tpu.memref_slice %arg2[%add3A_60] : memref<323584xi32, #tpu.memory_space<hbm>> -> memref<128xi32, #tpu.memory_space<hbm>>
        tpu.enqueue_dma source(%dma_start3A_62 : memref<128xi32, #tpu.memory_space<hbm>>) target(%arg4 : memref<128xi32, #tpu.memory_space<vmem>>) target_semaphore(%run_scoped3A : memref<!tpu.dma_semaphore, #tpu.memory_space<semaphore_mem>>)
        %dma_wait3A = tpu.memref_slice %arg2[%add3A_60] : memref<323584xi32, #tpu.memory_space<hbm>> -> memref<128xi32, #tpu.memory_space<hbm>>
        %dma_wait3A_63 = tpu.memref_slice %arg2[%add3A_60] : memref<323584xi32, #tpu.memory_space<hbm>> -> memref<128xi32, #tpu.memory_space<hbm>>
        tpu.wait_dma2 semaphore(%run_scoped3A : memref<!tpu.dma_semaphore, #tpu.memory_space<semaphore_mem>>) src(%dma_wait3A_63 : memref<128xi32, #tpu.memory_space<hbm>>) dst(%arg4 : memref<128xi32, #tpu.memory_space<vmem>>)
        tpu.yield
      }) : () -> ()
      "tpu.region"() ({
        %run_scoped3A = tpu.sem_alloc : memref<!tpu.dma_semaphore, #tpu.memory_space<semaphore_mem>>
        %dma_start3A = arith.constant 0 : i32
        %dma_start3A_62 = arith.constant 0 : i32
        %dma_start3A_63 = tpu.memref_slice %arg6[%dma_start3A, %dma_start3A_62] : memref<10112x16xf32, #tpu.memory_space<vmem_shared>> -> memref<10112x16xf32, #tpu.memory_space<vmem_shared>>
        tpu.enqueue_indirect_dma source(%arg5 : memref<128x16xf32, #tpu.memory_space<vmem>>) target(%dma_start3A_63 : memref<10112x16xf32, #tpu.memory_space<vmem_shared>>) offsets(%arg4 : memref<128xi32, #tpu.memory_space<vmem>>) semaphore(%run_scoped3A : memref<!tpu.dma_semaphore, #tpu.memory_space<semaphore_mem>>) {add = true}
        %dma_wait3A = arith.constant 0 : i32
        %dma_wait3A_64 = arith.constant 0 : i32
        %dma_wait3A_65 = tpu.memref_slice %arg6[%dma_wait3A, %dma_wait3A_64] : memref<10112x16xf32, #tpu.memory_space<vmem_shared>> -> memref<10112x16xf32, #tpu.memory_space<vmem_shared>>
        tpu.wait_indirect_dma semaphore(%run_scoped3A : memref<!tpu.dma_semaphore, #tpu.memory_space<semaphore_mem>>) src(%arg5 : memref<128x16xf32, #tpu.memory_space<vmem>>) dst(%dma_wait3A_65 : memref<10112x16xf32, #tpu.memory_space<vmem_shared>>)
        tpu.yield
      }) : () -> ()
      %scan3A_61 = arith.constant 0 : i32
      scf.yield %scan3A_61 : i32
    }
    %scan3A_32 = arith.constant 79 : i32
    %barrier3A_33 = arith.constant 0 : index
    tpu.barrier barrier_id(%barrier3A_33)
    %add3A_34 = arith.constant 0 : i32
    %add3A_35 = arith.addi %mul3A_2, %add3A_34 : i32
    "tpu.region"() ({
      %run_scoped3A = tpu.sem_alloc : memref<!tpu.dma_semaphore, #tpu.memory_space<semaphore_mem>>
      %dma_start3A = arith.constant 0 : i32
      %dma_start3A_54 = arith.constant 0 : i32
      %dma_start3A_55 = tpu.memref_slice %arg5[%dma_start3A, %dma_start3A_54] : memref<128x16xf32, #tpu.memory_space<vmem>> -> memref<128x16xf32, #tpu.memory_space<vmem>>
      %dma_start3A_56 = arith.constant 0 : i32
      %dma_start3A_57 = tpu.memref_slice %arg6[%add3A_35, %dma_start3A_56] : memref<10112x16xf32, #tpu.memory_space<vmem_shared>> -> memref<128x16xf32, #tpu.memory_space<vmem_shared>>
      %dma_start3A_58 = arith.constant 0 : i32
      %dma_start3A_59 = arith.constant 0 : i32
      %dma_start3A_60 = tpu.memref_slice %arg5[%dma_start3A_58, %dma_start3A_59] : memref<128x16xf32, #tpu.memory_space<vmem>> -> memref<128x16xf32, #tpu.memory_space<vmem>>
      %dma_start3A_61 = arith.constant 0 : i32
      %dma_start3A_62 = tpu.memref_slice %arg6[%add3A_35, %dma_start3A_61] : memref<10112x16xf32, #tpu.memory_space<vmem_shared>> -> memref<128x16xf32, #tpu.memory_space<vmem_shared>>
      tpu.enqueue_dma source(%dma_start3A_62 : memref<128x16xf32, #tpu.memory_space<vmem_shared>>) target(%dma_start3A_60 : memref<128x16xf32, #tpu.memory_space<vmem>>) target_semaphore(%run_scoped3A : memref<!tpu.dma_semaphore, #tpu.memory_space<semaphore_mem>>)
      %dma_wait3A = arith.constant 0 : i32
      %dma_wait3A_63 = arith.constant 0 : i32
      %dma_wait3A_64 = tpu.memref_slice %arg5[%dma_wait3A, %dma_wait3A_63] : memref<128x16xf32, #tpu.memory_space<vmem>> -> memref<128x16xf32, #tpu.memory_space<vmem>>
      %dma_wait3A_65 = arith.constant 0 : i32
      %dma_wait3A_66 = tpu.memref_slice %arg6[%add3A_35, %dma_wait3A_65] : memref<10112x16xf32, #tpu.memory_space<vmem_shared>> -> memref<128x16xf32, #tpu.memory_space<vmem_shared>>
      %dma_wait3A_67 = arith.constant 0 : i32
      %dma_wait3A_68 = arith.constant 0 : i32
      %dma_wait3A_69 = tpu.memref_slice %arg5[%dma_wait3A_67, %dma_wait3A_68] : memref<128x16xf32, #tpu.memory_space<vmem>> -> memref<128x16xf32, #tpu.memory_space<vmem>>
      %dma_wait3A_70 = arith.constant 0 : i32
      %dma_wait3A_71 = tpu.memref_slice %arg6[%add3A_35, %dma_wait3A_70] : memref<10112x16xf32, #tpu.memory_space<vmem_shared>> -> memref<128x16xf32, #tpu.memory_space<vmem_shared>>
      tpu.wait_dma2 semaphore(%run_scoped3A : memref<!tpu.dma_semaphore, #tpu.memory_space<semaphore_mem>>) src(%dma_wait3A_71 : memref<128x16xf32, #tpu.memory_space<vmem_shared>>) dst(%dma_wait3A_69 : memref<128x16xf32, #tpu.memory_space<vmem>>)
      tpu.yield
    }) : () -> ()
    %add3A_36 = arith.constant 0 : i32
    %add3A_37 = arith.addi %mul3A_2, %add3A_36 : i32
    "tpu.region"() ({
      %run_scoped3A = tpu.sem_alloc : memref<!tpu.dma_semaphore, #tpu.memory_space<semaphore_mem>>
      %dma_start3A = arith.constant 0 : i32
      %dma_start3A_54 = arith.constant 0 : i32
      %dma_start3A_55 = tpu.memref_slice %arg5[%dma_start3A, %dma_start3A_54] : memref<128x16xf32, #tpu.memory_space<vmem>> -> memref<128x16xf32, #tpu.memory_space<vmem>>
      %dma_start3A_56 = arith.constant 0 : i32
      %dma_start3A_57 = tpu.memref_slice %arg3[%arg0, %add3A_37, %dma_start3A_56] : memref<2x10112x16xf32, #tpu.memory_space<hbm>> -> memref<1x128x16xf32, #tpu.memory_space<hbm>>
      %dma_start3A_58 = tpu.memref_squeeze %dma_start3A_57 : memref<1x128x16xf32, #tpu.memory_space<hbm>> -> memref<128x16xf32, #tpu.memory_space<hbm>>
      %dma_start3A_59 = arith.constant 0 : i32
      %dma_start3A_60 = tpu.memref_slice %arg3[%arg0, %add3A_37, %dma_start3A_59] : memref<2x10112x16xf32, #tpu.memory_space<hbm>> -> memref<1x128x16xf32, #tpu.memory_space<hbm>>
      %dma_start3A_61 = tpu.memref_squeeze %dma_start3A_60 : memref<1x128x16xf32, #tpu.memory_space<hbm>> -> memref<128x16xf32, #tpu.memory_space<hbm>>
      %dma_start3A_62 = arith.constant 0 : i32
      %dma_start3A_63 = arith.constant 0 : i32
      %dma_start3A_64 = tpu.memref_slice %arg5[%dma_start3A_62, %dma_start3A_63] : memref<128x16xf32, #tpu.memory_space<vmem>> -> memref<128x16xf32, #tpu.memory_space<vmem>>
      tpu.enqueue_dma source(%dma_start3A_64 : memref<128x16xf32, #tpu.memory_space<vmem>>) target(%dma_start3A_61 : memref<128x16xf32, #tpu.memory_space<hbm>>) target_semaphore(%run_scoped3A : memref<!tpu.dma_semaphore, #tpu.memory_space<semaphore_mem>>)
      %dma_wait3A = arith.constant 0 : i32
      %dma_wait3A_65 = arith.constant 0 : i32
      %dma_wait3A_66 = tpu.memref_slice %arg5[%dma_wait3A, %dma_wait3A_65] : memref<128x16xf32, #tpu.memory_space<vmem>> -> memref<128x16xf32, #tpu.memory_space<vmem>>
      %dma_wait3A_67 = arith.constant 0 : i32
      %dma_wait3A_68 = tpu.memref_slice %arg3[%arg0, %add3A_37, %dma_wait3A_67] : memref<2x10112x16xf32, #tpu.memory_space<hbm>> -> memref<1x128x16xf32, #tpu.memory_space<hbm>>
      %dma_wait3A_69 = tpu.memref_squeeze %dma_wait3A_68 : memref<1x128x16xf32, #tpu.memory_space<hbm>> -> memref<128x16xf32, #tpu.memory_space<hbm>>
      %dma_wait3A_70 = arith.constant 0 : i32
      %dma_wait3A_71 = tpu.memref_slice %arg3[%arg0, %add3A_37, %dma_wait3A_70] : memref<2x10112x16xf32, #tpu.memory_space<hbm>> -> memref<1x128x16xf32, #tpu.memory_space<hbm>>
      %dma_wait3A_72 = tpu.memref_squeeze %dma_wait3A_71 : memref<1x128x16xf32, #tpu.memory_space<hbm>> -> memref<128x16xf32, #tpu.memory_space<hbm>>
      %dma_wait3A_73 = arith.constant 0 : i32
      %dma_wait3A_74 = arith.constant 0 : i32
      %dma_wait3A_75 = tpu.memref_slice %arg5[%dma_wait3A_73, %dma_wait3A_74] : memref<128x16xf32, #tpu.memory_space<vmem>> -> memref<128x16xf32, #tpu.memory_space<vmem>>
      tpu.wait_dma2 semaphore(%run_scoped3A : memref<!tpu.dma_semaphore, #tpu.memory_space<semaphore_mem>>) src(%dma_wait3A_75 : memref<128x16xf32, #tpu.memory_space<vmem>>) dst(%dma_wait3A_72 : memref<128x16xf32, #tpu.memory_space<hbm>>)
      tpu.yield
    }) : () -> ()
    %add3A_38 = arith.constant 128 : i32
    %add3A_39 = arith.addi %mul3A_2, %add3A_38 : i32
    "tpu.region"() ({
      %run_scoped3A = tpu.sem_alloc : memref<!tpu.dma_semaphore, #tpu.memory_space<semaphore_mem>>
      %dma_start3A = arith.constant 0 : i32
      %dma_start3A_54 = arith.constant 0 : i32
      %dma_start3A_55 = tpu.memref_slice %arg5[%dma_start3A, %dma_start3A_54] : memref<128x16xf32, #tpu.memory_space<vmem>> -> memref<128x16xf32, #tpu.memory_space<vmem>>
      %dma_start3A_56 = arith.constant 0 : i32
      %dma_start3A_57 = tpu.memref_slice %arg6[%add3A_39, %dma_start3A_56] : memref<10112x16xf32, #tpu.memory_space<vmem_shared>> -> memref<128x16xf32, #tpu.memory_space<vmem_shared>>
      %dma_start3A_58 = arith.constant 0 : i32
      %dma_start3A_59 = arith.constant 0 : i32
      %dma_start3A_60 = tpu.memref_slice %arg5[%dma_start3A_58, %dma_start3A_59] : memref<128x16xf32, #tpu.memory_space<vmem>> -> memref<128x16xf32, #tpu.memory_space<vmem>>
      %dma_start3A_61 = arith.constant 0 : i32
      %dma_start3A_62 = tpu.memref_slice %arg6[%add3A_39, %dma_start3A_61] : memref<10112x16xf32, #tpu.memory_space<vmem_shared>> -> memref<128x16xf32, #tpu.memory_space<vmem_shared>>
      tpu.enqueue_dma source(%dma_start3A_62 : memref<128x16xf32, #tpu.memory_space<vmem_shared>>) target(%dma_start3A_60 : memref<128x16xf32, #tpu.memory_space<vmem>>) target_semaphore(%run_scoped3A : memref<!tpu.dma_semaphore, #tpu.memory_space<semaphore_mem>>)
      %dma_wait3A = arith.constant 0 : i32
      %dma_wait3A_63 = arith.constant 0 : i32
      %dma_wait3A_64 = tpu.memref_slice %arg5[%dma_wait3A, %dma_wait3A_63] : memref<128x16xf32, #tpu.memory_space<vmem>> -> memref<128x16xf32, #tpu.memory_space<vmem>>
      %dma_wait3A_65 = arith.constant 0 : i32
      %dma_wait3A_66 = tpu.memref_slice %arg6[%add3A_39, %dma_wait3A_65] : memref<10112x16xf32, #tpu.memory_space<vmem_shared>> -> memref<128x16xf32, #tpu.memory_space<vmem_shared>>
      %dma_wait3A_67 = arith.constant 0 : i32
      %dma_wait3A_68 = arith.constant 0 : i32
      %dma_wait3A_69 = tpu.memref_slice %arg5[%dma_wait3A_67, %dma_wait3A_68] : memref<128x16xf32, #tpu.memory_space<vmem>> -> memref<128x16xf32, #tpu.memory_space<vmem>>
      %dma_wait3A_70 = arith.constant 0 : i32
      %dma_wait3A_71 = tpu.memref_slice %arg6[%add3A_39, %dma_wait3A_70] : memref<10112x16xf32, #tpu.memory_space<vmem_shared>> -> memref<128x16xf32, #tpu.memory_space<vmem_shared>>
      tpu.wait_dma2 semaphore(%run_scoped3A : memref<!tpu.dma_semaphore, #tpu.memory_space<semaphore_mem>>) src(%dma_wait3A_71 : memref<128x16xf32, #tpu.memory_space<vmem_shared>>) dst(%dma_wait3A_69 : memref<128x16xf32, #tpu.memory_space<vmem>>)
      tpu.yield
    }) : () -> ()
    %add3A_40 = arith.constant 128 : i32
    %add3A_41 = arith.addi %mul3A_2, %add3A_40 : i32
    "tpu.region"() ({
      %run_scoped3A = tpu.sem_alloc : memref<!tpu.dma_semaphore, #tpu.memory_space<semaphore_mem>>
      %dma_start3A = arith.constant 0 : i32
      %dma_start3A_54 = arith.constant 0 : i32
      %dma_start3A_55 = tpu.memref_slice %arg5[%dma_start3A, %dma_start3A_54] : memref<128x16xf32, #tpu.memory_space<vmem>> -> memref<128x16xf32, #tpu.memory_space<vmem>>
      %dma_start3A_56 = arith.constant 0 : i32
      %dma_start3A_57 = tpu.memref_slice %arg3[%arg0, %add3A_41, %dma_start3A_56] : memref<2x10112x16xf32, #tpu.memory_space<hbm>> -> memref<1x128x16xf32, #tpu.memory_space<hbm>>
      %dma_start3A_58 = tpu.memref_squeeze %dma_start3A_57 : memref<1x128x16xf32, #tpu.memory_space<hbm>> -> memref<128x16xf32, #tpu.memory_space<hbm>>
      %dma_start3A_59 = arith.constant 0 : i32
      %dma_start3A_60 = tpu.memref_slice %arg3[%arg0, %add3A_41, %dma_start3A_59] : memref<2x10112x16xf32, #tpu.memory_space<hbm>> -> memref<1x128x16xf32, #tpu.memory_space<hbm>>
      %dma_start3A_61 = tpu.memref_squeeze %dma_start3A_60 : memref<1x128x16xf32, #tpu.memory_space<hbm>> -> memref<128x16xf32, #tpu.memory_space<hbm>>
      %dma_start3A_62 = arith.constant 0 : i32
      %dma_start3A_63 = arith.constant 0 : i32
      %dma_start3A_64 = tpu.memref_slice %arg5[%dma_start3A_62, %dma_start3A_63] : memref<128x16xf32, #tpu.memory_space<vmem>> -> memref<128x16xf32, #tpu.memory_space<vmem>>
      tpu.enqueue_dma source(%dma_start3A_64 : memref<128x16xf32, #tpu.memory_space<vmem>>) target(%dma_start3A_61 : memref<128x16xf32, #tpu.memory_space<hbm>>) target_semaphore(%run_scoped3A : memref<!tpu.dma_semaphore, #tpu.memory_space<semaphore_mem>>)
      %dma_wait3A = arith.constant 0 : i32
      %dma_wait3A_65 = arith.constant 0 : i32
      %dma_wait3A_66 = tpu.memref_slice %arg5[%dma_wait3A, %dma_wait3A_65] : memref<128x16xf32, #tpu.memory_space<vmem>> -> memref<128x16xf32, #tpu.memory_space<vmem>>
      %dma_wait3A_67 = arith.constant 0 : i32
      %dma_wait3A_68 = tpu.memref_slice %arg3[%arg0, %add3A_41, %dma_wait3A_67] : memref<2x10112x16xf32, #tpu.memory_space<hbm>> -> memref<1x128x16xf32, #tpu.memory_space<hbm>>
      %dma_wait3A_69 = tpu.memref_squeeze %dma_wait3A_68 : memref<1x128x16xf32, #tpu.memory_space<hbm>> -> memref<128x16xf32, #tpu.memory_space<hbm>>
      %dma_wait3A_70 = arith.constant 0 : i32
      %dma_wait3A_71 = tpu.memref_slice %arg3[%arg0, %add3A_41, %dma_wait3A_70] : memref<2x10112x16xf32, #tpu.memory_space<hbm>> -> memref<1x128x16xf32, #tpu.memory_space<hbm>>
      %dma_wait3A_72 = tpu.memref_squeeze %dma_wait3A_71 : memref<1x128x16xf32, #tpu.memory_space<hbm>> -> memref<128x16xf32, #tpu.memory_space<hbm>>
      %dma_wait3A_73 = arith.constant 0 : i32
      %dma_wait3A_74 = arith.constant 0 : i32
      %dma_wait3A_75 = tpu.memref_slice %arg5[%dma_wait3A_73, %dma_wait3A_74] : memref<128x16xf32, #tpu.memory_space<vmem>> -> memref<128x16xf32, #tpu.memory_space<vmem>>
      tpu.wait_dma2 semaphore(%run_scoped3A : memref<!tpu.dma_semaphore, #tpu.memory_space<semaphore_mem>>) src(%dma_wait3A_75 : memref<128x16xf32, #tpu.memory_space<vmem>>) dst(%dma_wait3A_72 : memref<128x16xf32, #tpu.memory_space<hbm>>)
      tpu.yield
    }) : () -> ()
    %add3A_42 = arith.constant 256 : i32
    %add3A_43 = arith.addi %mul3A_2, %add3A_42 : i32
    "tpu.region"() ({
      %run_scoped3A = tpu.sem_alloc : memref<!tpu.dma_semaphore, #tpu.memory_space<semaphore_mem>>
      %dma_start3A = arith.constant 0 : i32
      %dma_start3A_54 = arith.constant 0 : i32
      %dma_start3A_55 = tpu.memref_slice %arg5[%dma_start3A, %dma_start3A_54] : memref<128x16xf32, #tpu.memory_space<vmem>> -> memref<128x16xf32, #tpu.memory_space<vmem>>
      %dma_start3A_56 = arith.constant 0 : i32
      %dma_start3A_57 = tpu.memref_slice %arg6[%add3A_43, %dma_start3A_56] : memref<10112x16xf32, #tpu.memory_space<vmem_shared>> -> memref<128x16xf32, #tpu.memory_space<vmem_shared>>
      %dma_start3A_58 = arith.constant 0 : i32
      %dma_start3A_59 = arith.constant 0 : i32
      %dma_start3A_60 = tpu.memref_slice %arg5[%dma_start3A_58, %dma_start3A_59] : memref<128x16xf32, #tpu.memory_space<vmem>> -> memref<128x16xf32, #tpu.memory_space<vmem>>
      %dma_start3A_61 = arith.constant 0 : i32
      %dma_start3A_62 = tpu.memref_slice %arg6[%add3A_43, %dma_start3A_61] : memref<10112x16xf32, #tpu.memory_space<vmem_shared>> -> memref<128x16xf32, #tpu.memory_space<vmem_shared>>
      tpu.enqueue_dma source(%dma_start3A_62 : memref<128x16xf32, #tpu.memory_space<vmem_shared>>) target(%dma_start3A_60 : memref<128x16xf32, #tpu.memory_space<vmem>>) target_semaphore(%run_scoped3A : memref<!tpu.dma_semaphore, #tpu.memory_space<semaphore_mem>>)
      %dma_wait3A = arith.constant 0 : i32
      %dma_wait3A_63 = arith.constant 0 : i32
      %dma_wait3A_64 = tpu.memref_slice %arg5[%dma_wait3A, %dma_wait3A_63] : memref<128x16xf32, #tpu.memory_space<vmem>> -> memref<128x16xf32, #tpu.memory_space<vmem>>
      %dma_wait3A_65 = arith.constant 0 : i32
      %dma_wait3A_66 = tpu.memref_slice %arg6[%add3A_43, %dma_wait3A_65] : memref<10112x16xf32, #tpu.memory_space<vmem_shared>> -> memref<128x16xf32, #tpu.memory_space<vmem_shared>>
      %dma_wait3A_67 = arith.constant 0 : i32
      %dma_wait3A_68 = arith.constant 0 : i32
      %dma_wait3A_69 = tpu.memref_slice %arg5[%dma_wait3A_67, %dma_wait3A_68] : memref<128x16xf32, #tpu.memory_space<vmem>> -> memref<128x16xf32, #tpu.memory_space<vmem>>
      %dma_wait3A_70 = arith.constant 0 : i32
      %dma_wait3A_71 = tpu.memref_slice %arg6[%add3A_43, %dma_wait3A_70] : memref<10112x16xf32, #tpu.memory_space<vmem_shared>> -> memref<128x16xf32, #tpu.memory_space<vmem_shared>>
      tpu.wait_dma2 semaphore(%run_scoped3A : memref<!tpu.dma_semaphore, #tpu.memory_space<semaphore_mem>>) src(%dma_wait3A_71 : memref<128x16xf32, #tpu.memory_space<vmem_shared>>) dst(%dma_wait3A_69 : memref<128x16xf32, #tpu.memory_space<vmem>>)
      tpu.yield
    }) : () -> ()
    %add3A_44 = arith.constant 256 : i32
    %add3A_45 = arith.addi %mul3A_2, %add3A_44 : i32
    "tpu.region"() ({
      %run_scoped3A = tpu.sem_alloc : memref<!tpu.dma_semaphore, #tpu.memory_space<semaphore_mem>>
      %dma_start3A = arith.constant 0 : i32
      %dma_start3A_54 = arith.constant 0 : i32
      %dma_start3A_55 = tpu.memref_slice %arg5[%dma_start3A, %dma_start3A_54] : memref<128x16xf32, #tpu.memory_space<vmem>> -> memref<128x16xf32, #tpu.memory_space<vmem>>
      %dma_start3A_56 = arith.constant 0 : i32
      %dma_start3A_57 = tpu.memref_slice %arg3[%arg0, %add3A_45, %dma_start3A_56] : memref<2x10112x16xf32, #tpu.memory_space<hbm>> -> memref<1x128x16xf32, #tpu.memory_space<hbm>>
      %dma_start3A_58 = tpu.memref_squeeze %dma_start3A_57 : memref<1x128x16xf32, #tpu.memory_space<hbm>> -> memref<128x16xf32, #tpu.memory_space<hbm>>
      %dma_start3A_59 = arith.constant 0 : i32
      %dma_start3A_60 = tpu.memref_slice %arg3[%arg0, %add3A_45, %dma_start3A_59] : memref<2x10112x16xf32, #tpu.memory_space<hbm>> -> memref<1x128x16xf32, #tpu.memory_space<hbm>>
      %dma_start3A_61 = tpu.memref_squeeze %dma_start3A_60 : memref<1x128x16xf32, #tpu.memory_space<hbm>> -> memref<128x16xf32, #tpu.memory_space<hbm>>
      %dma_start3A_62 = arith.constant 0 : i32
      %dma_start3A_63 = arith.constant 0 : i32
      %dma_start3A_64 = tpu.memref_slice %arg5[%dma_start3A_62, %dma_start3A_63] : memref<128x16xf32, #tpu.memory_space<vmem>> -> memref<128x16xf32, #tpu.memory_space<vmem>>
      tpu.enqueue_dma source(%dma_start3A_64 : memref<128x16xf32, #tpu.memory_space<vmem>>) target(%dma_start3A_61 : memref<128x16xf32, #tpu.memory_space<hbm>>) target_semaphore(%run_scoped3A : memref<!tpu.dma_semaphore, #tpu.memory_space<semaphore_mem>>)
      %dma_wait3A = arith.constant 0 : i32
      %dma_wait3A_65 = arith.constant 0 : i32
      %dma_wait3A_66 = tpu.memref_slice %arg5[%dma_wait3A, %dma_wait3A_65] : memref<128x16xf32, #tpu.memory_space<vmem>> -> memref<128x16xf32, #tpu.memory_space<vmem>>
      %dma_wait3A_67 = arith.constant 0 : i32
      %dma_wait3A_68 = tpu.memref_slice %arg3[%arg0, %add3A_45, %dma_wait3A_67] : memref<2x10112x16xf32, #tpu.memory_space<hbm>> -> memref<1x128x16xf32, #tpu.memory_space<hbm>>
      %dma_wait3A_69 = tpu.memref_squeeze %dma_wait3A_68 : memref<1x128x16xf32, #tpu.memory_space<hbm>> -> memref<128x16xf32, #tpu.memory_space<hbm>>
      %dma_wait3A_70 = arith.constant 0 : i32
      %dma_wait3A_71 = tpu.memref_slice %arg3[%arg0, %add3A_45, %dma_wait3A_70] : memref<2x10112x16xf32, #tpu.memory_space<hbm>> -> memref<1x128x16xf32, #tpu.memory_space<hbm>>
      %dma_wait3A_72 = tpu.memref_squeeze %dma_wait3A_71 : memref<1x128x16xf32, #tpu.memory_space<hbm>> -> memref<128x16xf32, #tpu.memory_space<hbm>>
      %dma_wait3A_73 = arith.constant 0 : i32
      %dma_wait3A_74 = arith.constant 0 : i32
      %dma_wait3A_75 = tpu.memref_slice %arg5[%dma_wait3A_73, %dma_wait3A_74] : memref<128x16xf32, #tpu.memory_space<vmem>> -> memref<128x16xf32, #tpu.memory_space<vmem>>
      tpu.wait_dma2 semaphore(%run_scoped3A : memref<!tpu.dma_semaphore, #tpu.memory_space<semaphore_mem>>) src(%dma_wait3A_75 : memref<128x16xf32, #tpu.memory_space<vmem>>) dst(%dma_wait3A_72 : memref<128x16xf32, #tpu.memory_space<hbm>>)
      tpu.yield
    }) : () -> ()
    %add3A_46 = arith.constant 384 : i32
    %add3A_47 = arith.addi %mul3A_2, %add3A_46 : i32
    "tpu.region"() ({
      %run_scoped3A = tpu.sem_alloc : memref<!tpu.dma_semaphore, #tpu.memory_space<semaphore_mem>>
      %dma_start3A = arith.constant 0 : i32
      %dma_start3A_54 = arith.constant 0 : i32
      %dma_start3A_55 = tpu.memref_slice %arg5[%dma_start3A, %dma_start3A_54] : memref<128x16xf32, #tpu.memory_space<vmem>> -> memref<128x16xf32, #tpu.memory_space<vmem>>
      %dma_start3A_56 = arith.constant 0 : i32
      %dma_start3A_57 = tpu.memref_slice %arg6[%add3A_47, %dma_start3A_56] : memref<10112x16xf32, #tpu.memory_space<vmem_shared>> -> memref<128x16xf32, #tpu.memory_space<vmem_shared>>
      %dma_start3A_58 = arith.constant 0 : i32
      %dma_start3A_59 = arith.constant 0 : i32
      %dma_start3A_60 = tpu.memref_slice %arg5[%dma_start3A_58, %dma_start3A_59] : memref<128x16xf32, #tpu.memory_space<vmem>> -> memref<128x16xf32, #tpu.memory_space<vmem>>
      %dma_start3A_61 = arith.constant 0 : i32
      %dma_start3A_62 = tpu.memref_slice %arg6[%add3A_47, %dma_start3A_61] : memref<10112x16xf32, #tpu.memory_space<vmem_shared>> -> memref<128x16xf32, #tpu.memory_space<vmem_shared>>
      tpu.enqueue_dma source(%dma_start3A_62 : memref<128x16xf32, #tpu.memory_space<vmem_shared>>) target(%dma_start3A_60 : memref<128x16xf32, #tpu.memory_space<vmem>>) target_semaphore(%run_scoped3A : memref<!tpu.dma_semaphore, #tpu.memory_space<semaphore_mem>>)
      %dma_wait3A = arith.constant 0 : i32
      %dma_wait3A_63 = arith.constant 0 : i32
      %dma_wait3A_64 = tpu.memref_slice %arg5[%dma_wait3A, %dma_wait3A_63] : memref<128x16xf32, #tpu.memory_space<vmem>> -> memref<128x16xf32, #tpu.memory_space<vmem>>
      %dma_wait3A_65 = arith.constant 0 : i32
      %dma_wait3A_66 = tpu.memref_slice %arg6[%add3A_47, %dma_wait3A_65] : memref<10112x16xf32, #tpu.memory_space<vmem_shared>> -> memref<128x16xf32, #tpu.memory_space<vmem_shared>>
      %dma_wait3A_67 = arith.constant 0 : i32
      %dma_wait3A_68 = arith.constant 0 : i32
      %dma_wait3A_69 = tpu.memref_slice %arg5[%dma_wait3A_67, %dma_wait3A_68] : memref<128x16xf32, #tpu.memory_space<vmem>> -> memref<128x16xf32, #tpu.memory_space<vmem>>
      %dma_wait3A_70 = arith.constant 0 : i32
      %dma_wait3A_71 = tpu.memref_slice %arg6[%add3A_47, %dma_wait3A_70] : memref<10112x16xf32, #tpu.memory_space<vmem_shared>> -> memref<128x16xf32, #tpu.memory_space<vmem_shared>>
      tpu.wait_dma2 semaphore(%run_scoped3A : memref<!tpu.dma_semaphore, #tpu.memory_space<semaphore_mem>>) src(%dma_wait3A_71 : memref<128x16xf32, #tpu.memory_space<vmem_shared>>) dst(%dma_wait3A_69 : memref<128x16xf32, #tpu.memory_space<vmem>>)
      tpu.yield
    }) : () -> ()
    %add3A_48 = arith.constant 384 : i32
    %add3A_49 = arith.addi %mul3A_2, %add3A_48 : i32
    "tpu.region"() ({
      %run_scoped3A = tpu.sem_alloc : memref<!tpu.dma_semaphore, #tpu.memory_space<semaphore_mem>>
      %dma_start3A = arith.constant 0 : i32
      %dma_start3A_54 = arith.constant 0 : i32
      %dma_start3A_55 = tpu.memref_slice %arg5[%dma_start3A, %dma_start3A_54] : memref<128x16xf32, #tpu.memory_space<vmem>> -> memref<128x16xf32, #tpu.memory_space<vmem>>
      %dma_start3A_56 = arith.constant 0 : i32
      %dma_start3A_57 = tpu.memref_slice %arg3[%arg0, %add3A_49, %dma_start3A_56] : memref<2x10112x16xf32, #tpu.memory_space<hbm>> -> memref<1x128x16xf32, #tpu.memory_space<hbm>>
      %dma_start3A_58 = tpu.memref_squeeze %dma_start3A_57 : memref<1x128x16xf32, #tpu.memory_space<hbm>> -> memref<128x16xf32, #tpu.memory_space<hbm>>
      %dma_start3A_59 = arith.constant 0 : i32
      %dma_start3A_60 = tpu.memref_slice %arg3[%arg0, %add3A_49, %dma_start3A_59] : memref<2x10112x16xf32, #tpu.memory_space<hbm>> -> memref<1x128x16xf32, #tpu.memory_space<hbm>>
      %dma_start3A_61 = tpu.memref_squeeze %dma_start3A_60 : memref<1x128x16xf32, #tpu.memory_space<hbm>> -> memref<128x16xf32, #tpu.memory_space<hbm>>
      %dma_start3A_62 = arith.constant 0 : i32
      %dma_start3A_63 = arith.constant 0 : i32
      %dma_start3A_64 = tpu.memref_slice %arg5[%dma_start3A_62, %dma_start3A_63] : memref<128x16xf32, #tpu.memory_space<vmem>> -> memref<128x16xf32, #tpu.memory_space<vmem>>
      tpu.enqueue_dma source(%dma_start3A_64 : memref<128x16xf32, #tpu.memory_space<vmem>>) target(%dma_start3A_61 : memref<128x16xf32, #tpu.memory_space<hbm>>) target_semaphore(%run_scoped3A : memref<!tpu.dma_semaphore, #tpu.memory_space<semaphore_mem>>)
      %dma_wait3A = arith.constant 0 : i32
      %dma_wait3A_65 = arith.constant 0 : i32
      %dma_wait3A_66 = tpu.memref_slice %arg5[%dma_wait3A, %dma_wait3A_65] : memref<128x16xf32, #tpu.memory_space<vmem>> -> memref<128x16xf32, #tpu.memory_space<vmem>>
      %dma_wait3A_67 = arith.constant 0 : i32
      %dma_wait3A_68 = tpu.memref_slice %arg3[%arg0, %add3A_49, %dma_wait3A_67] : memref<2x10112x16xf32, #tpu.memory_space<hbm>> -> memref<1x128x16xf32, #tpu.memory_space<hbm>>
      %dma_wait3A_69 = tpu.memref_squeeze %dma_wait3A_68 : memref<1x128x16xf32, #tpu.memory_space<hbm>> -> memref<128x16xf32, #tpu.memory_space<hbm>>
      %dma_wait3A_70 = arith.constant 0 : i32
      %dma_wait3A_71 = tpu.memref_slice %arg3[%arg0, %add3A_49, %dma_wait3A_70] : memref<2x10112x16xf32, #tpu.memory_space<hbm>> -> memref<1x128x16xf32, #tpu.memory_space<hbm>>
      %dma_wait3A_72 = tpu.memref_squeeze %dma_wait3A_71 : memref<1x128x16xf32, #tpu.memory_space<hbm>> -> memref<128x16xf32, #tpu.memory_space<hbm>>
      %dma_wait3A_73 = arith.constant 0 : i32
      %dma_wait3A_74 = arith.constant 0 : i32
      %dma_wait3A_75 = tpu.memref_slice %arg5[%dma_wait3A_73, %dma_wait3A_74] : memref<128x16xf32, #tpu.memory_space<vmem>> -> memref<128x16xf32, #tpu.memory_space<vmem>>
      tpu.wait_dma2 semaphore(%run_scoped3A : memref<!tpu.dma_semaphore, #tpu.memory_space<semaphore_mem>>) src(%dma_wait3A_75 : memref<128x16xf32, #tpu.memory_space<vmem>>) dst(%dma_wait3A_72 : memref<128x16xf32, #tpu.memory_space<hbm>>)
      tpu.yield
    }) : () -> ()
    %add3A_50 = arith.constant 512 : i32
    %add3A_51 = arith.addi %mul3A_2, %add3A_50 : i32
    "tpu.region"() ({
      %run_scoped3A = tpu.sem_alloc : memref<!tpu.dma_semaphore, #tpu.memory_space<semaphore_mem>>
      %dma_start3A = arith.constant 0 : i32
      %dma_start3A_54 = arith.constant 0 : i32
      %dma_start3A_55 = tpu.memref_slice %arg5[%dma_start3A, %dma_start3A_54] : memref<128x16xf32, #tpu.memory_space<vmem>> -> memref<120x16xf32, #tpu.memory_space<vmem>>
      %dma_start3A_56 = arith.constant 0 : i32
      %dma_start3A_57 = tpu.memref_slice %arg6[%add3A_51, %dma_start3A_56] : memref<10112x16xf32, #tpu.memory_space<vmem_shared>> -> memref<120x16xf32, #tpu.memory_space<vmem_shared>>
      %dma_start3A_58 = arith.constant 0 : i32
      %dma_start3A_59 = arith.constant 0 : i32
      %dma_start3A_60 = tpu.memref_slice %arg5[%dma_start3A_58, %dma_start3A_59] : memref<128x16xf32, #tpu.memory_space<vmem>> -> memref<120x16xf32, #tpu.memory_space<vmem>>
      %dma_start3A_61 = arith.constant 0 : i32
      %dma_start3A_62 = tpu.memref_slice %arg6[%add3A_51, %dma_start3A_61] : memref<10112x16xf32, #tpu.memory_space<vmem_shared>> -> memref<120x16xf32, #tpu.memory_space<vmem_shared>>
      tpu.enqueue_dma source(%dma_start3A_62 : memref<120x16xf32, #tpu.memory_space<vmem_shared>>) target(%dma_start3A_60 : memref<120x16xf32, #tpu.memory_space<vmem>>) target_semaphore(%run_scoped3A : memref<!tpu.dma_semaphore, #tpu.memory_space<semaphore_mem>>)
      %dma_wait3A = arith.constant 0 : i32
      %dma_wait3A_63 = arith.constant 0 : i32
      %dma_wait3A_64 = tpu.memref_slice %arg5[%dma_wait3A, %dma_wait3A_63] : memref<128x16xf32, #tpu.memory_space<vmem>> -> memref<120x16xf32, #tpu.memory_space<vmem>>
      %dma_wait3A_65 = arith.constant 0 : i32
      %dma_wait3A_66 = tpu.memref_slice %arg6[%add3A_51, %dma_wait3A_65] : memref<10112x16xf32, #tpu.memory_space<vmem_shared>> -> memref<120x16xf32, #tpu.memory_space<vmem_shared>>
      %dma_wait3A_67 = arith.constant 0 : i32
      %dma_wait3A_68 = arith.constant 0 : i32
      %dma_wait3A_69 = tpu.memref_slice %arg5[%dma_wait3A_67, %dma_wait3A_68] : memref<128x16xf32, #tpu.memory_space<vmem>> -> memref<120x16xf32, #tpu.memory_space<vmem>>
      %dma_wait3A_70 = arith.constant 0 : i32
      %dma_wait3A_71 = tpu.memref_slice %arg6[%add3A_51, %dma_wait3A_70] : memref<10112x16xf32, #tpu.memory_space<vmem_shared>> -> memref<120x16xf32, #tpu.memory_space<vmem_shared>>
      tpu.wait_dma2 semaphore(%run_scoped3A : memref<!tpu.dma_semaphore, #tpu.memory_space<semaphore_mem>>) src(%dma_wait3A_71 : memref<120x16xf32, #tpu.memory_space<vmem_shared>>) dst(%dma_wait3A_69 : memref<120x16xf32, #tpu.memory_space<vmem>>)
      tpu.yield
    }) : () -> ()
    %add3A_52 = arith.constant 512 : i32
    %add3A_53 = arith.addi %mul3A_2, %add3A_52 : i32
    "tpu.region"() ({
      %run_scoped3A = tpu.sem_alloc : memref<!tpu.dma_semaphore, #tpu.memory_space<semaphore_mem>>
      %dma_start3A = arith.constant 0 : i32
      %dma_start3A_54 = arith.constant 0 : i32
      %dma_start3A_55 = tpu.memref_slice %arg5[%dma_start3A, %dma_start3A_54] : memref<128x16xf32, #tpu.memory_space<vmem>> -> memref<120x16xf32, #tpu.memory_space<vmem>>
      %dma_start3A_56 = arith.constant 0 : i32
      %dma_start3A_57 = tpu.memref_slice %arg3[%arg0, %add3A_53, %dma_start3A_56] : memref<2x10112x16xf32, #tpu.memory_space<hbm>> -> memref<1x120x16xf32, #tpu.memory_space<hbm>>
      %dma_start3A_58 = tpu.memref_squeeze %dma_start3A_57 : memref<1x120x16xf32, #tpu.memory_space<hbm>> -> memref<120x16xf32, #tpu.memory_space<hbm>>
      %dma_start3A_59 = arith.constant 0 : i32
      %dma_start3A_60 = tpu.memref_slice %arg3[%arg0, %add3A_53, %dma_start3A_59] : memref<2x10112x16xf32, #tpu.memory_space<hbm>> -> memref<1x120x16xf32, #tpu.memory_space<hbm>>
      %dma_start3A_61 = tpu.memref_squeeze %dma_start3A_60 : memref<1x120x16xf32, #tpu.memory_space<hbm>> -> memref<120x16xf32, #tpu.memory_space<hbm>>
      %dma_start3A_62 = arith.constant 0 : i32
      %dma_start3A_63 = arith.constant 0 : i32
      %dma_start3A_64 = tpu.memref_slice %arg5[%dma_start3A_62, %dma_start3A_63] : memref<128x16xf32, #tpu.memory_space<vmem>> -> memref<120x16xf32, #tpu.memory_space<vmem>>
      tpu.enqueue_dma source(%dma_start3A_64 : memref<120x16xf32, #tpu.memory_space<vmem>>) target(%dma_start3A_61 : memref<120x16xf32, #tpu.memory_space<hbm>>) target_semaphore(%run_scoped3A : memref<!tpu.dma_semaphore, #tpu.memory_space<semaphore_mem>>)
      %dma_wait3A = arith.constant 0 : i32
      %dma_wait3A_65 = arith.constant 0 : i32
      %dma_wait3A_66 = tpu.memref_slice %arg5[%dma_wait3A, %dma_wait3A_65] : memref<128x16xf32, #tpu.memory_space<vmem>> -> memref<120x16xf32, #tpu.memory_space<vmem>>
      %dma_wait3A_67 = arith.constant 0 : i32
      %dma_wait3A_68 = tpu.memref_slice %arg3[%arg0, %add3A_53, %dma_wait3A_67] : memref<2x10112x16xf32, #tpu.memory_space<hbm>> -> memref<1x120x16xf32, #tpu.memory_space<hbm>>
      %dma_wait3A_69 = tpu.memref_squeeze %dma_wait3A_68 : memref<1x120x16xf32, #tpu.memory_space<hbm>> -> memref<120x16xf32, #tpu.memory_space<hbm>>
      %dma_wait3A_70 = arith.constant 0 : i32
      %dma_wait3A_71 = tpu.memref_slice %arg3[%arg0, %add3A_53, %dma_wait3A_70] : memref<2x10112x16xf32, #tpu.memory_space<hbm>> -> memref<1x120x16xf32, #tpu.memory_space<hbm>>
      %dma_wait3A_72 = tpu.memref_squeeze %dma_wait3A_71 : memref<1x120x16xf32, #tpu.memory_space<hbm>> -> memref<120x16xf32, #tpu.memory_space<hbm>>
      %dma_wait3A_73 = arith.constant 0 : i32
      %dma_wait3A_74 = arith.constant 0 : i32
      %dma_wait3A_75 = tpu.memref_slice %arg5[%dma_wait3A_73, %dma_wait3A_74] : memref<128x16xf32, #tpu.memory_space<vmem>> -> memref<120x16xf32, #tpu.memory_space<vmem>>
      tpu.wait_dma2 semaphore(%run_scoped3A : memref<!tpu.dma_semaphore, #tpu.memory_space<semaphore_mem>>) src(%dma_wait3A_75 : memref<120x16xf32, #tpu.memory_space<vmem>>) dst(%dma_wait3A_72 : memref<120x16xf32, #tpu.memory_space<hbm>>)
      tpu.yield
    }) : () -> ()
    return
  }
}

#map = affine_map<(d0, d1) -> (0, 0)>
#map1 = affine_map<(d0, d1) -> (0)>
#map2 = affine_map<(d0, d1) -> (0, 0, 0)>
module attributes {stable_mosaic.version = 14 : i64} {
  func.func @spmm_kernel(%arg0: i32, %arg1: i32, %arg2: memref<10000x128xf32, #tpu.memory_space<hbm>>, %arg3: memref<323584xi32, #tpu.memory_space<hbm>>, %arg4: memref<323584xi32, #tpu.memory_space<hbm>>, %arg5: memref<2x10112x128xf32, #tpu.memory_space<hbm>>, %arg6: memref<128xi32, #tpu.memory_space<vmem>>, %arg7: memref<128xi32, #tpu.memory_space<vmem>>, %arg8: memref<128x128xf32, #tpu.memory_space<vmem>>, %arg9: memref<10112x128xf32, #tpu.memory_space<vmem_shared>>, %arg10: memref<!tpu.dma_semaphore, #tpu.memory_space<semaphore_mem>>) attributes {dimension_semantics = [#tpu.dimension_semantics<core_parallel>, #tpu.dimension_semantics<subcore_parallel>], iteration_bounds = array<i64: 2, 16>, scalar_prefetch = 0 : i64, scratch_operands = 5 : i64, tpu.core_type = #tpu.core_type<sc_vector_subcore>, window_params = [{transform_indices = #map}, {transform_indices = #map1}, {transform_indices = #map1}, {transform_indices = #map2}]} {
    %mul3A = arith.constant 2 : i32
    %mul3A_0 = arith.muli %arg1, %mul3A : i32
    %add3A = arith.addi %mul3A_0, %arg0 : i32
    %mul3A_1 = arith.constant 632 : i32
    %mul3A_2 = arith.muli %arg1, %mul3A_1 : i32
    %scan3A = arith.constant 0 : i32
    %scan3A_3 = arith.constant 0 : i32
    %scan3A_4 = arith.constant 128 : i32
    %scan3A_5 = arith.addi %scan3A_3, %scan3A_4 : i32
    %scan3A_6 = arith.constant 1 : i32
    %scan3A_7 = scf.for %scan3A_47 = %scan3A_3 to %scan3A_5 step %scan3A_6 iter_args(%scan3A_48 = %scan3A) -> (i32)  : i32 {
      %broadcast_in_dim3A = arith.constant 0.000000e+00 : f32
      %broadcast_in_dim3A_49 = vector.broadcast %broadcast_in_dim3A : f32 to vector<16xf32>
      %swap3A = arith.index_cast %scan3A_47 : i32 to index
      %swap3A_50 = arith.constant 0 : index
      %swap3A_51 = tpu.vector_load %arg8[%swap3A, %swap3A_50] {strides = array<i32>} : memref<128x128xf32, #tpu.memory_space<vmem>>, vector<1x16xf32>,
      %swap3A_52 = vector.shape_cast %swap3A_51 : vector<1x16xf32> to vector<16xf32>
      %swap3A_53 = vector.shape_cast %broadcast_in_dim3A_49 : vector<16xf32> to vector<1x16xf32>
      tpu.vector_store %arg8[%swap3A, %swap3A_50], %swap3A_53 {strides = array<i32>} : memref<128x128xf32, #tpu.memory_space<vmem>>, vector<1x16xf32>,
      %broadcast_in_dim3A_54 = arith.constant 0.000000e+00 : f32
      %broadcast_in_dim3A_55 = vector.broadcast %broadcast_in_dim3A_54 : f32 to vector<16xf32>
      %swap3A_56 = arith.index_cast %scan3A_47 : i32 to index
      %swap3A_57 = arith.constant 16 : index
      %swap3A_58 = tpu.vector_load %arg8[%swap3A_56, %swap3A_57] {strides = array<i32>} : memref<128x128xf32, #tpu.memory_space<vmem>>, vector<1x16xf32>,
      %swap3A_59 = vector.shape_cast %swap3A_58 : vector<1x16xf32> to vector<16xf32>
      %swap3A_60 = vector.shape_cast %broadcast_in_dim3A_55 : vector<16xf32> to vector<1x16xf32>
      tpu.vector_store %arg8[%swap3A_56, %swap3A_57], %swap3A_60 {strides = array<i32>} : memref<128x128xf32, #tpu.memory_space<vmem>>, vector<1x16xf32>,
      %broadcast_in_dim3A_61 = arith.constant 0.000000e+00 : f32
      %broadcast_in_dim3A_62 = vector.broadcast %broadcast_in_dim3A_61 : f32 to vector<16xf32>
      %swap3A_63 = arith.index_cast %scan3A_47 : i32 to index
      %swap3A_64 = arith.constant 32 : index
      %swap3A_65 = tpu.vector_load %arg8[%swap3A_63, %swap3A_64] {strides = array<i32>} : memref<128x128xf32, #tpu.memory_space<vmem>>, vector<1x16xf32>,
      %swap3A_66 = vector.shape_cast %swap3A_65 : vector<1x16xf32> to vector<16xf32>
      %swap3A_67 = vector.shape_cast %broadcast_in_dim3A_62 : vector<16xf32> to vector<1x16xf32>
      tpu.vector_store %arg8[%swap3A_63, %swap3A_64], %swap3A_67 {strides = array<i32>} : memref<128x128xf32, #tpu.memory_space<vmem>>, vector<1x16xf32>,
      %broadcast_in_dim3A_68 = arith.constant 0.000000e+00 : f32
      %broadcast_in_dim3A_69 = vector.broadcast %broadcast_in_dim3A_68 : f32 to vector<16xf32>
      %swap3A_70 = arith.index_cast %scan3A_47 : i32 to index
      %swap3A_71 = arith.constant 48 : index
      %swap3A_72 = tpu.vector_load %arg8[%swap3A_70, %swap3A_71] {strides = array<i32>} : memref<128x128xf32, #tpu.memory_space<vmem>>, vector<1x16xf32>,
      %swap3A_73 = vector.shape_cast %swap3A_72 : vector<1x16xf32> to vector<16xf32>
      %swap3A_74 = vector.shape_cast %broadcast_in_dim3A_69 : vector<16xf32> to vector<1x16xf32>
      tpu.vector_store %arg8[%swap3A_70, %swap3A_71], %swap3A_74 {strides = array<i32>} : memref<128x128xf32, #tpu.memory_space<vmem>>, vector<1x16xf32>,
      %broadcast_in_dim3A_75 = arith.constant 0.000000e+00 : f32
      %broadcast_in_dim3A_76 = vector.broadcast %broadcast_in_dim3A_75 : f32 to vector<16xf32>
      %swap3A_77 = arith.index_cast %scan3A_47 : i32 to index
      %swap3A_78 = arith.constant 64 : index
      %swap3A_79 = tpu.vector_load %arg8[%swap3A_77, %swap3A_78] {strides = array<i32>} : memref<128x128xf32, #tpu.memory_space<vmem>>, vector<1x16xf32>,
      %swap3A_80 = vector.shape_cast %swap3A_79 : vector<1x16xf32> to vector<16xf32>
      %swap3A_81 = vector.shape_cast %broadcast_in_dim3A_76 : vector<16xf32> to vector<1x16xf32>
      tpu.vector_store %arg8[%swap3A_77, %swap3A_78], %swap3A_81 {strides = array<i32>} : memref<128x128xf32, #tpu.memory_space<vmem>>, vector<1x16xf32>,
      %broadcast_in_dim3A_82 = arith.constant 0.000000e+00 : f32
      %broadcast_in_dim3A_83 = vector.broadcast %broadcast_in_dim3A_82 : f32 to vector<16xf32>
      %swap3A_84 = arith.index_cast %scan3A_47 : i32 to index
      %swap3A_85 = arith.constant 80 : index
      %swap3A_86 = tpu.vector_load %arg8[%swap3A_84, %swap3A_85] {strides = array<i32>} : memref<128x128xf32, #tpu.memory_space<vmem>>, vector<1x16xf32>,
      %swap3A_87 = vector.shape_cast %swap3A_86 : vector<1x16xf32> to vector<16xf32>
      %swap3A_88 = vector.shape_cast %broadcast_in_dim3A_83 : vector<16xf32> to vector<1x16xf32>
      tpu.vector_store %arg8[%swap3A_84, %swap3A_85], %swap3A_88 {strides = array<i32>} : memref<128x128xf32, #tpu.memory_space<vmem>>, vector<1x16xf32>,
      %broadcast_in_dim3A_89 = arith.constant 0.000000e+00 : f32
      %broadcast_in_dim3A_90 = vector.broadcast %broadcast_in_dim3A_89 : f32 to vector<16xf32>
      %swap3A_91 = arith.index_cast %scan3A_47 : i32 to index
      %swap3A_92 = arith.constant 96 : index
      %swap3A_93 = tpu.vector_load %arg8[%swap3A_91, %swap3A_92] {strides = array<i32>} : memref<128x128xf32, #tpu.memory_space<vmem>>, vector<1x16xf32>,
      %swap3A_94 = vector.shape_cast %swap3A_93 : vector<1x16xf32> to vector<16xf32>
      %swap3A_95 = vector.shape_cast %broadcast_in_dim3A_90 : vector<16xf32> to vector<1x16xf32>
      tpu.vector_store %arg8[%swap3A_91, %swap3A_92], %swap3A_95 {strides = array<i32>} : memref<128x128xf32, #tpu.memory_space<vmem>>, vector<1x16xf32>,
      %broadcast_in_dim3A_96 = arith.constant 0.000000e+00 : f32
      %broadcast_in_dim3A_97 = vector.broadcast %broadcast_in_dim3A_96 : f32 to vector<16xf32>
      %swap3A_98 = arith.index_cast %scan3A_47 : i32 to index
      %swap3A_99 = arith.constant 112 : index
      %swap3A_100 = tpu.vector_load %arg8[%swap3A_98, %swap3A_99] {strides = array<i32>} : memref<128x128xf32, #tpu.memory_space<vmem>>, vector<1x16xf32>,
      %swap3A_101 = vector.shape_cast %swap3A_100 : vector<1x16xf32> to vector<16xf32>
      %swap3A_102 = vector.shape_cast %broadcast_in_dim3A_97 : vector<16xf32> to vector<1x16xf32>
      tpu.vector_store %arg8[%swap3A_98, %swap3A_99], %swap3A_102 {strides = array<i32>} : memref<128x128xf32, #tpu.memory_space<vmem>>, vector<1x16xf32>,
      %scan3A_103 = arith.constant 0 : i32
      scf.yield %scan3A_103 : i32
    }
    %scan3A_8 = arith.constant 128 : i32
    %add3A_9 = arith.constant 0 : i32
    %add3A_10 = arith.addi %mul3A_2, %add3A_9 : i32
    "tpu.region"() ({
      %run_scoped3A = tpu.sem_alloc : memref<!tpu.dma_semaphore, #tpu.memory_space<semaphore_mem>>
      %dma_start3A = arith.constant 0 : i32
      %dma_start3A_47 = arith.constant 0 : i32
      %dma_start3A_48 = tpu.memref_slice %arg8[%dma_start3A, %dma_start3A_47] : memref<128x128xf32, #tpu.memory_space<vmem>> -> memref<128x128xf32, #tpu.memory_space<vmem>>
      %dma_start3A_49 = arith.constant 0 : i32
      %dma_start3A_50 = tpu.memref_slice %arg9[%add3A_10, %dma_start3A_49] : memref<10112x128xf32, #tpu.memory_space<vmem_shared>> -> memref<128x128xf32, #tpu.memory_space<vmem_shared>>
      %dma_start3A_51 = arith.constant 0 : i32
      %dma_start3A_52 = tpu.memref_slice %arg9[%add3A_10, %dma_start3A_51] : memref<10112x128xf32, #tpu.memory_space<vmem_shared>> -> memref<128x128xf32, #tpu.memory_space<vmem_shared>>
      %dma_start3A_53 = arith.constant 0 : i32
      %dma_start3A_54 = arith.constant 0 : i32
      %dma_start3A_55 = tpu.memref_slice %arg8[%dma_start3A_53, %dma_start3A_54] : memref<128x128xf32, #tpu.memory_space<vmem>> -> memref<128x128xf32, #tpu.memory_space<vmem>>
      tpu.enqueue_dma source(%dma_start3A_55 : memref<128x128xf32, #tpu.memory_space<vmem>>) target(%dma_start3A_52 : memref<128x128xf32, #tpu.memory_space<vmem_shared>>) target_semaphore(%run_scoped3A : memref<!tpu.dma_semaphore, #tpu.memory_space<semaphore_mem>>)
      %dma_wait3A = arith.constant 0 : i32
      %dma_wait3A_56 = arith.constant 0 : i32
      %dma_wait3A_57 = tpu.memref_slice %arg8[%dma_wait3A, %dma_wait3A_56] : memref<128x128xf32, #tpu.memory_space<vmem>> -> memref<128x128xf32, #tpu.memory_space<vmem>>
      %dma_wait3A_58 = arith.constant 0 : i32
      %dma_wait3A_59 = tpu.memref_slice %arg9[%add3A_10, %dma_wait3A_58] : memref<10112x128xf32, #tpu.memory_space<vmem_shared>> -> memref<128x128xf32, #tpu.memory_space<vmem_shared>>
      %dma_wait3A_60 = arith.constant 0 : i32
      %dma_wait3A_61 = tpu.memref_slice %arg9[%add3A_10, %dma_wait3A_60] : memref<10112x128xf32, #tpu.memory_space<vmem_shared>> -> memref<128x128xf32, #tpu.memory_space<vmem_shared>>
      %dma_wait3A_62 = arith.constant 0 : i32
      %dma_wait3A_63 = arith.constant 0 : i32
      %dma_wait3A_64 = tpu.memref_slice %arg8[%dma_wait3A_62, %dma_wait3A_63] : memref<128x128xf32, #tpu.memory_space<vmem>> -> memref<128x128xf32, #tpu.memory_space<vmem>>
      tpu.wait_dma2 semaphore(%run_scoped3A : memref<!tpu.dma_semaphore, #tpu.memory_space<semaphore_mem>>) src(%dma_wait3A_64 : memref<128x128xf32, #tpu.memory_space<vmem>>) dst(%dma_wait3A_61 : memref<128x128xf32, #tpu.memory_space<vmem_shared>>)
      tpu.yield
    }) : () -> ()
    %add3A_11 = arith.constant 128 : i32
    %add3A_12 = arith.addi %mul3A_2, %add3A_11 : i32
    "tpu.region"() ({
      %run_scoped3A = tpu.sem_alloc : memref<!tpu.dma_semaphore, #tpu.memory_space<semaphore_mem>>
      %dma_start3A = arith.constant 0 : i32
      %dma_start3A_47 = arith.constant 0 : i32
      %dma_start3A_48 = tpu.memref_slice %arg8[%dma_start3A, %dma_start3A_47] : memref<128x128xf32, #tpu.memory_space<vmem>> -> memref<128x128xf32, #tpu.memory_space<vmem>>
      %dma_start3A_49 = arith.constant 0 : i32
      %dma_start3A_50 = tpu.memref_slice %arg9[%add3A_12, %dma_start3A_49] : memref<10112x128xf32, #tpu.memory_space<vmem_shared>> -> memref<128x128xf32, #tpu.memory_space<vmem_shared>>
      %dma_start3A_51 = arith.constant 0 : i32
      %dma_start3A_52 = tpu.memref_slice %arg9[%add3A_12, %dma_start3A_51] : memref<10112x128xf32, #tpu.memory_space<vmem_shared>> -> memref<128x128xf32, #tpu.memory_space<vmem_shared>>
      %dma_start3A_53 = arith.constant 0 : i32
      %dma_start3A_54 = arith.constant 0 : i32
      %dma_start3A_55 = tpu.memref_slice %arg8[%dma_start3A_53, %dma_start3A_54] : memref<128x128xf32, #tpu.memory_space<vmem>> -> memref<128x128xf32, #tpu.memory_space<vmem>>
      tpu.enqueue_dma source(%dma_start3A_55 : memref<128x128xf32, #tpu.memory_space<vmem>>) target(%dma_start3A_52 : memref<128x128xf32, #tpu.memory_space<vmem_shared>>) target_semaphore(%run_scoped3A : memref<!tpu.dma_semaphore, #tpu.memory_space<semaphore_mem>>)
      %dma_wait3A = arith.constant 0 : i32
      %dma_wait3A_56 = arith.constant 0 : i32
      %dma_wait3A_57 = tpu.memref_slice %arg8[%dma_wait3A, %dma_wait3A_56] : memref<128x128xf32, #tpu.memory_space<vmem>> -> memref<128x128xf32, #tpu.memory_space<vmem>>
      %dma_wait3A_58 = arith.constant 0 : i32
      %dma_wait3A_59 = tpu.memref_slice %arg9[%add3A_12, %dma_wait3A_58] : memref<10112x128xf32, #tpu.memory_space<vmem_shared>> -> memref<128x128xf32, #tpu.memory_space<vmem_shared>>
      %dma_wait3A_60 = arith.constant 0 : i32
      %dma_wait3A_61 = tpu.memref_slice %arg9[%add3A_12, %dma_wait3A_60] : memref<10112x128xf32, #tpu.memory_space<vmem_shared>> -> memref<128x128xf32, #tpu.memory_space<vmem_shared>>
      %dma_wait3A_62 = arith.constant 0 : i32
      %dma_wait3A_63 = arith.constant 0 : i32
      %dma_wait3A_64 = tpu.memref_slice %arg8[%dma_wait3A_62, %dma_wait3A_63] : memref<128x128xf32, #tpu.memory_space<vmem>> -> memref<128x128xf32, #tpu.memory_space<vmem>>
      tpu.wait_dma2 semaphore(%run_scoped3A : memref<!tpu.dma_semaphore, #tpu.memory_space<semaphore_mem>>) src(%dma_wait3A_64 : memref<128x128xf32, #tpu.memory_space<vmem>>) dst(%dma_wait3A_61 : memref<128x128xf32, #tpu.memory_space<vmem_shared>>)
      tpu.yield
    }) : () -> ()
    %add3A_13 = arith.constant 256 : i32
    %add3A_14 = arith.addi %mul3A_2, %add3A_13 : i32
    "tpu.region"() ({
      %run_scoped3A = tpu.sem_alloc : memref<!tpu.dma_semaphore, #tpu.memory_space<semaphore_mem>>
      %dma_start3A = arith.constant 0 : i32
      %dma_start3A_47 = arith.constant 0 : i32
      %dma_start3A_48 = tpu.memref_slice %arg8[%dma_start3A, %dma_start3A_47] : memref<128x128xf32, #tpu.memory_space<vmem>> -> memref<128x128xf32, #tpu.memory_space<vmem>>
      %dma_start3A_49 = arith.constant 0 : i32
      %dma_start3A_50 = tpu.memref_slice %arg9[%add3A_14, %dma_start3A_49] : memref<10112x128xf32, #tpu.memory_space<vmem_shared>> -> memref<128x128xf32, #tpu.memory_space<vmem_shared>>
      %dma_start3A_51 = arith.constant 0 : i32
      %dma_start3A_52 = tpu.memref_slice %arg9[%add3A_14, %dma_start3A_51] : memref<10112x128xf32, #tpu.memory_space<vmem_shared>> -> memref<128x128xf32, #tpu.memory_space<vmem_shared>>
      %dma_start3A_53 = arith.constant 0 : i32
      %dma_start3A_54 = arith.constant 0 : i32
      %dma_start3A_55 = tpu.memref_slice %arg8[%dma_start3A_53, %dma_start3A_54] : memref<128x128xf32, #tpu.memory_space<vmem>> -> memref<128x128xf32, #tpu.memory_space<vmem>>
      tpu.enqueue_dma source(%dma_start3A_55 : memref<128x128xf32, #tpu.memory_space<vmem>>) target(%dma_start3A_52 : memref<128x128xf32, #tpu.memory_space<vmem_shared>>) target_semaphore(%run_scoped3A : memref<!tpu.dma_semaphore, #tpu.memory_space<semaphore_mem>>)
      %dma_wait3A = arith.constant 0 : i32
      %dma_wait3A_56 = arith.constant 0 : i32
      %dma_wait3A_57 = tpu.memref_slice %arg8[%dma_wait3A, %dma_wait3A_56] : memref<128x128xf32, #tpu.memory_space<vmem>> -> memref<128x128xf32, #tpu.memory_space<vmem>>
      %dma_wait3A_58 = arith.constant 0 : i32
      %dma_wait3A_59 = tpu.memref_slice %arg9[%add3A_14, %dma_wait3A_58] : memref<10112x128xf32, #tpu.memory_space<vmem_shared>> -> memref<128x128xf32, #tpu.memory_space<vmem_shared>>
      %dma_wait3A_60 = arith.constant 0 : i32
      %dma_wait3A_61 = tpu.memref_slice %arg9[%add3A_14, %dma_wait3A_60] : memref<10112x128xf32, #tpu.memory_space<vmem_shared>> -> memref<128x128xf32, #tpu.memory_space<vmem_shared>>
      %dma_wait3A_62 = arith.constant 0 : i32
      %dma_wait3A_63 = arith.constant 0 : i32
      %dma_wait3A_64 = tpu.memref_slice %arg8[%dma_wait3A_62, %dma_wait3A_63] : memref<128x128xf32, #tpu.memory_space<vmem>> -> memref<128x128xf32, #tpu.memory_space<vmem>>
      tpu.wait_dma2 semaphore(%run_scoped3A : memref<!tpu.dma_semaphore, #tpu.memory_space<semaphore_mem>>) src(%dma_wait3A_64 : memref<128x128xf32, #tpu.memory_space<vmem>>) dst(%dma_wait3A_61 : memref<128x128xf32, #tpu.memory_space<vmem_shared>>)
      tpu.yield
    }) : () -> ()
    %add3A_15 = arith.constant 384 : i32
    %add3A_16 = arith.addi %mul3A_2, %add3A_15 : i32
    "tpu.region"() ({
      %run_scoped3A = tpu.sem_alloc : memref<!tpu.dma_semaphore, #tpu.memory_space<semaphore_mem>>
      %dma_start3A = arith.constant 0 : i32
      %dma_start3A_47 = arith.constant 0 : i32
      %dma_start3A_48 = tpu.memref_slice %arg8[%dma_start3A, %dma_start3A_47] : memref<128x128xf32, #tpu.memory_space<vmem>> -> memref<128x128xf32, #tpu.memory_space<vmem>>
      %dma_start3A_49 = arith.constant 0 : i32
      %dma_start3A_50 = tpu.memref_slice %arg9[%add3A_16, %dma_start3A_49] : memref<10112x128xf32, #tpu.memory_space<vmem_shared>> -> memref<128x128xf32, #tpu.memory_space<vmem_shared>>
      %dma_start3A_51 = arith.constant 0 : i32
      %dma_start3A_52 = tpu.memref_slice %arg9[%add3A_16, %dma_start3A_51] : memref<10112x128xf32, #tpu.memory_space<vmem_shared>> -> memref<128x128xf32, #tpu.memory_space<vmem_shared>>
      %dma_start3A_53 = arith.constant 0 : i32
      %dma_start3A_54 = arith.constant 0 : i32
      %dma_start3A_55 = tpu.memref_slice %arg8[%dma_start3A_53, %dma_start3A_54] : memref<128x128xf32, #tpu.memory_space<vmem>> -> memref<128x128xf32, #tpu.memory_space<vmem>>
      tpu.enqueue_dma source(%dma_start3A_55 : memref<128x128xf32, #tpu.memory_space<vmem>>) target(%dma_start3A_52 : memref<128x128xf32, #tpu.memory_space<vmem_shared>>) target_semaphore(%run_scoped3A : memref<!tpu.dma_semaphore, #tpu.memory_space<semaphore_mem>>)
      %dma_wait3A = arith.constant 0 : i32
      %dma_wait3A_56 = arith.constant 0 : i32
      %dma_wait3A_57 = tpu.memref_slice %arg8[%dma_wait3A, %dma_wait3A_56] : memref<128x128xf32, #tpu.memory_space<vmem>> -> memref<128x128xf32, #tpu.memory_space<vmem>>
      %dma_wait3A_58 = arith.constant 0 : i32
      %dma_wait3A_59 = tpu.memref_slice %arg9[%add3A_16, %dma_wait3A_58] : memref<10112x128xf32, #tpu.memory_space<vmem_shared>> -> memref<128x128xf32, #tpu.memory_space<vmem_shared>>
      %dma_wait3A_60 = arith.constant 0 : i32
      %dma_wait3A_61 = tpu.memref_slice %arg9[%add3A_16, %dma_wait3A_60] : memref<10112x128xf32, #tpu.memory_space<vmem_shared>> -> memref<128x128xf32, #tpu.memory_space<vmem_shared>>
      %dma_wait3A_62 = arith.constant 0 : i32
      %dma_wait3A_63 = arith.constant 0 : i32
      %dma_wait3A_64 = tpu.memref_slice %arg8[%dma_wait3A_62, %dma_wait3A_63] : memref<128x128xf32, #tpu.memory_space<vmem>> -> memref<128x128xf32, #tpu.memory_space<vmem>>
      tpu.wait_dma2 semaphore(%run_scoped3A : memref<!tpu.dma_semaphore, #tpu.memory_space<semaphore_mem>>) src(%dma_wait3A_64 : memref<128x128xf32, #tpu.memory_space<vmem>>) dst(%dma_wait3A_61 : memref<128x128xf32, #tpu.memory_space<vmem_shared>>)
      tpu.yield
    }) : () -> ()
    %add3A_17 = arith.constant 512 : i32
    %add3A_18 = arith.addi %mul3A_2, %add3A_17 : i32
    "tpu.region"() ({
      %run_scoped3A = tpu.sem_alloc : memref<!tpu.dma_semaphore, #tpu.memory_space<semaphore_mem>>
      %dma_start3A = arith.constant 0 : i32
      %dma_start3A_47 = arith.constant 0 : i32
      %dma_start3A_48 = tpu.memref_slice %arg8[%dma_start3A, %dma_start3A_47] : memref<128x128xf32, #tpu.memory_space<vmem>> -> memref<120x128xf32, #tpu.memory_space<vmem>>
      %dma_start3A_49 = arith.constant 0 : i32
      %dma_start3A_50 = tpu.memref_slice %arg9[%add3A_18, %dma_start3A_49] : memref<10112x128xf32, #tpu.memory_space<vmem_shared>> -> memref<120x128xf32, #tpu.memory_space<vmem_shared>>
      %dma_start3A_51 = arith.constant 0 : i32
      %dma_start3A_52 = tpu.memref_slice %arg9[%add3A_18, %dma_start3A_51] : memref<10112x128xf32, #tpu.memory_space<vmem_shared>> -> memref<120x128xf32, #tpu.memory_space<vmem_shared>>
      %dma_start3A_53 = arith.constant 0 : i32
      %dma_start3A_54 = arith.constant 0 : i32
      %dma_start3A_55 = tpu.memref_slice %arg8[%dma_start3A_53, %dma_start3A_54] : memref<128x128xf32, #tpu.memory_space<vmem>> -> memref<120x128xf32, #tpu.memory_space<vmem>>
      tpu.enqueue_dma source(%dma_start3A_55 : memref<120x128xf32, #tpu.memory_space<vmem>>) target(%dma_start3A_52 : memref<120x128xf32, #tpu.memory_space<vmem_shared>>) target_semaphore(%run_scoped3A : memref<!tpu.dma_semaphore, #tpu.memory_space<semaphore_mem>>)
      %dma_wait3A = arith.constant 0 : i32
      %dma_wait3A_56 = arith.constant 0 : i32
      %dma_wait3A_57 = tpu.memref_slice %arg8[%dma_wait3A, %dma_wait3A_56] : memref<128x128xf32, #tpu.memory_space<vmem>> -> memref<120x128xf32, #tpu.memory_space<vmem>>
      %dma_wait3A_58 = arith.constant 0 : i32
      %dma_wait3A_59 = tpu.memref_slice %arg9[%add3A_18, %dma_wait3A_58] : memref<10112x128xf32, #tpu.memory_space<vmem_shared>> -> memref<120x128xf32, #tpu.memory_space<vmem_shared>>
      %dma_wait3A_60 = arith.constant 0 : i32
      %dma_wait3A_61 = tpu.memref_slice %arg9[%add3A_18, %dma_wait3A_60] : memref<10112x128xf32, #tpu.memory_space<vmem_shared>> -> memref<120x128xf32, #tpu.memory_space<vmem_shared>>
      %dma_wait3A_62 = arith.constant 0 : i32
      %dma_wait3A_63 = arith.constant 0 : i32
      %dma_wait3A_64 = tpu.memref_slice %arg8[%dma_wait3A_62, %dma_wait3A_63] : memref<128x128xf32, #tpu.memory_space<vmem>> -> memref<120x128xf32, #tpu.memory_space<vmem>>
      tpu.wait_dma2 semaphore(%run_scoped3A : memref<!tpu.dma_semaphore, #tpu.memory_space<semaphore_mem>>) src(%dma_wait3A_64 : memref<120x128xf32, #tpu.memory_space<vmem>>) dst(%dma_wait3A_61 : memref<120x128xf32, #tpu.memory_space<vmem_shared>>)
      tpu.yield
    }) : () -> ()
    %barrier3A = arith.constant 0 : index
    tpu.barrier barrier_id(%barrier3A)
    %scan3A_19 = arith.constant 0 : i32
    %scan3A_20 = arith.constant 0 : i32
    %scan3A_21 = arith.constant 79 : i32
    %scan3A_22 = arith.addi %scan3A_20, %scan3A_21 : i32
    %scan3A_23 = arith.constant 1 : i32
    %scan3A_24 = scf.for %scan3A_47 = %scan3A_20 to %scan3A_22 step %scan3A_23 iter_args(%scan3A_48 = %scan3A_19) -> (i32)  : i32 {
      %mul3A_49 = arith.constant 10112 : i32
      %mul3A_50 = arith.muli %add3A, %mul3A_49 : i32
      %mul3A_51 = arith.constant 128 : i32
      %mul3A_52 = arith.muli %scan3A_47, %mul3A_51 : i32
      %add3A_53 = arith.addi %mul3A_50, %mul3A_52 : i32
      "tpu.region"() ({
        %run_scoped3A = tpu.sem_alloc : memref<!tpu.dma_semaphore, #tpu.memory_space<semaphore_mem>>
        %dma_start3A_59 = tpu.memref_slice %arg3[%add3A_53] : memref<323584xi32, #tpu.memory_space<hbm>> -> memref<128xi32, #tpu.memory_space<hbm>>
        %dma_start3A_60 = tpu.memref_slice %arg3[%add3A_53] : memref<323584xi32, #tpu.memory_space<hbm>> -> memref<128xi32, #tpu.memory_space<hbm>>
        tpu.enqueue_dma source(%dma_start3A_60 : memref<128xi32, #tpu.memory_space<hbm>>) target(%arg6 : memref<128xi32, #tpu.memory_space<vmem>>) target_semaphore(%run_scoped3A : memref<!tpu.dma_semaphore, #tpu.memory_space<semaphore_mem>>)
        %dma_wait3A_61 = tpu.memref_slice %arg3[%add3A_53] : memref<323584xi32, #tpu.memory_space<hbm>> -> memref<128xi32, #tpu.memory_space<hbm>>
        %dma_wait3A_62 = tpu.memref_slice %arg3[%add3A_53] : memref<323584xi32, #tpu.memory_space<hbm>> -> memref<128xi32, #tpu.memory_space<hbm>>
        tpu.wait_dma2 semaphore(%run_scoped3A : memref<!tpu.dma_semaphore, #tpu.memory_space<semaphore_mem>>) src(%dma_wait3A_62 : memref<128xi32, #tpu.memory_space<hbm>>) dst(%arg6 : memref<128xi32, #tpu.memory_space<vmem>>)
        tpu.yield
      }) : () -> ()
      "tpu.region"() ({
        %run_scoped3A = tpu.sem_alloc : memref<!tpu.dma_semaphore, #tpu.memory_space<semaphore_mem>>
        %dma_start3A_59 = tpu.memref_slice %arg4[%add3A_53] : memref<323584xi32, #tpu.memory_space<hbm>> -> memref<128xi32, #tpu.memory_space<hbm>>
        %dma_start3A_60 = tpu.memref_slice %arg4[%add3A_53] : memref<323584xi32, #tpu.memory_space<hbm>> -> memref<128xi32, #tpu.memory_space<hbm>>
        tpu.enqueue_dma source(%dma_start3A_60 : memref<128xi32, #tpu.memory_space<hbm>>) target(%arg7 : memref<128xi32, #tpu.memory_space<vmem>>) target_semaphore(%run_scoped3A : memref<!tpu.dma_semaphore, #tpu.memory_space<semaphore_mem>>)
        %dma_wait3A_61 = tpu.memref_slice %arg4[%add3A_53] : memref<323584xi32, #tpu.memory_space<hbm>> -> memref<128xi32, #tpu.memory_space<hbm>>
        %dma_wait3A_62 = tpu.memref_slice %arg4[%add3A_53] : memref<323584xi32, #tpu.memory_space<hbm>> -> memref<128xi32, #tpu.memory_space<hbm>>
        tpu.wait_dma2 semaphore(%run_scoped3A : memref<!tpu.dma_semaphore, #tpu.memory_space<semaphore_mem>>) src(%dma_wait3A_62 : memref<128xi32, #tpu.memory_space<hbm>>) dst(%arg7 : memref<128xi32, #tpu.memory_space<vmem>>)
        tpu.yield
      }) : () -> ()
      %dma_start3A = arith.constant 0 : i32
      %dma_start3A_54 = arith.constant 0 : i32
      %dma_start3A_55 = tpu.memref_slice %arg2[%dma_start3A, %dma_start3A_54] : memref<10000x128xf32, #tpu.memory_space<hbm>> -> memref<10000x128xf32, #tpu.memory_space<hbm>>
      tpu.enqueue_indirect_dma source(%dma_start3A_55 : memref<10000x128xf32, #tpu.memory_space<hbm>>) target(%arg8 : memref<128x128xf32, #tpu.memory_space<vmem>>) offsets(%arg6 : memref<128xi32, #tpu.memory_space<vmem>>) semaphore(%arg10 : memref<!tpu.dma_semaphore, #tpu.memory_space<semaphore_mem>>)
      %dma_wait3A = arith.constant 0 : i32
      %dma_wait3A_56 = arith.constant 0 : i32
      %dma_wait3A_57 = tpu.memref_slice %arg2[%dma_wait3A, %dma_wait3A_56] : memref<10000x128xf32, #tpu.memory_space<hbm>> -> memref<10000x128xf32, #tpu.memory_space<hbm>>
      tpu.wait_indirect_dma semaphore(%arg10 : memref<!tpu.dma_semaphore, #tpu.memory_space<semaphore_mem>>) src(%dma_wait3A_57 : memref<10000x128xf32, #tpu.memory_space<hbm>>) dst(%arg8 : memref<128x128xf32, #tpu.memory_space<vmem>>)
      "tpu.region"() ({
        %run_scoped3A = tpu.sem_alloc : memref<!tpu.dma_semaphore, #tpu.memory_space<semaphore_mem>>
        %dma_start3A_59 = arith.constant 0 : i32
        %dma_start3A_60 = arith.constant 0 : i32
        %dma_start3A_61 = tpu.memref_slice %arg9[%dma_start3A_59, %dma_start3A_60] : memref<10112x128xf32, #tpu.memory_space<vmem_shared>> -> memref<10112x128xf32, #tpu.memory_space<vmem_shared>>
        tpu.enqueue_indirect_dma source(%arg8 : memref<128x128xf32, #tpu.memory_space<vmem>>) target(%dma_start3A_61 : memref<10112x128xf32, #tpu.memory_space<vmem_shared>>) offsets(%arg7 : memref<128xi32, #tpu.memory_space<vmem>>) semaphore(%run_scoped3A : memref<!tpu.dma_semaphore, #tpu.memory_space<semaphore_mem>>) {add = true}
        %dma_wait3A_62 = arith.constant 0 : i32
        %dma_wait3A_63 = arith.constant 0 : i32
        %dma_wait3A_64 = tpu.memref_slice %arg9[%dma_wait3A_62, %dma_wait3A_63] : memref<10112x128xf32, #tpu.memory_space<vmem_shared>> -> memref<10112x128xf32, #tpu.memory_space<vmem_shared>>
        tpu.wait_indirect_dma semaphore(%run_scoped3A : memref<!tpu.dma_semaphore, #tpu.memory_space<semaphore_mem>>) src(%arg8 : memref<128x128xf32, #tpu.memory_space<vmem>>) dst(%dma_wait3A_64 : memref<10112x128xf32, #tpu.memory_space<vmem_shared>>)
        tpu.yield
      }) : () -> ()
      %scan3A_58 = arith.constant 0 : i32
      scf.yield %scan3A_58 : i32
    }
    %scan3A_25 = arith.constant 79 : i32
    %barrier3A_26 = arith.constant 0 : index
    tpu.barrier barrier_id(%barrier3A_26)
    %add3A_27 = arith.constant 0 : i32
    %add3A_28 = arith.addi %mul3A_2, %add3A_27 : i32
    "tpu.region"() ({
      %run_scoped3A = tpu.sem_alloc : memref<!tpu.dma_semaphore, #tpu.memory_space<semaphore_mem>>
      %dma_start3A = arith.constant 0 : i32
      %dma_start3A_47 = arith.constant 0 : i32
      %dma_start3A_48 = tpu.memref_slice %arg8[%dma_start3A, %dma_start3A_47] : memref<128x128xf32, #tpu.memory_space<vmem>> -> memref<128x128xf32, #tpu.memory_space<vmem>>
      %dma_start3A_49 = arith.constant 0 : i32
      %dma_start3A_50 = tpu.memref_slice %arg9[%add3A_28, %dma_start3A_49] : memref<10112x128xf32, #tpu.memory_space<vmem_shared>> -> memref<128x128xf32, #tpu.memory_space<vmem_shared>>
      %dma_start3A_51 = arith.constant 0 : i32
      %dma_start3A_52 = arith.constant 0 : i32
      %dma_start3A_53 = tpu.memref_slice %arg8[%dma_start3A_51, %dma_start3A_52] : memref<128x128xf32, #tpu.memory_space<vmem>> -> memref<128x128xf32, #tpu.memory_space<vmem>>
      %dma_start3A_54 = arith.constant 0 : i32
      %dma_start3A_55 = tpu.memref_slice %arg9[%add3A_28, %dma_start3A_54] : memref<10112x128xf32, #tpu.memory_space<vmem_shared>> -> memref<128x128xf32, #tpu.memory_space<vmem_shared>>
      tpu.enqueue_dma source(%dma_start3A_55 : memref<128x128xf32, #tpu.memory_space<vmem_shared>>) target(%dma_start3A_53 : memref<128x128xf32, #tpu.memory_space<vmem>>) target_semaphore(%run_scoped3A : memref<!tpu.dma_semaphore, #tpu.memory_space<semaphore_mem>>)
      %dma_wait3A = arith.constant 0 : i32
      %dma_wait3A_56 = arith.constant 0 : i32
      %dma_wait3A_57 = tpu.memref_slice %arg8[%dma_wait3A, %dma_wait3A_56] : memref<128x128xf32, #tpu.memory_space<vmem>> -> memref<128x128xf32, #tpu.memory_space<vmem>>
      %dma_wait3A_58 = arith.constant 0 : i32
      %dma_wait3A_59 = tpu.memref_slice %arg9[%add3A_28, %dma_wait3A_58] : memref<10112x128xf32, #tpu.memory_space<vmem_shared>> -> memref<128x128xf32, #tpu.memory_space<vmem_shared>>
      %dma_wait3A_60 = arith.constant 0 : i32
      %dma_wait3A_61 = arith.constant 0 : i32
      %dma_wait3A_62 = tpu.memref_slice %arg8[%dma_wait3A_60, %dma_wait3A_61] : memref<128x128xf32, #tpu.memory_space<vmem>> -> memref<128x128xf32, #tpu.memory_space<vmem>>
      %dma_wait3A_63 = arith.constant 0 : i32
      %dma_wait3A_64 = tpu.memref_slice %arg9[%add3A_28, %dma_wait3A_63] : memref<10112x128xf32, #tpu.memory_space<vmem_shared>> -> memref<128x128xf32, #tpu.memory_space<vmem_shared>>
      tpu.wait_dma2 semaphore(%run_scoped3A : memref<!tpu.dma_semaphore, #tpu.memory_space<semaphore_mem>>) src(%dma_wait3A_64 : memref<128x128xf32, #tpu.memory_space<vmem_shared>>) dst(%dma_wait3A_62 : memref<128x128xf32, #tpu.memory_space<vmem>>)
      tpu.yield
    }) : () -> ()
    %add3A_29 = arith.constant 0 : i32
    %add3A_30 = arith.addi %mul3A_2, %add3A_29 : i32
    "tpu.region"() ({
      %run_scoped3A = tpu.sem_alloc : memref<!tpu.dma_semaphore, #tpu.memory_space<semaphore_mem>>
      %dma_start3A = arith.constant 0 : i32
      %dma_start3A_47 = arith.constant 0 : i32
      %dma_start3A_48 = tpu.memref_slice %arg8[%dma_start3A, %dma_start3A_47] : memref<128x128xf32, #tpu.memory_space<vmem>> -> memref<128x128xf32, #tpu.memory_space<vmem>>
      %dma_start3A_49 = arith.constant 0 : i32
      %dma_start3A_50 = tpu.memref_slice %arg5[%arg0, %add3A_30, %dma_start3A_49] : memref<2x10112x128xf32, #tpu.memory_space<hbm>> -> memref<1x128x128xf32, #tpu.memory_space<hbm>>
      %dma_start3A_51 = tpu.memref_squeeze %dma_start3A_50 : memref<1x128x128xf32, #tpu.memory_space<hbm>> -> memref<128x128xf32, #tpu.memory_space<hbm>>
      %dma_start3A_52 = arith.constant 0 : i32
      %dma_start3A_53 = tpu.memref_slice %arg5[%arg0, %add3A_30, %dma_start3A_52] : memref<2x10112x128xf32, #tpu.memory_space<hbm>> -> memref<1x128x128xf32, #tpu.memory_space<hbm>>
      %dma_start3A_54 = tpu.memref_squeeze %dma_start3A_53 : memref<1x128x128xf32, #tpu.memory_space<hbm>> -> memref<128x128xf32, #tpu.memory_space<hbm>>
      %dma_start3A_55 = arith.constant 0 : i32
      %dma_start3A_56 = arith.constant 0 : i32
      %dma_start3A_57 = tpu.memref_slice %arg8[%dma_start3A_55, %dma_start3A_56] : memref<128x128xf32, #tpu.memory_space<vmem>> -> memref<128x128xf32, #tpu.memory_space<vmem>>
      tpu.enqueue_dma source(%dma_start3A_57 : memref<128x128xf32, #tpu.memory_space<vmem>>) target(%dma_start3A_54 : memref<128x128xf32, #tpu.memory_space<hbm>>) target_semaphore(%run_scoped3A : memref<!tpu.dma_semaphore, #tpu.memory_space<semaphore_mem>>)
      %dma_wait3A = arith.constant 0 : i32
      %dma_wait3A_58 = arith.constant 0 : i32
      %dma_wait3A_59 = tpu.memref_slice %arg8[%dma_wait3A, %dma_wait3A_58] : memref<128x128xf32, #tpu.memory_space<vmem>> -> memref<128x128xf32, #tpu.memory_space<vmem>>
      %dma_wait3A_60 = arith.constant 0 : i32
      %dma_wait3A_61 = tpu.memref_slice %arg5[%arg0, %add3A_30, %dma_wait3A_60] : memref<2x10112x128xf32, #tpu.memory_space<hbm>> -> memref<1x128x128xf32, #tpu.memory_space<hbm>>
      %dma_wait3A_62 = tpu.memref_squeeze %dma_wait3A_61 : memref<1x128x128xf32, #tpu.memory_space<hbm>> -> memref<128x128xf32, #tpu.memory_space<hbm>>
      %dma_wait3A_63 = arith.constant 0 : i32
      %dma_wait3A_64 = tpu.memref_slice %arg5[%arg0, %add3A_30, %dma_wait3A_63] : memref<2x10112x128xf32, #tpu.memory_space<hbm>> -> memref<1x128x128xf32, #tpu.memory_space<hbm>>
      %dma_wait3A_65 = tpu.memref_squeeze %dma_wait3A_64 : memref<1x128x128xf32, #tpu.memory_space<hbm>> -> memref<128x128xf32, #tpu.memory_space<hbm>>
      %dma_wait3A_66 = arith.constant 0 : i32
      %dma_wait3A_67 = arith.constant 0 : i32
      %dma_wait3A_68 = tpu.memref_slice %arg8[%dma_wait3A_66, %dma_wait3A_67] : memref<128x128xf32, #tpu.memory_space<vmem>> -> memref<128x128xf32, #tpu.memory_space<vmem>>
      tpu.wait_dma2 semaphore(%run_scoped3A : memref<!tpu.dma_semaphore, #tpu.memory_space<semaphore_mem>>) src(%dma_wait3A_68 : memref<128x128xf32, #tpu.memory_space<vmem>>) dst(%dma_wait3A_65 : memref<128x128xf32, #tpu.memory_space<hbm>>)
      tpu.yield
    }) : () -> ()
    %add3A_31 = arith.constant 128 : i32
    %add3A_32 = arith.addi %mul3A_2, %add3A_31 : i32
    "tpu.region"() ({
      %run_scoped3A = tpu.sem_alloc : memref<!tpu.dma_semaphore, #tpu.memory_space<semaphore_mem>>
      %dma_start3A = arith.constant 0 : i32
      %dma_start3A_47 = arith.constant 0 : i32
      %dma_start3A_48 = tpu.memref_slice %arg8[%dma_start3A, %dma_start3A_47] : memref<128x128xf32, #tpu.memory_space<vmem>> -> memref<128x128xf32, #tpu.memory_space<vmem>>
      %dma_start3A_49 = arith.constant 0 : i32
      %dma_start3A_50 = tpu.memref_slice %arg9[%add3A_32, %dma_start3A_49] : memref<10112x128xf32, #tpu.memory_space<vmem_shared>> -> memref<128x128xf32, #tpu.memory_space<vmem_shared>>
      %dma_start3A_51 = arith.constant 0 : i32
      %dma_start3A_52 = arith.constant 0 : i32
      %dma_start3A_53 = tpu.memref_slice %arg8[%dma_start3A_51, %dma_start3A_52] : memref<128x128xf32, #tpu.memory_space<vmem>> -> memref<128x128xf32, #tpu.memory_space<vmem>>
      %dma_start3A_54 = arith.constant 0 : i32
      %dma_start3A_55 = tpu.memref_slice %arg9[%add3A_32, %dma_start3A_54] : memref<10112x128xf32, #tpu.memory_space<vmem_shared>> -> memref<128x128xf32, #tpu.memory_space<vmem_shared>>
      tpu.enqueue_dma source(%dma_start3A_55 : memref<128x128xf32, #tpu.memory_space<vmem_shared>>) target(%dma_start3A_53 : memref<128x128xf32, #tpu.memory_space<vmem>>) target_semaphore(%run_scoped3A : memref<!tpu.dma_semaphore, #tpu.memory_space<semaphore_mem>>)
      %dma_wait3A = arith.constant 0 : i32
      %dma_wait3A_56 = arith.constant 0 : i32
      %dma_wait3A_57 = tpu.memref_slice %arg8[%dma_wait3A, %dma_wait3A_56] : memref<128x128xf32, #tpu.memory_space<vmem>> -> memref<128x128xf32, #tpu.memory_space<vmem>>
      %dma_wait3A_58 = arith.constant 0 : i32
      %dma_wait3A_59 = tpu.memref_slice %arg9[%add3A_32, %dma_wait3A_58] : memref<10112x128xf32, #tpu.memory_space<vmem_shared>> -> memref<128x128xf32, #tpu.memory_space<vmem_shared>>
      %dma_wait3A_60 = arith.constant 0 : i32
      %dma_wait3A_61 = arith.constant 0 : i32
      %dma_wait3A_62 = tpu.memref_slice %arg8[%dma_wait3A_60, %dma_wait3A_61] : memref<128x128xf32, #tpu.memory_space<vmem>> -> memref<128x128xf32, #tpu.memory_space<vmem>>
      %dma_wait3A_63 = arith.constant 0 : i32
      %dma_wait3A_64 = tpu.memref_slice %arg9[%add3A_32, %dma_wait3A_63] : memref<10112x128xf32, #tpu.memory_space<vmem_shared>> -> memref<128x128xf32, #tpu.memory_space<vmem_shared>>
      tpu.wait_dma2 semaphore(%run_scoped3A : memref<!tpu.dma_semaphore, #tpu.memory_space<semaphore_mem>>) src(%dma_wait3A_64 : memref<128x128xf32, #tpu.memory_space<vmem_shared>>) dst(%dma_wait3A_62 : memref<128x128xf32, #tpu.memory_space<vmem>>)
      tpu.yield
    }) : () -> ()
    %add3A_33 = arith.constant 128 : i32
    %add3A_34 = arith.addi %mul3A_2, %add3A_33 : i32
    "tpu.region"() ({
      %run_scoped3A = tpu.sem_alloc : memref<!tpu.dma_semaphore, #tpu.memory_space<semaphore_mem>>
      %dma_start3A = arith.constant 0 : i32
      %dma_start3A_47 = arith.constant 0 : i32
      %dma_start3A_48 = tpu.memref_slice %arg8[%dma_start3A, %dma_start3A_47] : memref<128x128xf32, #tpu.memory_space<vmem>> -> memref<128x128xf32, #tpu.memory_space<vmem>>
      %dma_start3A_49 = arith.constant 0 : i32
      %dma_start3A_50 = tpu.memref_slice %arg5[%arg0, %add3A_34, %dma_start3A_49] : memref<2x10112x128xf32, #tpu.memory_space<hbm>> -> memref<1x128x128xf32, #tpu.memory_space<hbm>>
      %dma_start3A_51 = tpu.memref_squeeze %dma_start3A_50 : memref<1x128x128xf32, #tpu.memory_space<hbm>> -> memref<128x128xf32, #tpu.memory_space<hbm>>
      %dma_start3A_52 = arith.constant 0 : i32
      %dma_start3A_53 = tpu.memref_slice %arg5[%arg0, %add3A_34, %dma_start3A_52] : memref<2x10112x128xf32, #tpu.memory_space<hbm>> -> memref<1x128x128xf32, #tpu.memory_space<hbm>>
      %dma_start3A_54 = tpu.memref_squeeze %dma_start3A_53 : memref<1x128x128xf32, #tpu.memory_space<hbm>> -> memref<128x128xf32, #tpu.memory_space<hbm>>
      %dma_start3A_55 = arith.constant 0 : i32
      %dma_start3A_56 = arith.constant 0 : i32
      %dma_start3A_57 = tpu.memref_slice %arg8[%dma_start3A_55, %dma_start3A_56] : memref<128x128xf32, #tpu.memory_space<vmem>> -> memref<128x128xf32, #tpu.memory_space<vmem>>
      tpu.enqueue_dma source(%dma_start3A_57 : memref<128x128xf32, #tpu.memory_space<vmem>>) target(%dma_start3A_54 : memref<128x128xf32, #tpu.memory_space<hbm>>) target_semaphore(%run_scoped3A : memref<!tpu.dma_semaphore, #tpu.memory_space<semaphore_mem>>)
      %dma_wait3A = arith.constant 0 : i32
      %dma_wait3A_58 = arith.constant 0 : i32
      %dma_wait3A_59 = tpu.memref_slice %arg8[%dma_wait3A, %dma_wait3A_58] : memref<128x128xf32, #tpu.memory_space<vmem>> -> memref<128x128xf32, #tpu.memory_space<vmem>>
      %dma_wait3A_60 = arith.constant 0 : i32
      %dma_wait3A_61 = tpu.memref_slice %arg5[%arg0, %add3A_34, %dma_wait3A_60] : memref<2x10112x128xf32, #tpu.memory_space<hbm>> -> memref<1x128x128xf32, #tpu.memory_space<hbm>>
      %dma_wait3A_62 = tpu.memref_squeeze %dma_wait3A_61 : memref<1x128x128xf32, #tpu.memory_space<hbm>> -> memref<128x128xf32, #tpu.memory_space<hbm>>
      %dma_wait3A_63 = arith.constant 0 : i32
      %dma_wait3A_64 = tpu.memref_slice %arg5[%arg0, %add3A_34, %dma_wait3A_63] : memref<2x10112x128xf32, #tpu.memory_space<hbm>> -> memref<1x128x128xf32, #tpu.memory_space<hbm>>
      %dma_wait3A_65 = tpu.memref_squeeze %dma_wait3A_64 : memref<1x128x128xf32, #tpu.memory_space<hbm>> -> memref<128x128xf32, #tpu.memory_space<hbm>>
      %dma_wait3A_66 = arith.constant 0 : i32
      %dma_wait3A_67 = arith.constant 0 : i32
      %dma_wait3A_68 = tpu.memref_slice %arg8[%dma_wait3A_66, %dma_wait3A_67] : memref<128x128xf32, #tpu.memory_space<vmem>> -> memref<128x128xf32, #tpu.memory_space<vmem>>
      tpu.wait_dma2 semaphore(%run_scoped3A : memref<!tpu.dma_semaphore, #tpu.memory_space<semaphore_mem>>) src(%dma_wait3A_68 : memref<128x128xf32, #tpu.memory_space<vmem>>) dst(%dma_wait3A_65 : memref<128x128xf32, #tpu.memory_space<hbm>>)
      tpu.yield
    }) : () -> ()
    %add3A_35 = arith.constant 256 : i32
    %add3A_36 = arith.addi %mul3A_2, %add3A_35 : i32
    "tpu.region"() ({
      %run_scoped3A = tpu.sem_alloc : memref<!tpu.dma_semaphore, #tpu.memory_space<semaphore_mem>>
      %dma_start3A = arith.constant 0 : i32
      %dma_start3A_47 = arith.constant 0 : i32
      %dma_start3A_48 = tpu.memref_slice %arg8[%dma_start3A, %dma_start3A_47] : memref<128x128xf32, #tpu.memory_space<vmem>> -> memref<128x128xf32, #tpu.memory_space<vmem>>
      %dma_start3A_49 = arith.constant 0 : i32
      %dma_start3A_50 = tpu.memref_slice %arg9[%add3A_36, %dma_start3A_49] : memref<10112x128xf32, #tpu.memory_space<vmem_shared>> -> memref<128x128xf32, #tpu.memory_space<vmem_shared>>
      %dma_start3A_51 = arith.constant 0 : i32
      %dma_start3A_52 = arith.constant 0 : i32
      %dma_start3A_53 = tpu.memref_slice %arg8[%dma_start3A_51, %dma_start3A_52] : memref<128x128xf32, #tpu.memory_space<vmem>> -> memref<128x128xf32, #tpu.memory_space<vmem>>
      %dma_start3A_54 = arith.constant 0 : i32
      %dma_start3A_55 = tpu.memref_slice %arg9[%add3A_36, %dma_start3A_54] : memref<10112x128xf32, #tpu.memory_space<vmem_shared>> -> memref<128x128xf32, #tpu.memory_space<vmem_shared>>
      tpu.enqueue_dma source(%dma_start3A_55 : memref<128x128xf32, #tpu.memory_space<vmem_shared>>) target(%dma_start3A_53 : memref<128x128xf32, #tpu.memory_space<vmem>>) target_semaphore(%run_scoped3A : memref<!tpu.dma_semaphore, #tpu.memory_space<semaphore_mem>>)
      %dma_wait3A = arith.constant 0 : i32
      %dma_wait3A_56 = arith.constant 0 : i32
      %dma_wait3A_57 = tpu.memref_slice %arg8[%dma_wait3A, %dma_wait3A_56] : memref<128x128xf32, #tpu.memory_space<vmem>> -> memref<128x128xf32, #tpu.memory_space<vmem>>
      %dma_wait3A_58 = arith.constant 0 : i32
      %dma_wait3A_59 = tpu.memref_slice %arg9[%add3A_36, %dma_wait3A_58] : memref<10112x128xf32, #tpu.memory_space<vmem_shared>> -> memref<128x128xf32, #tpu.memory_space<vmem_shared>>
      %dma_wait3A_60 = arith.constant 0 : i32
      %dma_wait3A_61 = arith.constant 0 : i32
      %dma_wait3A_62 = tpu.memref_slice %arg8[%dma_wait3A_60, %dma_wait3A_61] : memref<128x128xf32, #tpu.memory_space<vmem>> -> memref<128x128xf32, #tpu.memory_space<vmem>>
      %dma_wait3A_63 = arith.constant 0 : i32
      %dma_wait3A_64 = tpu.memref_slice %arg9[%add3A_36, %dma_wait3A_63] : memref<10112x128xf32, #tpu.memory_space<vmem_shared>> -> memref<128x128xf32, #tpu.memory_space<vmem_shared>>
      tpu.wait_dma2 semaphore(%run_scoped3A : memref<!tpu.dma_semaphore, #tpu.memory_space<semaphore_mem>>) src(%dma_wait3A_64 : memref<128x128xf32, #tpu.memory_space<vmem_shared>>) dst(%dma_wait3A_62 : memref<128x128xf32, #tpu.memory_space<vmem>>)
      tpu.yield
    }) : () -> ()
    %add3A_37 = arith.constant 256 : i32
    %add3A_38 = arith.addi %mul3A_2, %add3A_37 : i32
    "tpu.region"() ({
      %run_scoped3A = tpu.sem_alloc : memref<!tpu.dma_semaphore, #tpu.memory_space<semaphore_mem>>
      %dma_start3A = arith.constant 0 : i32
      %dma_start3A_47 = arith.constant 0 : i32
      %dma_start3A_48 = tpu.memref_slice %arg8[%dma_start3A, %dma_start3A_47] : memref<128x128xf32, #tpu.memory_space<vmem>> -> memref<128x128xf32, #tpu.memory_space<vmem>>
      %dma_start3A_49 = arith.constant 0 : i32
      %dma_start3A_50 = tpu.memref_slice %arg5[%arg0, %add3A_38, %dma_start3A_49] : memref<2x10112x128xf32, #tpu.memory_space<hbm>> -> memref<1x128x128xf32, #tpu.memory_space<hbm>>
      %dma_start3A_51 = tpu.memref_squeeze %dma_start3A_50 : memref<1x128x128xf32, #tpu.memory_space<hbm>> -> memref<128x128xf32, #tpu.memory_space<hbm>>
      %dma_start3A_52 = arith.constant 0 : i32
      %dma_start3A_53 = tpu.memref_slice %arg5[%arg0, %add3A_38, %dma_start3A_52] : memref<2x10112x128xf32, #tpu.memory_space<hbm>> -> memref<1x128x128xf32, #tpu.memory_space<hbm>>
      %dma_start3A_54 = tpu.memref_squeeze %dma_start3A_53 : memref<1x128x128xf32, #tpu.memory_space<hbm>> -> memref<128x128xf32, #tpu.memory_space<hbm>>
      %dma_start3A_55 = arith.constant 0 : i32
      %dma_start3A_56 = arith.constant 0 : i32
      %dma_start3A_57 = tpu.memref_slice %arg8[%dma_start3A_55, %dma_start3A_56] : memref<128x128xf32, #tpu.memory_space<vmem>> -> memref<128x128xf32, #tpu.memory_space<vmem>>
      tpu.enqueue_dma source(%dma_start3A_57 : memref<128x128xf32, #tpu.memory_space<vmem>>) target(%dma_start3A_54 : memref<128x128xf32, #tpu.memory_space<hbm>>) target_semaphore(%run_scoped3A : memref<!tpu.dma_semaphore, #tpu.memory_space<semaphore_mem>>)
      %dma_wait3A = arith.constant 0 : i32
      %dma_wait3A_58 = arith.constant 0 : i32
      %dma_wait3A_59 = tpu.memref_slice %arg8[%dma_wait3A, %dma_wait3A_58] : memref<128x128xf32, #tpu.memory_space<vmem>> -> memref<128x128xf32, #tpu.memory_space<vmem>>
      %dma_wait3A_60 = arith.constant 0 : i32
      %dma_wait3A_61 = tpu.memref_slice %arg5[%arg0, %add3A_38, %dma_wait3A_60] : memref<2x10112x128xf32, #tpu.memory_space<hbm>> -> memref<1x128x128xf32, #tpu.memory_space<hbm>>
      %dma_wait3A_62 = tpu.memref_squeeze %dma_wait3A_61 : memref<1x128x128xf32, #tpu.memory_space<hbm>> -> memref<128x128xf32, #tpu.memory_space<hbm>>
      %dma_wait3A_63 = arith.constant 0 : i32
      %dma_wait3A_64 = tpu.memref_slice %arg5[%arg0, %add3A_38, %dma_wait3A_63] : memref<2x10112x128xf32, #tpu.memory_space<hbm>> -> memref<1x128x128xf32, #tpu.memory_space<hbm>>
      %dma_wait3A_65 = tpu.memref_squeeze %dma_wait3A_64 : memref<1x128x128xf32, #tpu.memory_space<hbm>> -> memref<128x128xf32, #tpu.memory_space<hbm>>
      %dma_wait3A_66 = arith.constant 0 : i32
      %dma_wait3A_67 = arith.constant 0 : i32
      %dma_wait3A_68 = tpu.memref_slice %arg8[%dma_wait3A_66, %dma_wait3A_67] : memref<128x128xf32, #tpu.memory_space<vmem>> -> memref<128x128xf32, #tpu.memory_space<vmem>>
      tpu.wait_dma2 semaphore(%run_scoped3A : memref<!tpu.dma_semaphore, #tpu.memory_space<semaphore_mem>>) src(%dma_wait3A_68 : memref<128x128xf32, #tpu.memory_space<vmem>>) dst(%dma_wait3A_65 : memref<128x128xf32, #tpu.memory_space<hbm>>)
      tpu.yield
    }) : () -> ()
    %add3A_39 = arith.constant 384 : i32
    %add3A_40 = arith.addi %mul3A_2, %add3A_39 : i32
    "tpu.region"() ({
      %run_scoped3A = tpu.sem_alloc : memref<!tpu.dma_semaphore, #tpu.memory_space<semaphore_mem>>
      %dma_start3A = arith.constant 0 : i32
      %dma_start3A_47 = arith.constant 0 : i32
      %dma_start3A_48 = tpu.memref_slice %arg8[%dma_start3A, %dma_start3A_47] : memref<128x128xf32, #tpu.memory_space<vmem>> -> memref<128x128xf32, #tpu.memory_space<vmem>>
      %dma_start3A_49 = arith.constant 0 : i32
      %dma_start3A_50 = tpu.memref_slice %arg9[%add3A_40, %dma_start3A_49] : memref<10112x128xf32, #tpu.memory_space<vmem_shared>> -> memref<128x128xf32, #tpu.memory_space<vmem_shared>>
      %dma_start3A_51 = arith.constant 0 : i32
      %dma_start3A_52 = arith.constant 0 : i32
      %dma_start3A_53 = tpu.memref_slice %arg8[%dma_start3A_51, %dma_start3A_52] : memref<128x128xf32, #tpu.memory_space<vmem>> -> memref<128x128xf32, #tpu.memory_space<vmem>>
      %dma_start3A_54 = arith.constant 0 : i32
      %dma_start3A_55 = tpu.memref_slice %arg9[%add3A_40, %dma_start3A_54] : memref<10112x128xf32, #tpu.memory_space<vmem_shared>> -> memref<128x128xf32, #tpu.memory_space<vmem_shared>>
      tpu.enqueue_dma source(%dma_start3A_55 : memref<128x128xf32, #tpu.memory_space<vmem_shared>>) target(%dma_start3A_53 : memref<128x128xf32, #tpu.memory_space<vmem>>) target_semaphore(%run_scoped3A : memref<!tpu.dma_semaphore, #tpu.memory_space<semaphore_mem>>)
      %dma_wait3A = arith.constant 0 : i32
      %dma_wait3A_56 = arith.constant 0 : i32
      %dma_wait3A_57 = tpu.memref_slice %arg8[%dma_wait3A, %dma_wait3A_56] : memref<128x128xf32, #tpu.memory_space<vmem>> -> memref<128x128xf32, #tpu.memory_space<vmem>>
      %dma_wait3A_58 = arith.constant 0 : i32
      %dma_wait3A_59 = tpu.memref_slice %arg9[%add3A_40, %dma_wait3A_58] : memref<10112x128xf32, #tpu.memory_space<vmem_shared>> -> memref<128x128xf32, #tpu.memory_space<vmem_shared>>
      %dma_wait3A_60 = arith.constant 0 : i32
      %dma_wait3A_61 = arith.constant 0 : i32
      %dma_wait3A_62 = tpu.memref_slice %arg8[%dma_wait3A_60, %dma_wait3A_61] : memref<128x128xf32, #tpu.memory_space<vmem>> -> memref<128x128xf32, #tpu.memory_space<vmem>>
      %dma_wait3A_63 = arith.constant 0 : i32
      %dma_wait3A_64 = tpu.memref_slice %arg9[%add3A_40, %dma_wait3A_63] : memref<10112x128xf32, #tpu.memory_space<vmem_shared>> -> memref<128x128xf32, #tpu.memory_space<vmem_shared>>
      tpu.wait_dma2 semaphore(%run_scoped3A : memref<!tpu.dma_semaphore, #tpu.memory_space<semaphore_mem>>) src(%dma_wait3A_64 : memref<128x128xf32, #tpu.memory_space<vmem_shared>>) dst(%dma_wait3A_62 : memref<128x128xf32, #tpu.memory_space<vmem>>)
      tpu.yield
    }) : () -> ()
    %add3A_41 = arith.constant 384 : i32
    %add3A_42 = arith.addi %mul3A_2, %add3A_41 : i32
    "tpu.region"() ({
      %run_scoped3A = tpu.sem_alloc : memref<!tpu.dma_semaphore, #tpu.memory_space<semaphore_mem>>
      %dma_start3A = arith.constant 0 : i32
      %dma_start3A_47 = arith.constant 0 : i32
      %dma_start3A_48 = tpu.memref_slice %arg8[%dma_start3A, %dma_start3A_47] : memref<128x128xf32, #tpu.memory_space<vmem>> -> memref<128x128xf32, #tpu.memory_space<vmem>>
      %dma_start3A_49 = arith.constant 0 : i32
      %dma_start3A_50 = tpu.memref_slice %arg5[%arg0, %add3A_42, %dma_start3A_49] : memref<2x10112x128xf32, #tpu.memory_space<hbm>> -> memref<1x128x128xf32, #tpu.memory_space<hbm>>
      %dma_start3A_51 = tpu.memref_squeeze %dma_start3A_50 : memref<1x128x128xf32, #tpu.memory_space<hbm>> -> memref<128x128xf32, #tpu.memory_space<hbm>>
      %dma_start3A_52 = arith.constant 0 : i32
      %dma_start3A_53 = tpu.memref_slice %arg5[%arg0, %add3A_42, %dma_start3A_52] : memref<2x10112x128xf32, #tpu.memory_space<hbm>> -> memref<1x128x128xf32, #tpu.memory_space<hbm>>
      %dma_start3A_54 = tpu.memref_squeeze %dma_start3A_53 : memref<1x128x128xf32, #tpu.memory_space<hbm>> -> memref<128x128xf32, #tpu.memory_space<hbm>>
      %dma_start3A_55 = arith.constant 0 : i32
      %dma_start3A_56 = arith.constant 0 : i32
      %dma_start3A_57 = tpu.memref_slice %arg8[%dma_start3A_55, %dma_start3A_56] : memref<128x128xf32, #tpu.memory_space<vmem>> -> memref<128x128xf32, #tpu.memory_space<vmem>>
      tpu.enqueue_dma source(%dma_start3A_57 : memref<128x128xf32, #tpu.memory_space<vmem>>) target(%dma_start3A_54 : memref<128x128xf32, #tpu.memory_space<hbm>>) target_semaphore(%run_scoped3A : memref<!tpu.dma_semaphore, #tpu.memory_space<semaphore_mem>>)
      %dma_wait3A = arith.constant 0 : i32
      %dma_wait3A_58 = arith.constant 0 : i32
      %dma_wait3A_59 = tpu.memref_slice %arg8[%dma_wait3A, %dma_wait3A_58] : memref<128x128xf32, #tpu.memory_space<vmem>> -> memref<128x128xf32, #tpu.memory_space<vmem>>
      %dma_wait3A_60 = arith.constant 0 : i32
      %dma_wait3A_61 = tpu.memref_slice %arg5[%arg0, %add3A_42, %dma_wait3A_60] : memref<2x10112x128xf32, #tpu.memory_space<hbm>> -> memref<1x128x128xf32, #tpu.memory_space<hbm>>
      %dma_wait3A_62 = tpu.memref_squeeze %dma_wait3A_61 : memref<1x128x128xf32, #tpu.memory_space<hbm>> -> memref<128x128xf32, #tpu.memory_space<hbm>>
      %dma_wait3A_63 = arith.constant 0 : i32
      %dma_wait3A_64 = tpu.memref_slice %arg5[%arg0, %add3A_42, %dma_wait3A_63] : memref<2x10112x128xf32, #tpu.memory_space<hbm>> -> memref<1x128x128xf32, #tpu.memory_space<hbm>>
      %dma_wait3A_65 = tpu.memref_squeeze %dma_wait3A_64 : memref<1x128x128xf32, #tpu.memory_space<hbm>> -> memref<128x128xf32, #tpu.memory_space<hbm>>
      %dma_wait3A_66 = arith.constant 0 : i32
      %dma_wait3A_67 = arith.constant 0 : i32
      %dma_wait3A_68 = tpu.memref_slice %arg8[%dma_wait3A_66, %dma_wait3A_67] : memref<128x128xf32, #tpu.memory_space<vmem>> -> memref<128x128xf32, #tpu.memory_space<vmem>>
      tpu.wait_dma2 semaphore(%run_scoped3A : memref<!tpu.dma_semaphore, #tpu.memory_space<semaphore_mem>>) src(%dma_wait3A_68 : memref<128x128xf32, #tpu.memory_space<vmem>>) dst(%dma_wait3A_65 : memref<128x128xf32, #tpu.memory_space<hbm>>)
      tpu.yield
    }) : () -> ()
    %add3A_43 = arith.constant 512 : i32
    %add3A_44 = arith.addi %mul3A_2, %add3A_43 : i32
    "tpu.region"() ({
      %run_scoped3A = tpu.sem_alloc : memref<!tpu.dma_semaphore, #tpu.memory_space<semaphore_mem>>
      %dma_start3A = arith.constant 0 : i32
      %dma_start3A_47 = arith.constant 0 : i32
      %dma_start3A_48 = tpu.memref_slice %arg8[%dma_start3A, %dma_start3A_47] : memref<128x128xf32, #tpu.memory_space<vmem>> -> memref<120x128xf32, #tpu.memory_space<vmem>>
      %dma_start3A_49 = arith.constant 0 : i32
      %dma_start3A_50 = tpu.memref_slice %arg9[%add3A_44, %dma_start3A_49] : memref<10112x128xf32, #tpu.memory_space<vmem_shared>> -> memref<120x128xf32, #tpu.memory_space<vmem_shared>>
      %dma_start3A_51 = arith.constant 0 : i32
      %dma_start3A_52 = arith.constant 0 : i32
      %dma_start3A_53 = tpu.memref_slice %arg8[%dma_start3A_51, %dma_start3A_52] : memref<128x128xf32, #tpu.memory_space<vmem>> -> memref<120x128xf32, #tpu.memory_space<vmem>>
      %dma_start3A_54 = arith.constant 0 : i32
      %dma_start3A_55 = tpu.memref_slice %arg9[%add3A_44, %dma_start3A_54] : memref<10112x128xf32, #tpu.memory_space<vmem_shared>> -> memref<120x128xf32, #tpu.memory_space<vmem_shared>>
      tpu.enqueue_dma source(%dma_start3A_55 : memref<120x128xf32, #tpu.memory_space<vmem_shared>>) target(%dma_start3A_53 : memref<120x128xf32, #tpu.memory_space<vmem>>) target_semaphore(%run_scoped3A : memref<!tpu.dma_semaphore, #tpu.memory_space<semaphore_mem>>)
      %dma_wait3A = arith.constant 0 : i32
      %dma_wait3A_56 = arith.constant 0 : i32
      %dma_wait3A_57 = tpu.memref_slice %arg8[%dma_wait3A, %dma_wait3A_56] : memref<128x128xf32, #tpu.memory_space<vmem>> -> memref<120x128xf32, #tpu.memory_space<vmem>>
      %dma_wait3A_58 = arith.constant 0 : i32
      %dma_wait3A_59 = tpu.memref_slice %arg9[%add3A_44, %dma_wait3A_58] : memref<10112x128xf32, #tpu.memory_space<vmem_shared>> -> memref<120x128xf32, #tpu.memory_space<vmem_shared>>
      %dma_wait3A_60 = arith.constant 0 : i32
      %dma_wait3A_61 = arith.constant 0 : i32
      %dma_wait3A_62 = tpu.memref_slice %arg8[%dma_wait3A_60, %dma_wait3A_61] : memref<128x128xf32, #tpu.memory_space<vmem>> -> memref<120x128xf32, #tpu.memory_space<vmem>>
      %dma_wait3A_63 = arith.constant 0 : i32
      %dma_wait3A_64 = tpu.memref_slice %arg9[%add3A_44, %dma_wait3A_63] : memref<10112x128xf32, #tpu.memory_space<vmem_shared>> -> memref<120x128xf32, #tpu.memory_space<vmem_shared>>
      tpu.wait_dma2 semaphore(%run_scoped3A : memref<!tpu.dma_semaphore, #tpu.memory_space<semaphore_mem>>) src(%dma_wait3A_64 : memref<120x128xf32, #tpu.memory_space<vmem_shared>>) dst(%dma_wait3A_62 : memref<120x128xf32, #tpu.memory_space<vmem>>)
      tpu.yield
    }) : () -> ()
    %add3A_45 = arith.constant 512 : i32
    %add3A_46 = arith.addi %mul3A_2, %add3A_45 : i32
    "tpu.region"() ({
      %run_scoped3A = tpu.sem_alloc : memref<!tpu.dma_semaphore, #tpu.memory_space<semaphore_mem>>
      %dma_start3A = arith.constant 0 : i32
      %dma_start3A_47 = arith.constant 0 : i32
      %dma_start3A_48 = tpu.memref_slice %arg8[%dma_start3A, %dma_start3A_47] : memref<128x128xf32, #tpu.memory_space<vmem>> -> memref<120x128xf32, #tpu.memory_space<vmem>>
      %dma_start3A_49 = arith.constant 0 : i32
      %dma_start3A_50 = tpu.memref_slice %arg5[%arg0, %add3A_46, %dma_start3A_49] : memref<2x10112x128xf32, #tpu.memory_space<hbm>> -> memref<1x120x128xf32, #tpu.memory_space<hbm>>
      %dma_start3A_51 = tpu.memref_squeeze %dma_start3A_50 : memref<1x120x128xf32, #tpu.memory_space<hbm>> -> memref<120x128xf32, #tpu.memory_space<hbm>>
      %dma_start3A_52 = arith.constant 0 : i32
      %dma_start3A_53 = tpu.memref_slice %arg5[%arg0, %add3A_46, %dma_start3A_52] : memref<2x10112x128xf32, #tpu.memory_space<hbm>> -> memref<1x120x128xf32, #tpu.memory_space<hbm>>
      %dma_start3A_54 = tpu.memref_squeeze %dma_start3A_53 : memref<1x120x128xf32, #tpu.memory_space<hbm>> -> memref<120x128xf32, #tpu.memory_space<hbm>>
      %dma_start3A_55 = arith.constant 0 : i32
      %dma_start3A_56 = arith.constant 0 : i32
      %dma_start3A_57 = tpu.memref_slice %arg8[%dma_start3A_55, %dma_start3A_56] : memref<128x128xf32, #tpu.memory_space<vmem>> -> memref<120x128xf32, #tpu.memory_space<vmem>>
      tpu.enqueue_dma source(%dma_start3A_57 : memref<120x128xf32, #tpu.memory_space<vmem>>) target(%dma_start3A_54 : memref<120x128xf32, #tpu.memory_space<hbm>>) target_semaphore(%run_scoped3A : memref<!tpu.dma_semaphore, #tpu.memory_space<semaphore_mem>>)
      %dma_wait3A = arith.constant 0 : i32
      %dma_wait3A_58 = arith.constant 0 : i32
      %dma_wait3A_59 = tpu.memref_slice %arg8[%dma_wait3A, %dma_wait3A_58] : memref<128x128xf32, #tpu.memory_space<vmem>> -> memref<120x128xf32, #tpu.memory_space<vmem>>
      %dma_wait3A_60 = arith.constant 0 : i32
      %dma_wait3A_61 = tpu.memref_slice %arg5[%arg0, %add3A_46, %dma_wait3A_60] : memref<2x10112x128xf32, #tpu.memory_space<hbm>> -> memref<1x120x128xf32, #tpu.memory_space<hbm>>
      %dma_wait3A_62 = tpu.memref_squeeze %dma_wait3A_61 : memref<1x120x128xf32, #tpu.memory_space<hbm>> -> memref<120x128xf32, #tpu.memory_space<hbm>>
      %dma_wait3A_63 = arith.constant 0 : i32
      %dma_wait3A_64 = tpu.memref_slice %arg5[%arg0, %add3A_46, %dma_wait3A_63] : memref<2x10112x128xf32, #tpu.memory_space<hbm>> -> memref<1x120x128xf32, #tpu.memory_space<hbm>>
      %dma_wait3A_65 = tpu.memref_squeeze %dma_wait3A_64 : memref<1x120x128xf32, #tpu.memory_space<hbm>> -> memref<120x128xf32, #tpu.memory_space<hbm>>
      %dma_wait3A_66 = arith.constant 0 : i32
      %dma_wait3A_67 = arith.constant 0 : i32
      %dma_wait3A_68 = tpu.memref_slice %arg8[%dma_wait3A_66, %dma_wait3A_67] : memref<128x128xf32, #tpu.memory_space<vmem>> -> memref<120x128xf32, #tpu.memory_space<vmem>>
      tpu.wait_dma2 semaphore(%run_scoped3A : memref<!tpu.dma_semaphore, #tpu.memory_space<semaphore_mem>>) src(%dma_wait3A_68 : memref<120x128xf32, #tpu.memory_space<vmem>>) dst(%dma_wait3A_65 : memref<120x128xf32, #tpu.memory_space<hbm>>)
      tpu.yield
    }) : () -> ()
    return
  }
}

#map = affine_map<(d0, d1) -> (0, 0)>
#map1 = affine_map<(d0, d1) -> (0)>
#map2 = affine_map<(d0, d1) -> (0, 0, 0)>
module attributes {stable_mosaic.version = 14 : i64} {
  func.func @spmm_kernel(%arg0: i32, %arg1: i32, %arg2: memref<10000x128xf32, #tpu.memory_space<hbm>>, %arg3: memref<323584xi32, #tpu.memory_space<hbm>>, %arg4: memref<323584xi32, #tpu.memory_space<hbm>>, %arg5: memref<2x10112x128xf32, #tpu.memory_space<hbm>>, %arg6: memref<128xi32, #tpu.memory_space<vmem>>, %arg7: memref<128xi32, #tpu.memory_space<vmem>>, %arg8: memref<128x128xf32, #tpu.memory_space<vmem>>, %arg9: memref<10112x128xf32, #tpu.memory_space<vmem_shared>>, %arg10: memref<!tpu.dma_semaphore, #tpu.memory_space<semaphore_mem>>) attributes {dimension_semantics = [#tpu.dimension_semantics<core_parallel>, #tpu.dimension_semantics<subcore_parallel>], iteration_bounds = array<i64: 2, 16>, scalar_prefetch = 0 : i64, scratch_operands = 5 : i64, tpu.core_type = #tpu.core_type<sc_vector_subcore>, window_params = [{transform_indices = #map}, {transform_indices = #map1}, {transform_indices = #map1}, {transform_indices = #map2}]} {
    %mul3A = arith.constant 2 : i32
    %mul3A_0 = arith.muli %arg1, %mul3A : i32
    %add3A = arith.addi %mul3A_0, %arg0 : i32
    %mul3A_1 = arith.constant 632 : i32
    %mul3A_2 = arith.muli %arg1, %mul3A_1 : i32
    %scan3A = arith.constant 0 : i32
    %scan3A_3 = arith.constant 0 : i32
    %scan3A_4 = arith.constant 128 : i32
    %scan3A_5 = arith.addi %scan3A_3, %scan3A_4 : i32
    %scan3A_6 = arith.constant 1 : i32
    %scan3A_7 = scf.for %scan3A_47 = %scan3A_3 to %scan3A_5 step %scan3A_6 iter_args(%scan3A_48 = %scan3A) -> (i32)  : i32 {
      %broadcast_in_dim3A = arith.constant 0.000000e+00 : f32
      %broadcast_in_dim3A_49 = vector.broadcast %broadcast_in_dim3A : f32 to vector<16xf32>
      %swap3A = arith.index_cast %scan3A_47 : i32 to index
      %swap3A_50 = arith.constant 0 : index
      %swap3A_51 = tpu.vector_load %arg8[%swap3A, %swap3A_50] {strides = array<i32>} : memref<128x128xf32, #tpu.memory_space<vmem>>, vector<1x16xf32>,
      %swap3A_52 = vector.shape_cast %swap3A_51 : vector<1x16xf32> to vector<16xf32>
      %swap3A_53 = vector.shape_cast %broadcast_in_dim3A_49 : vector<16xf32> to vector<1x16xf32>
      tpu.vector_store %arg8[%swap3A, %swap3A_50], %swap3A_53 {strides = array<i32>} : memref<128x128xf32, #tpu.memory_space<vmem>>, vector<1x16xf32>,
      %broadcast_in_dim3A_54 = arith.constant 0.000000e+00 : f32
      %broadcast_in_dim3A_55 = vector.broadcast %broadcast_in_dim3A_54 : f32 to vector<16xf32>
      %swap3A_56 = arith.index_cast %scan3A_47 : i32 to index
      %swap3A_57 = arith.constant 16 : index
      %swap3A_58 = tpu.vector_load %arg8[%swap3A_56, %swap3A_57] {strides = array<i32>} : memref<128x128xf32, #tpu.memory_space<vmem>>, vector<1x16xf32>,
      %swap3A_59 = vector.shape_cast %swap3A_58 : vector<1x16xf32> to vector<16xf32>
      %swap3A_60 = vector.shape_cast %broadcast_in_dim3A_55 : vector<16xf32> to vector<1x16xf32>
      tpu.vector_store %arg8[%swap3A_56, %swap3A_57], %swap3A_60 {strides = array<i32>} : memref<128x128xf32, #tpu.memory_space<vmem>>, vector<1x16xf32>,
      %broadcast_in_dim3A_61 = arith.constant 0.000000e+00 : f32
      %broadcast_in_dim3A_62 = vector.broadcast %broadcast_in_dim3A_61 : f32 to vector<16xf32>
      %swap3A_63 = arith.index_cast %scan3A_47 : i32 to index
      %swap3A_64 = arith.constant 32 : index
      %swap3A_65 = tpu.vector_load %arg8[%swap3A_63, %swap3A_64] {strides = array<i32>} : memref<128x128xf32, #tpu.memory_space<vmem>>, vector<1x16xf32>,
      %swap3A_66 = vector.shape_cast %swap3A_65 : vector<1x16xf32> to vector<16xf32>
      %swap3A_67 = vector.shape_cast %broadcast_in_dim3A_62 : vector<16xf32> to vector<1x16xf32>
      tpu.vector_store %arg8[%swap3A_63, %swap3A_64], %swap3A_67 {strides = array<i32>} : memref<128x128xf32, #tpu.memory_space<vmem>>, vector<1x16xf32>,
      %broadcast_in_dim3A_68 = arith.constant 0.000000e+00 : f32
      %broadcast_in_dim3A_69 = vector.broadcast %broadcast_in_dim3A_68 : f32 to vector<16xf32>
      %swap3A_70 = arith.index_cast %scan3A_47 : i32 to index
      %swap3A_71 = arith.constant 48 : index
      %swap3A_72 = tpu.vector_load %arg8[%swap3A_70, %swap3A_71] {strides = array<i32>} : memref<128x128xf32, #tpu.memory_space<vmem>>, vector<1x16xf32>,
      %swap3A_73 = vector.shape_cast %swap3A_72 : vector<1x16xf32> to vector<16xf32>
      %swap3A_74 = vector.shape_cast %broadcast_in_dim3A_69 : vector<16xf32> to vector<1x16xf32>
      tpu.vector_store %arg8[%swap3A_70, %swap3A_71], %swap3A_74 {strides = array<i32>} : memref<128x128xf32, #tpu.memory_space<vmem>>, vector<1x16xf32>,
      %broadcast_in_dim3A_75 = arith.constant 0.000000e+00 : f32
      %broadcast_in_dim3A_76 = vector.broadcast %broadcast_in_dim3A_75 : f32 to vector<16xf32>
      %swap3A_77 = arith.index_cast %scan3A_47 : i32 to index
      %swap3A_78 = arith.constant 64 : index
      %swap3A_79 = tpu.vector_load %arg8[%swap3A_77, %swap3A_78] {strides = array<i32>} : memref<128x128xf32, #tpu.memory_space<vmem>>, vector<1x16xf32>,
      %swap3A_80 = vector.shape_cast %swap3A_79 : vector<1x16xf32> to vector<16xf32>
      %swap3A_81 = vector.shape_cast %broadcast_in_dim3A_76 : vector<16xf32> to vector<1x16xf32>
      tpu.vector_store %arg8[%swap3A_77, %swap3A_78], %swap3A_81 {strides = array<i32>} : memref<128x128xf32, #tpu.memory_space<vmem>>, vector<1x16xf32>,
      %broadcast_in_dim3A_82 = arith.constant 0.000000e+00 : f32
      %broadcast_in_dim3A_83 = vector.broadcast %broadcast_in_dim3A_82 : f32 to vector<16xf32>
      %swap3A_84 = arith.index_cast %scan3A_47 : i32 to index
      %swap3A_85 = arith.constant 80 : index
      %swap3A_86 = tpu.vector_load %arg8[%swap3A_84, %swap3A_85] {strides = array<i32>} : memref<128x128xf32, #tpu.memory_space<vmem>>, vector<1x16xf32>,
      %swap3A_87 = vector.shape_cast %swap3A_86 : vector<1x16xf32> to vector<16xf32>
      %swap3A_88 = vector.shape_cast %broadcast_in_dim3A_83 : vector<16xf32> to vector<1x16xf32>
      tpu.vector_store %arg8[%swap3A_84, %swap3A_85], %swap3A_88 {strides = array<i32>} : memref<128x128xf32, #tpu.memory_space<vmem>>, vector<1x16xf32>,
      %broadcast_in_dim3A_89 = arith.constant 0.000000e+00 : f32
      %broadcast_in_dim3A_90 = vector.broadcast %broadcast_in_dim3A_89 : f32 to vector<16xf32>
      %swap3A_91 = arith.index_cast %scan3A_47 : i32 to index
      %swap3A_92 = arith.constant 96 : index
      %swap3A_93 = tpu.vector_load %arg8[%swap3A_91, %swap3A_92] {strides = array<i32>} : memref<128x128xf32, #tpu.memory_space<vmem>>, vector<1x16xf32>,
      %swap3A_94 = vector.shape_cast %swap3A_93 : vector<1x16xf32> to vector<16xf32>
      %swap3A_95 = vector.shape_cast %broadcast_in_dim3A_90 : vector<16xf32> to vector<1x16xf32>
      tpu.vector_store %arg8[%swap3A_91, %swap3A_92], %swap3A_95 {strides = array<i32>} : memref<128x128xf32, #tpu.memory_space<vmem>>, vector<1x16xf32>,
      %broadcast_in_dim3A_96 = arith.constant 0.000000e+00 : f32
      %broadcast_in_dim3A_97 = vector.broadcast %broadcast_in_dim3A_96 : f32 to vector<16xf32>
      %swap3A_98 = arith.index_cast %scan3A_47 : i32 to index
      %swap3A_99 = arith.constant 112 : index
      %swap3A_100 = tpu.vector_load %arg8[%swap3A_98, %swap3A_99] {strides = array<i32>} : memref<128x128xf32, #tpu.memory_space<vmem>>, vector<1x16xf32>,
      %swap3A_101 = vector.shape_cast %swap3A_100 : vector<1x16xf32> to vector<16xf32>
      %swap3A_102 = vector.shape_cast %broadcast_in_dim3A_97 : vector<16xf32> to vector<1x16xf32>
      tpu.vector_store %arg8[%swap3A_98, %swap3A_99], %swap3A_102 {strides = array<i32>} : memref<128x128xf32, #tpu.memory_space<vmem>>, vector<1x16xf32>,
      %scan3A_103 = arith.constant 0 : i32
      scf.yield %scan3A_103 : i32
    }
    %scan3A_8 = arith.constant 128 : i32
    %add3A_9 = arith.constant 0 : i32
    %add3A_10 = arith.addi %mul3A_2, %add3A_9 : i32
    "tpu.region"() ({
      %run_scoped3A = tpu.sem_alloc : memref<!tpu.dma_semaphore, #tpu.memory_space<semaphore_mem>>
      %dma_start3A = arith.constant 0 : i32
      %dma_start3A_47 = arith.constant 0 : i32
      %dma_start3A_48 = tpu.memref_slice %arg8[%dma_start3A, %dma_start3A_47] : memref<128x128xf32, #tpu.memory_space<vmem>> -> memref<128x128xf32, #tpu.memory_space<vmem>>
      %dma_start3A_49 = arith.constant 0 : i32
      %dma_start3A_50 = tpu.memref_slice %arg9[%add3A_10, %dma_start3A_49] : memref<10112x128xf32, #tpu.memory_space<vmem_shared>> -> memref<128x128xf32, #tpu.memory_space<vmem_shared>>
      %dma_start3A_51 = arith.constant 0 : i32
      %dma_start3A_52 = tpu.memref_slice %arg9[%add3A_10, %dma_start3A_51] : memref<10112x128xf32, #tpu.memory_space<vmem_shared>> -> memref<128x128xf32, #tpu.memory_space<vmem_shared>>
      %dma_start3A_53 = arith.constant 0 : i32
      %dma_start3A_54 = arith.constant 0 : i32
      %dma_start3A_55 = tpu.memref_slice %arg8[%dma_start3A_53, %dma_start3A_54] : memref<128x128xf32, #tpu.memory_space<vmem>> -> memref<128x128xf32, #tpu.memory_space<vmem>>
      tpu.enqueue_dma source(%dma_start3A_55 : memref<128x128xf32, #tpu.memory_space<vmem>>) target(%dma_start3A_52 : memref<128x128xf32, #tpu.memory_space<vmem_shared>>) target_semaphore(%run_scoped3A : memref<!tpu.dma_semaphore, #tpu.memory_space<semaphore_mem>>)
      %dma_wait3A = arith.constant 0 : i32
      %dma_wait3A_56 = arith.constant 0 : i32
      %dma_wait3A_57 = tpu.memref_slice %arg8[%dma_wait3A, %dma_wait3A_56] : memref<128x128xf32, #tpu.memory_space<vmem>> -> memref<128x128xf32, #tpu.memory_space<vmem>>
      %dma_wait3A_58 = arith.constant 0 : i32
      %dma_wait3A_59 = tpu.memref_slice %arg9[%add3A_10, %dma_wait3A_58] : memref<10112x128xf32, #tpu.memory_space<vmem_shared>> -> memref<128x128xf32, #tpu.memory_space<vmem_shared>>
      %dma_wait3A_60 = arith.constant 0 : i32
      %dma_wait3A_61 = tpu.memref_slice %arg9[%add3A_10, %dma_wait3A_60] : memref<10112x128xf32, #tpu.memory_space<vmem_shared>> -> memref<128x128xf32, #tpu.memory_space<vmem_shared>>
      %dma_wait3A_62 = arith.constant 0 : i32
      %dma_wait3A_63 = arith.constant 0 : i32
      %dma_wait3A_64 = tpu.memref_slice %arg8[%dma_wait3A_62, %dma_wait3A_63] : memref<128x128xf32, #tpu.memory_space<vmem>> -> memref<128x128xf32, #tpu.memory_space<vmem>>
      tpu.wait_dma2 semaphore(%run_scoped3A : memref<!tpu.dma_semaphore, #tpu.memory_space<semaphore_mem>>) src(%dma_wait3A_64 : memref<128x128xf32, #tpu.memory_space<vmem>>) dst(%dma_wait3A_61 : memref<128x128xf32, #tpu.memory_space<vmem_shared>>)
      tpu.yield
    }) : () -> ()
    %add3A_11 = arith.constant 128 : i32
    %add3A_12 = arith.addi %mul3A_2, %add3A_11 : i32
    "tpu.region"() ({
      %run_scoped3A = tpu.sem_alloc : memref<!tpu.dma_semaphore, #tpu.memory_space<semaphore_mem>>
      %dma_start3A = arith.constant 0 : i32
      %dma_start3A_47 = arith.constant 0 : i32
      %dma_start3A_48 = tpu.memref_slice %arg8[%dma_start3A, %dma_start3A_47] : memref<128x128xf32, #tpu.memory_space<vmem>> -> memref<128x128xf32, #tpu.memory_space<vmem>>
      %dma_start3A_49 = arith.constant 0 : i32
      %dma_start3A_50 = tpu.memref_slice %arg9[%add3A_12, %dma_start3A_49] : memref<10112x128xf32, #tpu.memory_space<vmem_shared>> -> memref<128x128xf32, #tpu.memory_space<vmem_shared>>
      %dma_start3A_51 = arith.constant 0 : i32
      %dma_start3A_52 = tpu.memref_slice %arg9[%add3A_12, %dma_start3A_51] : memref<10112x128xf32, #tpu.memory_space<vmem_shared>> -> memref<128x128xf32, #tpu.memory_space<vmem_shared>>
      %dma_start3A_53 = arith.constant 0 : i32
      %dma_start3A_54 = arith.constant 0 : i32
      %dma_start3A_55 = tpu.memref_slice %arg8[%dma_start3A_53, %dma_start3A_54] : memref<128x128xf32, #tpu.memory_space<vmem>> -> memref<128x128xf32, #tpu.memory_space<vmem>>
      tpu.enqueue_dma source(%dma_start3A_55 : memref<128x128xf32, #tpu.memory_space<vmem>>) target(%dma_start3A_52 : memref<128x128xf32, #tpu.memory_space<vmem_shared>>) target_semaphore(%run_scoped3A : memref<!tpu.dma_semaphore, #tpu.memory_space<semaphore_mem>>)
      %dma_wait3A = arith.constant 0 : i32
      %dma_wait3A_56 = arith.constant 0 : i32
      %dma_wait3A_57 = tpu.memref_slice %arg8[%dma_wait3A, %dma_wait3A_56] : memref<128x128xf32, #tpu.memory_space<vmem>> -> memref<128x128xf32, #tpu.memory_space<vmem>>
      %dma_wait3A_58 = arith.constant 0 : i32
      %dma_wait3A_59 = tpu.memref_slice %arg9[%add3A_12, %dma_wait3A_58] : memref<10112x128xf32, #tpu.memory_space<vmem_shared>> -> memref<128x128xf32, #tpu.memory_space<vmem_shared>>
      %dma_wait3A_60 = arith.constant 0 : i32
      %dma_wait3A_61 = tpu.memref_slice %arg9[%add3A_12, %dma_wait3A_60] : memref<10112x128xf32, #tpu.memory_space<vmem_shared>> -> memref<128x128xf32, #tpu.memory_space<vmem_shared>>
      %dma_wait3A_62 = arith.constant 0 : i32
      %dma_wait3A_63 = arith.constant 0 : i32
      %dma_wait3A_64 = tpu.memref_slice %arg8[%dma_wait3A_62, %dma_wait3A_63] : memref<128x128xf32, #tpu.memory_space<vmem>> -> memref<128x128xf32, #tpu.memory_space<vmem>>
      tpu.wait_dma2 semaphore(%run_scoped3A : memref<!tpu.dma_semaphore, #tpu.memory_space<semaphore_mem>>) src(%dma_wait3A_64 : memref<128x128xf32, #tpu.memory_space<vmem>>) dst(%dma_wait3A_61 : memref<128x128xf32, #tpu.memory_space<vmem_shared>>)
      tpu.yield
    }) : () -> ()
    %add3A_13 = arith.constant 256 : i32
    %add3A_14 = arith.addi %mul3A_2, %add3A_13 : i32
    "tpu.region"() ({
      %run_scoped3A = tpu.sem_alloc : memref<!tpu.dma_semaphore, #tpu.memory_space<semaphore_mem>>
      %dma_start3A = arith.constant 0 : i32
      %dma_start3A_47 = arith.constant 0 : i32
      %dma_start3A_48 = tpu.memref_slice %arg8[%dma_start3A, %dma_start3A_47] : memref<128x128xf32, #tpu.memory_space<vmem>> -> memref<128x128xf32, #tpu.memory_space<vmem>>
      %dma_start3A_49 = arith.constant 0 : i32
      %dma_start3A_50 = tpu.memref_slice %arg9[%add3A_14, %dma_start3A_49] : memref<10112x128xf32, #tpu.memory_space<vmem_shared>> -> memref<128x128xf32, #tpu.memory_space<vmem_shared>>
      %dma_start3A_51 = arith.constant 0 : i32
      %dma_start3A_52 = tpu.memref_slice %arg9[%add3A_14, %dma_start3A_51] : memref<10112x128xf32, #tpu.memory_space<vmem_shared>> -> memref<128x128xf32, #tpu.memory_space<vmem_shared>>
      %dma_start3A_53 = arith.constant 0 : i32
      %dma_start3A_54 = arith.constant 0 : i32
      %dma_start3A_55 = tpu.memref_slice %arg8[%dma_start3A_53, %dma_start3A_54] : memref<128x128xf32, #tpu.memory_space<vmem>> -> memref<128x128xf32, #tpu.memory_space<vmem>>
      tpu.enqueue_dma source(%dma_start3A_55 : memref<128x128xf32, #tpu.memory_space<vmem>>) target(%dma_start3A_52 : memref<128x128xf32, #tpu.memory_space<vmem_shared>>) target_semaphore(%run_scoped3A : memref<!tpu.dma_semaphore, #tpu.memory_space<semaphore_mem>>)
      %dma_wait3A = arith.constant 0 : i32
      %dma_wait3A_56 = arith.constant 0 : i32
      %dma_wait3A_57 = tpu.memref_slice %arg8[%dma_wait3A, %dma_wait3A_56] : memref<128x128xf32, #tpu.memory_space<vmem>> -> memref<128x128xf32, #tpu.memory_space<vmem>>
      %dma_wait3A_58 = arith.constant 0 : i32
      %dma_wait3A_59 = tpu.memref_slice %arg9[%add3A_14, %dma_wait3A_58] : memref<10112x128xf32, #tpu.memory_space<vmem_shared>> -> memref<128x128xf32, #tpu.memory_space<vmem_shared>>
      %dma_wait3A_60 = arith.constant 0 : i32
      %dma_wait3A_61 = tpu.memref_slice %arg9[%add3A_14, %dma_wait3A_60] : memref<10112x128xf32, #tpu.memory_space<vmem_shared>> -> memref<128x128xf32, #tpu.memory_space<vmem_shared>>
      %dma_wait3A_62 = arith.constant 0 : i32
      %dma_wait3A_63 = arith.constant 0 : i32
      %dma_wait3A_64 = tpu.memref_slice %arg8[%dma_wait3A_62, %dma_wait3A_63] : memref<128x128xf32, #tpu.memory_space<vmem>> -> memref<128x128xf32, #tpu.memory_space<vmem>>
      tpu.wait_dma2 semaphore(%run_scoped3A : memref<!tpu.dma_semaphore, #tpu.memory_space<semaphore_mem>>) src(%dma_wait3A_64 : memref<128x128xf32, #tpu.memory_space<vmem>>) dst(%dma_wait3A_61 : memref<128x128xf32, #tpu.memory_space<vmem_shared>>)
      tpu.yield
    }) : () -> ()
    %add3A_15 = arith.constant 384 : i32
    %add3A_16 = arith.addi %mul3A_2, %add3A_15 : i32
    "tpu.region"() ({
      %run_scoped3A = tpu.sem_alloc : memref<!tpu.dma_semaphore, #tpu.memory_space<semaphore_mem>>
      %dma_start3A = arith.constant 0 : i32
      %dma_start3A_47 = arith.constant 0 : i32
      %dma_start3A_48 = tpu.memref_slice %arg8[%dma_start3A, %dma_start3A_47] : memref<128x128xf32, #tpu.memory_space<vmem>> -> memref<128x128xf32, #tpu.memory_space<vmem>>
      %dma_start3A_49 = arith.constant 0 : i32
      %dma_start3A_50 = tpu.memref_slice %arg9[%add3A_16, %dma_start3A_49] : memref<10112x128xf32, #tpu.memory_space<vmem_shared>> -> memref<128x128xf32, #tpu.memory_space<vmem_shared>>
      %dma_start3A_51 = arith.constant 0 : i32
      %dma_start3A_52 = tpu.memref_slice %arg9[%add3A_16, %dma_start3A_51] : memref<10112x128xf32, #tpu.memory_space<vmem_shared>> -> memref<128x128xf32, #tpu.memory_space<vmem_shared>>
      %dma_start3A_53 = arith.constant 0 : i32
      %dma_start3A_54 = arith.constant 0 : i32
      %dma_start3A_55 = tpu.memref_slice %arg8[%dma_start3A_53, %dma_start3A_54] : memref<128x128xf32, #tpu.memory_space<vmem>> -> memref<128x128xf32, #tpu.memory_space<vmem>>
      tpu.enqueue_dma source(%dma_start3A_55 : memref<128x128xf32, #tpu.memory_space<vmem>>) target(%dma_start3A_52 : memref<128x128xf32, #tpu.memory_space<vmem_shared>>) target_semaphore(%run_scoped3A : memref<!tpu.dma_semaphore, #tpu.memory_space<semaphore_mem>>)
      %dma_wait3A = arith.constant 0 : i32
      %dma_wait3A_56 = arith.constant 0 : i32
      %dma_wait3A_57 = tpu.memref_slice %arg8[%dma_wait3A, %dma_wait3A_56] : memref<128x128xf32, #tpu.memory_space<vmem>> -> memref<128x128xf32, #tpu.memory_space<vmem>>
      %dma_wait3A_58 = arith.constant 0 : i32
      %dma_wait3A_59 = tpu.memref_slice %arg9[%add3A_16, %dma_wait3A_58] : memref<10112x128xf32, #tpu.memory_space<vmem_shared>> -> memref<128x128xf32, #tpu.memory_space<vmem_shared>>
      %dma_wait3A_60 = arith.constant 0 : i32
      %dma_wait3A_61 = tpu.memref_slice %arg9[%add3A_16, %dma_wait3A_60] : memref<10112x128xf32, #tpu.memory_space<vmem_shared>> -> memref<128x128xf32, #tpu.memory_space<vmem_shared>>
      %dma_wait3A_62 = arith.constant 0 : i32
      %dma_wait3A_63 = arith.constant 0 : i32
      %dma_wait3A_64 = tpu.memref_slice %arg8[%dma_wait3A_62, %dma_wait3A_63] : memref<128x128xf32, #tpu.memory_space<vmem>> -> memref<128x128xf32, #tpu.memory_space<vmem>>
      tpu.wait_dma2 semaphore(%run_scoped3A : memref<!tpu.dma_semaphore, #tpu.memory_space<semaphore_mem>>) src(%dma_wait3A_64 : memref<128x128xf32, #tpu.memory_space<vmem>>) dst(%dma_wait3A_61 : memref<128x128xf32, #tpu.memory_space<vmem_shared>>)
      tpu.yield
    }) : () -> ()
    %add3A_17 = arith.constant 512 : i32
    %add3A_18 = arith.addi %mul3A_2, %add3A_17 : i32
    "tpu.region"() ({
      %run_scoped3A = tpu.sem_alloc : memref<!tpu.dma_semaphore, #tpu.memory_space<semaphore_mem>>
      %dma_start3A = arith.constant 0 : i32
      %dma_start3A_47 = arith.constant 0 : i32
      %dma_start3A_48 = tpu.memref_slice %arg8[%dma_start3A, %dma_start3A_47] : memref<128x128xf32, #tpu.memory_space<vmem>> -> memref<120x128xf32, #tpu.memory_space<vmem>>
      %dma_start3A_49 = arith.constant 0 : i32
      %dma_start3A_50 = tpu.memref_slice %arg9[%add3A_18, %dma_start3A_49] : memref<10112x128xf32, #tpu.memory_space<vmem_shared>> -> memref<120x128xf32, #tpu.memory_space<vmem_shared>>
      %dma_start3A_51 = arith.constant 0 : i32
      %dma_start3A_52 = tpu.memref_slice %arg9[%add3A_18, %dma_start3A_51] : memref<10112x128xf32, #tpu.memory_space<vmem_shared>> -> memref<120x128xf32, #tpu.memory_space<vmem_shared>>
      %dma_start3A_53 = arith.constant 0 : i32
      %dma_start3A_54 = arith.constant 0 : i32
      %dma_start3A_55 = tpu.memref_slice %arg8[%dma_start3A_53, %dma_start3A_54] : memref<128x128xf32, #tpu.memory_space<vmem>> -> memref<120x128xf32, #tpu.memory_space<vmem>>
      tpu.enqueue_dma source(%dma_start3A_55 : memref<120x128xf32, #tpu.memory_space<vmem>>) target(%dma_start3A_52 : memref<120x128xf32, #tpu.memory_space<vmem_shared>>) target_semaphore(%run_scoped3A : memref<!tpu.dma_semaphore, #tpu.memory_space<semaphore_mem>>)
      %dma_wait3A = arith.constant 0 : i32
      %dma_wait3A_56 = arith.constant 0 : i32
      %dma_wait3A_57 = tpu.memref_slice %arg8[%dma_wait3A, %dma_wait3A_56] : memref<128x128xf32, #tpu.memory_space<vmem>> -> memref<120x128xf32, #tpu.memory_space<vmem>>
      %dma_wait3A_58 = arith.constant 0 : i32
      %dma_wait3A_59 = tpu.memref_slice %arg9[%add3A_18, %dma_wait3A_58] : memref<10112x128xf32, #tpu.memory_space<vmem_shared>> -> memref<120x128xf32, #tpu.memory_space<vmem_shared>>
      %dma_wait3A_60 = arith.constant 0 : i32
      %dma_wait3A_61 = tpu.memref_slice %arg9[%add3A_18, %dma_wait3A_60] : memref<10112x128xf32, #tpu.memory_space<vmem_shared>> -> memref<120x128xf32, #tpu.memory_space<vmem_shared>>
      %dma_wait3A_62 = arith.constant 0 : i32
      %dma_wait3A_63 = arith.constant 0 : i32
      %dma_wait3A_64 = tpu.memref_slice %arg8[%dma_wait3A_62, %dma_wait3A_63] : memref<128x128xf32, #tpu.memory_space<vmem>> -> memref<120x128xf32, #tpu.memory_space<vmem>>
      tpu.wait_dma2 semaphore(%run_scoped3A : memref<!tpu.dma_semaphore, #tpu.memory_space<semaphore_mem>>) src(%dma_wait3A_64 : memref<120x128xf32, #tpu.memory_space<vmem>>) dst(%dma_wait3A_61 : memref<120x128xf32, #tpu.memory_space<vmem_shared>>)
      tpu.yield
    }) : () -> ()
    %barrier3A = arith.constant 0 : index
    tpu.barrier barrier_id(%barrier3A)
    %scan3A_19 = arith.constant 0 : i32
    %scan3A_20 = arith.constant 0 : i32
    %scan3A_21 = arith.constant 79 : i32
    %scan3A_22 = arith.addi %scan3A_20, %scan3A_21 : i32
    %scan3A_23 = arith.constant 1 : i32
    %scan3A_24 = scf.for %scan3A_47 = %scan3A_20 to %scan3A_22 step %scan3A_23 iter_args(%scan3A_48 = %scan3A_19) -> (i32)  : i32 {
      %mul3A_49 = arith.constant 10112 : i32
      %mul3A_50 = arith.muli %add3A, %mul3A_49 : i32
      %mul3A_51 = arith.constant 128 : i32
      %mul3A_52 = arith.muli %scan3A_47, %mul3A_51 : i32
      %add3A_53 = arith.addi %mul3A_50, %mul3A_52 : i32
      "tpu.region"() ({
        %run_scoped3A = tpu.sem_alloc : memref<!tpu.dma_semaphore, #tpu.memory_space<semaphore_mem>>
        %dma_start3A_59 = tpu.memref_slice %arg3[%add3A_53] : memref<323584xi32, #tpu.memory_space<hbm>> -> memref<128xi32, #tpu.memory_space<hbm>>
        %dma_start3A_60 = tpu.memref_slice %arg3[%add3A_53] : memref<323584xi32, #tpu.memory_space<hbm>> -> memref<128xi32, #tpu.memory_space<hbm>>
        tpu.enqueue_dma source(%dma_start3A_60 : memref<128xi32, #tpu.memory_space<hbm>>) target(%arg6 : memref<128xi32, #tpu.memory_space<vmem>>) target_semaphore(%run_scoped3A : memref<!tpu.dma_semaphore, #tpu.memory_space<semaphore_mem>>)
        %dma_wait3A_61 = tpu.memref_slice %arg3[%add3A_53] : memref<323584xi32, #tpu.memory_space<hbm>> -> memref<128xi32, #tpu.memory_space<hbm>>
        %dma_wait3A_62 = tpu.memref_slice %arg3[%add3A_53] : memref<323584xi32, #tpu.memory_space<hbm>> -> memref<128xi32, #tpu.memory_space<hbm>>
        tpu.wait_dma2 semaphore(%run_scoped3A : memref<!tpu.dma_semaphore, #tpu.memory_space<semaphore_mem>>) src(%dma_wait3A_62 : memref<128xi32, #tpu.memory_space<hbm>>) dst(%arg6 : memref<128xi32, #tpu.memory_space<vmem>>)
        tpu.yield
      }) : () -> ()
      "tpu.region"() ({
        %run_scoped3A = tpu.sem_alloc : memref<!tpu.dma_semaphore, #tpu.memory_space<semaphore_mem>>
        %dma_start3A_59 = tpu.memref_slice %arg4[%add3A_53] : memref<323584xi32, #tpu.memory_space<hbm>> -> memref<128xi32, #tpu.memory_space<hbm>>
        %dma_start3A_60 = tpu.memref_slice %arg4[%add3A_53] : memref<323584xi32, #tpu.memory_space<hbm>> -> memref<128xi32, #tpu.memory_space<hbm>>
        tpu.enqueue_dma source(%dma_start3A_60 : memref<128xi32, #tpu.memory_space<hbm>>) target(%arg7 : memref<128xi32, #tpu.memory_space<vmem>>) target_semaphore(%run_scoped3A : memref<!tpu.dma_semaphore, #tpu.memory_space<semaphore_mem>>)
        %dma_wait3A_61 = tpu.memref_slice %arg4[%add3A_53] : memref<323584xi32, #tpu.memory_space<hbm>> -> memref<128xi32, #tpu.memory_space<hbm>>
        %dma_wait3A_62 = tpu.memref_slice %arg4[%add3A_53] : memref<323584xi32, #tpu.memory_space<hbm>> -> memref<128xi32, #tpu.memory_space<hbm>>
        tpu.wait_dma2 semaphore(%run_scoped3A : memref<!tpu.dma_semaphore, #tpu.memory_space<semaphore_mem>>) src(%dma_wait3A_62 : memref<128xi32, #tpu.memory_space<hbm>>) dst(%arg7 : memref<128xi32, #tpu.memory_space<vmem>>)
        tpu.yield
      }) : () -> ()
      %dma_start3A = arith.constant 0 : i32
      %dma_start3A_54 = arith.constant 0 : i32
      %dma_start3A_55 = tpu.memref_slice %arg2[%dma_start3A, %dma_start3A_54] : memref<10000x128xf32, #tpu.memory_space<hbm>> -> memref<10000x128xf32, #tpu.memory_space<hbm>>
      tpu.enqueue_indirect_dma source(%dma_start3A_55 : memref<10000x128xf32, #tpu.memory_space<hbm>>) target(%arg8 : memref<128x128xf32, #tpu.memory_space<vmem>>) offsets(%arg6 : memref<128xi32, #tpu.memory_space<vmem>>) semaphore(%arg10 : memref<!tpu.dma_semaphore, #tpu.memory_space<semaphore_mem>>)
      %dma_wait3A = arith.constant 0 : i32
      %dma_wait3A_56 = arith.constant 0 : i32
      %dma_wait3A_57 = tpu.memref_slice %arg2[%dma_wait3A, %dma_wait3A_56] : memref<10000x128xf32, #tpu.memory_space<hbm>> -> memref<10000x128xf32, #tpu.memory_space<hbm>>
      tpu.wait_indirect_dma semaphore(%arg10 : memref<!tpu.dma_semaphore, #tpu.memory_space<semaphore_mem>>) src(%dma_wait3A_57 : memref<10000x128xf32, #tpu.memory_space<hbm>>) dst(%arg8 : memref<128x128xf32, #tpu.memory_space<vmem>>)
      "tpu.region"() ({
        %run_scoped3A = tpu.sem_alloc : memref<!tpu.dma_semaphore, #tpu.memory_space<semaphore_mem>>
        %dma_start3A_59 = arith.constant 0 : i32
        %dma_start3A_60 = arith.constant 0 : i32
        %dma_start3A_61 = tpu.memref_slice %arg9[%dma_start3A_59, %dma_start3A_60] : memref<10112x128xf32, #tpu.memory_space<vmem_shared>> -> memref<10112x128xf32, #tpu.memory_space<vmem_shared>>
        tpu.enqueue_indirect_dma source(%arg8 : memref<128x128xf32, #tpu.memory_space<vmem>>) target(%dma_start3A_61 : memref<10112x128xf32, #tpu.memory_space<vmem_shared>>) offsets(%arg7 : memref<128xi32, #tpu.memory_space<vmem>>) semaphore(%run_scoped3A : memref<!tpu.dma_semaphore, #tpu.memory_space<semaphore_mem>>) {add = true}
        %dma_wait3A_62 = arith.constant 0 : i32
        %dma_wait3A_63 = arith.constant 0 : i32
        %dma_wait3A_64 = tpu.memref_slice %arg9[%dma_wait3A_62, %dma_wait3A_63] : memref<10112x128xf32, #tpu.memory_space<vmem_shared>> -> memref<10112x128xf32, #tpu.memory_space<vmem_shared>>
        tpu.wait_indirect_dma semaphore(%run_scoped3A : memref<!tpu.dma_semaphore, #tpu.memory_space<semaphore_mem>>) src(%arg8 : memref<128x128xf32, #tpu.memory_space<vmem>>) dst(%dma_wait3A_64 : memref<10112x128xf32, #tpu.memory_space<vmem_shared>>)
        tpu.yield
      }) : () -> ()
      %scan3A_58 = arith.constant 0 : i32
      scf.yield %scan3A_58 : i32
    }
    %scan3A_25 = arith.constant 79 : i32
    %barrier3A_26 = arith.constant 0 : index
    tpu.barrier barrier_id(%barrier3A_26)
    %add3A_27 = arith.constant 0 : i32
    %add3A_28 = arith.addi %mul3A_2, %add3A_27 : i32
    "tpu.region"() ({
      %run_scoped3A = tpu.sem_alloc : memref<!tpu.dma_semaphore, #tpu.memory_space<semaphore_mem>>
      %dma_start3A = arith.constant 0 : i32
      %dma_start3A_47 = arith.constant 0 : i32
      %dma_start3A_48 = tpu.memref_slice %arg8[%dma_start3A, %dma_start3A_47] : memref<128x128xf32, #tpu.memory_space<vmem>> -> memref<128x128xf32, #tpu.memory_space<vmem>>
      %dma_start3A_49 = arith.constant 0 : i32
      %dma_start3A_50 = tpu.memref_slice %arg9[%add3A_28, %dma_start3A_49] : memref<10112x128xf32, #tpu.memory_space<vmem_shared>> -> memref<128x128xf32, #tpu.memory_space<vmem_shared>>
      %dma_start3A_51 = arith.constant 0 : i32
      %dma_start3A_52 = arith.constant 0 : i32
      %dma_start3A_53 = tpu.memref_slice %arg8[%dma_start3A_51, %dma_start3A_52] : memref<128x128xf32, #tpu.memory_space<vmem>> -> memref<128x128xf32, #tpu.memory_space<vmem>>
      %dma_start3A_54 = arith.constant 0 : i32
      %dma_start3A_55 = tpu.memref_slice %arg9[%add3A_28, %dma_start3A_54] : memref<10112x128xf32, #tpu.memory_space<vmem_shared>> -> memref<128x128xf32, #tpu.memory_space<vmem_shared>>
      tpu.enqueue_dma source(%dma_start3A_55 : memref<128x128xf32, #tpu.memory_space<vmem_shared>>) target(%dma_start3A_53 : memref<128x128xf32, #tpu.memory_space<vmem>>) target_semaphore(%run_scoped3A : memref<!tpu.dma_semaphore, #tpu.memory_space<semaphore_mem>>)
      %dma_wait3A = arith.constant 0 : i32
      %dma_wait3A_56 = arith.constant 0 : i32
      %dma_wait3A_57 = tpu.memref_slice %arg8[%dma_wait3A, %dma_wait3A_56] : memref<128x128xf32, #tpu.memory_space<vmem>> -> memref<128x128xf32, #tpu.memory_space<vmem>>
      %dma_wait3A_58 = arith.constant 0 : i32
      %dma_wait3A_59 = tpu.memref_slice %arg9[%add3A_28, %dma_wait3A_58] : memref<10112x128xf32, #tpu.memory_space<vmem_shared>> -> memref<128x128xf32, #tpu.memory_space<vmem_shared>>
      %dma_wait3A_60 = arith.constant 0 : i32
      %dma_wait3A_61 = arith.constant 0 : i32
      %dma_wait3A_62 = tpu.memref_slice %arg8[%dma_wait3A_60, %dma_wait3A_61] : memref<128x128xf32, #tpu.memory_space<vmem>> -> memref<128x128xf32, #tpu.memory_space<vmem>>
      %dma_wait3A_63 = arith.constant 0 : i32
      %dma_wait3A_64 = tpu.memref_slice %arg9[%add3A_28, %dma_wait3A_63] : memref<10112x128xf32, #tpu.memory_space<vmem_shared>> -> memref<128x128xf32, #tpu.memory_space<vmem_shared>>
      tpu.wait_dma2 semaphore(%run_scoped3A : memref<!tpu.dma_semaphore, #tpu.memory_space<semaphore_mem>>) src(%dma_wait3A_64 : memref<128x128xf32, #tpu.memory_space<vmem_shared>>) dst(%dma_wait3A_62 : memref<128x128xf32, #tpu.memory_space<vmem>>)
      tpu.yield
    }) : () -> ()
    %add3A_29 = arith.constant 0 : i32
    %add3A_30 = arith.addi %mul3A_2, %add3A_29 : i32
    "tpu.region"() ({
      %run_scoped3A = tpu.sem_alloc : memref<!tpu.dma_semaphore, #tpu.memory_space<semaphore_mem>>
      %dma_start3A = arith.constant 0 : i32
      %dma_start3A_47 = arith.constant 0 : i32
      %dma_start3A_48 = tpu.memref_slice %arg8[%dma_start3A, %dma_start3A_47] : memref<128x128xf32, #tpu.memory_space<vmem>> -> memref<128x128xf32, #tpu.memory_space<vmem>>
      %dma_start3A_49 = arith.constant 0 : i32
      %dma_start3A_50 = tpu.memref_slice %arg5[%arg0, %add3A_30, %dma_start3A_49] : memref<2x10112x128xf32, #tpu.memory_space<hbm>> -> memref<1x128x128xf32, #tpu.memory_space<hbm>>
      %dma_start3A_51 = tpu.memref_squeeze %dma_start3A_50 : memref<1x128x128xf32, #tpu.memory_space<hbm>> -> memref<128x128xf32, #tpu.memory_space<hbm>>
      %dma_start3A_52 = arith.constant 0 : i32
      %dma_start3A_53 = tpu.memref_slice %arg5[%arg0, %add3A_30, %dma_start3A_52] : memref<2x10112x128xf32, #tpu.memory_space<hbm>> -> memref<1x128x128xf32, #tpu.memory_space<hbm>>
      %dma_start3A_54 = tpu.memref_squeeze %dma_start3A_53 : memref<1x128x128xf32, #tpu.memory_space<hbm>> -> memref<128x128xf32, #tpu.memory_space<hbm>>
      %dma_start3A_55 = arith.constant 0 : i32
      %dma_start3A_56 = arith.constant 0 : i32
      %dma_start3A_57 = tpu.memref_slice %arg8[%dma_start3A_55, %dma_start3A_56] : memref<128x128xf32, #tpu.memory_space<vmem>> -> memref<128x128xf32, #tpu.memory_space<vmem>>
      tpu.enqueue_dma source(%dma_start3A_57 : memref<128x128xf32, #tpu.memory_space<vmem>>) target(%dma_start3A_54 : memref<128x128xf32, #tpu.memory_space<hbm>>) target_semaphore(%run_scoped3A : memref<!tpu.dma_semaphore, #tpu.memory_space<semaphore_mem>>)
      %dma_wait3A = arith.constant 0 : i32
      %dma_wait3A_58 = arith.constant 0 : i32
      %dma_wait3A_59 = tpu.memref_slice %arg8[%dma_wait3A, %dma_wait3A_58] : memref<128x128xf32, #tpu.memory_space<vmem>> -> memref<128x128xf32, #tpu.memory_space<vmem>>
      %dma_wait3A_60 = arith.constant 0 : i32
      %dma_wait3A_61 = tpu.memref_slice %arg5[%arg0, %add3A_30, %dma_wait3A_60] : memref<2x10112x128xf32, #tpu.memory_space<hbm>> -> memref<1x128x128xf32, #tpu.memory_space<hbm>>
      %dma_wait3A_62 = tpu.memref_squeeze %dma_wait3A_61 : memref<1x128x128xf32, #tpu.memory_space<hbm>> -> memref<128x128xf32, #tpu.memory_space<hbm>>
      %dma_wait3A_63 = arith.constant 0 : i32
      %dma_wait3A_64 = tpu.memref_slice %arg5[%arg0, %add3A_30, %dma_wait3A_63] : memref<2x10112x128xf32, #tpu.memory_space<hbm>> -> memref<1x128x128xf32, #tpu.memory_space<hbm>>
      %dma_wait3A_65 = tpu.memref_squeeze %dma_wait3A_64 : memref<1x128x128xf32, #tpu.memory_space<hbm>> -> memref<128x128xf32, #tpu.memory_space<hbm>>
      %dma_wait3A_66 = arith.constant 0 : i32
      %dma_wait3A_67 = arith.constant 0 : i32
      %dma_wait3A_68 = tpu.memref_slice %arg8[%dma_wait3A_66, %dma_wait3A_67] : memref<128x128xf32, #tpu.memory_space<vmem>> -> memref<128x128xf32, #tpu.memory_space<vmem>>
      tpu.wait_dma2 semaphore(%run_scoped3A : memref<!tpu.dma_semaphore, #tpu.memory_space<semaphore_mem>>) src(%dma_wait3A_68 : memref<128x128xf32, #tpu.memory_space<vmem>>) dst(%dma_wait3A_65 : memref<128x128xf32, #tpu.memory_space<hbm>>)
      tpu.yield
    }) : () -> ()
    %add3A_31 = arith.constant 128 : i32
    %add3A_32 = arith.addi %mul3A_2, %add3A_31 : i32
    "tpu.region"() ({
      %run_scoped3A = tpu.sem_alloc : memref<!tpu.dma_semaphore, #tpu.memory_space<semaphore_mem>>
      %dma_start3A = arith.constant 0 : i32
      %dma_start3A_47 = arith.constant 0 : i32
      %dma_start3A_48 = tpu.memref_slice %arg8[%dma_start3A, %dma_start3A_47] : memref<128x128xf32, #tpu.memory_space<vmem>> -> memref<128x128xf32, #tpu.memory_space<vmem>>
      %dma_start3A_49 = arith.constant 0 : i32
      %dma_start3A_50 = tpu.memref_slice %arg9[%add3A_32, %dma_start3A_49] : memref<10112x128xf32, #tpu.memory_space<vmem_shared>> -> memref<128x128xf32, #tpu.memory_space<vmem_shared>>
      %dma_start3A_51 = arith.constant 0 : i32
      %dma_start3A_52 = arith.constant 0 : i32
      %dma_start3A_53 = tpu.memref_slice %arg8[%dma_start3A_51, %dma_start3A_52] : memref<128x128xf32, #tpu.memory_space<vmem>> -> memref<128x128xf32, #tpu.memory_space<vmem>>
      %dma_start3A_54 = arith.constant 0 : i32
      %dma_start3A_55 = tpu.memref_slice %arg9[%add3A_32, %dma_start3A_54] : memref<10112x128xf32, #tpu.memory_space<vmem_shared>> -> memref<128x128xf32, #tpu.memory_space<vmem_shared>>
      tpu.enqueue_dma source(%dma_start3A_55 : memref<128x128xf32, #tpu.memory_space<vmem_shared>>) target(%dma_start3A_53 : memref<128x128xf32, #tpu.memory_space<vmem>>) target_semaphore(%run_scoped3A : memref<!tpu.dma_semaphore, #tpu.memory_space<semaphore_mem>>)
      %dma_wait3A = arith.constant 0 : i32
      %dma_wait3A_56 = arith.constant 0 : i32
      %dma_wait3A_57 = tpu.memref_slice %arg8[%dma_wait3A, %dma_wait3A_56] : memref<128x128xf32, #tpu.memory_space<vmem>> -> memref<128x128xf32, #tpu.memory_space<vmem>>
      %dma_wait3A_58 = arith.constant 0 : i32
      %dma_wait3A_59 = tpu.memref_slice %arg9[%add3A_32, %dma_wait3A_58] : memref<10112x128xf32, #tpu.memory_space<vmem_shared>> -> memref<128x128xf32, #tpu.memory_space<vmem_shared>>
      %dma_wait3A_60 = arith.constant 0 : i32
      %dma_wait3A_61 = arith.constant 0 : i32
      %dma_wait3A_62 = tpu.memref_slice %arg8[%dma_wait3A_60, %dma_wait3A_61] : memref<128x128xf32, #tpu.memory_space<vmem>> -> memref<128x128xf32, #tpu.memory_space<vmem>>
      %dma_wait3A_63 = arith.constant 0 : i32
      %dma_wait3A_64 = tpu.memref_slice %arg9[%add3A_32, %dma_wait3A_63] : memref<10112x128xf32, #tpu.memory_space<vmem_shared>> -> memref<128x128xf32, #tpu.memory_space<vmem_shared>>
      tpu.wait_dma2 semaphore(%run_scoped3A : memref<!tpu.dma_semaphore, #tpu.memory_space<semaphore_mem>>) src(%dma_wait3A_64 : memref<128x128xf32, #tpu.memory_space<vmem_shared>>) dst(%dma_wait3A_62 : memref<128x128xf32, #tpu.memory_space<vmem>>)
      tpu.yield
    }) : () -> ()
    %add3A_33 = arith.constant 128 : i32
    %add3A_34 = arith.addi %mul3A_2, %add3A_33 : i32
    "tpu.region"() ({
      %run_scoped3A = tpu.sem_alloc : memref<!tpu.dma_semaphore, #tpu.memory_space<semaphore_mem>>
      %dma_start3A = arith.constant 0 : i32
      %dma_start3A_47 = arith.constant 0 : i32
      %dma_start3A_48 = tpu.memref_slice %arg8[%dma_start3A, %dma_start3A_47] : memref<128x128xf32, #tpu.memory_space<vmem>> -> memref<128x128xf32, #tpu.memory_space<vmem>>
      %dma_start3A_49 = arith.constant 0 : i32
      %dma_start3A_50 = tpu.memref_slice %arg5[%arg0, %add3A_34, %dma_start3A_49] : memref<2x10112x128xf32, #tpu.memory_space<hbm>> -> memref<1x128x128xf32, #tpu.memory_space<hbm>>
      %dma_start3A_51 = tpu.memref_squeeze %dma_start3A_50 : memref<1x128x128xf32, #tpu.memory_space<hbm>> -> memref<128x128xf32, #tpu.memory_space<hbm>>
      %dma_start3A_52 = arith.constant 0 : i32
      %dma_start3A_53 = tpu.memref_slice %arg5[%arg0, %add3A_34, %dma_start3A_52] : memref<2x10112x128xf32, #tpu.memory_space<hbm>> -> memref<1x128x128xf32, #tpu.memory_space<hbm>>
      %dma_start3A_54 = tpu.memref_squeeze %dma_start3A_53 : memref<1x128x128xf32, #tpu.memory_space<hbm>> -> memref<128x128xf32, #tpu.memory_space<hbm>>
      %dma_start3A_55 = arith.constant 0 : i32
      %dma_start3A_56 = arith.constant 0 : i32
      %dma_start3A_57 = tpu.memref_slice %arg8[%dma_start3A_55, %dma_start3A_56] : memref<128x128xf32, #tpu.memory_space<vmem>> -> memref<128x128xf32, #tpu.memory_space<vmem>>
      tpu.enqueue_dma source(%dma_start3A_57 : memref<128x128xf32, #tpu.memory_space<vmem>>) target(%dma_start3A_54 : memref<128x128xf32, #tpu.memory_space<hbm>>) target_semaphore(%run_scoped3A : memref<!tpu.dma_semaphore, #tpu.memory_space<semaphore_mem>>)
      %dma_wait3A = arith.constant 0 : i32
      %dma_wait3A_58 = arith.constant 0 : i32
      %dma_wait3A_59 = tpu.memref_slice %arg8[%dma_wait3A, %dma_wait3A_58] : memref<128x128xf32, #tpu.memory_space<vmem>> -> memref<128x128xf32, #tpu.memory_space<vmem>>
      %dma_wait3A_60 = arith.constant 0 : i32
      %dma_wait3A_61 = tpu.memref_slice %arg5[%arg0, %add3A_34, %dma_wait3A_60] : memref<2x10112x128xf32, #tpu.memory_space<hbm>> -> memref<1x128x128xf32, #tpu.memory_space<hbm>>
      %dma_wait3A_62 = tpu.memref_squeeze %dma_wait3A_61 : memref<1x128x128xf32, #tpu.memory_space<hbm>> -> memref<128x128xf32, #tpu.memory_space<hbm>>
      %dma_wait3A_63 = arith.constant 0 : i32
      %dma_wait3A_64 = tpu.memref_slice %arg5[%arg0, %add3A_34, %dma_wait3A_63] : memref<2x10112x128xf32, #tpu.memory_space<hbm>> -> memref<1x128x128xf32, #tpu.memory_space<hbm>>
      %dma_wait3A_65 = tpu.memref_squeeze %dma_wait3A_64 : memref<1x128x128xf32, #tpu.memory_space<hbm>> -> memref<128x128xf32, #tpu.memory_space<hbm>>
      %dma_wait3A_66 = arith.constant 0 : i32
      %dma_wait3A_67 = arith.constant 0 : i32
      %dma_wait3A_68 = tpu.memref_slice %arg8[%dma_wait3A_66, %dma_wait3A_67] : memref<128x128xf32, #tpu.memory_space<vmem>> -> memref<128x128xf32, #tpu.memory_space<vmem>>
      tpu.wait_dma2 semaphore(%run_scoped3A : memref<!tpu.dma_semaphore, #tpu.memory_space<semaphore_mem>>) src(%dma_wait3A_68 : memref<128x128xf32, #tpu.memory_space<vmem>>) dst(%dma_wait3A_65 : memref<128x128xf32, #tpu.memory_space<hbm>>)
      tpu.yield
    }) : () -> ()
    %add3A_35 = arith.constant 256 : i32
    %add3A_36 = arith.addi %mul3A_2, %add3A_35 : i32
    "tpu.region"() ({
      %run_scoped3A = tpu.sem_alloc : memref<!tpu.dma_semaphore, #tpu.memory_space<semaphore_mem>>
      %dma_start3A = arith.constant 0 : i32
      %dma_start3A_47 = arith.constant 0 : i32
      %dma_start3A_48 = tpu.memref_slice %arg8[%dma_start3A, %dma_start3A_47] : memref<128x128xf32, #tpu.memory_space<vmem>> -> memref<128x128xf32, #tpu.memory_space<vmem>>
      %dma_start3A_49 = arith.constant 0 : i32
      %dma_start3A_50 = tpu.memref_slice %arg9[%add3A_36, %dma_start3A_49] : memref<10112x128xf32, #tpu.memory_space<vmem_shared>> -> memref<128x128xf32, #tpu.memory_space<vmem_shared>>
      %dma_start3A_51 = arith.constant 0 : i32
      %dma_start3A_52 = arith.constant 0 : i32
      %dma_start3A_53 = tpu.memref_slice %arg8[%dma_start3A_51, %dma_start3A_52] : memref<128x128xf32, #tpu.memory_space<vmem>> -> memref<128x128xf32, #tpu.memory_space<vmem>>
      %dma_start3A_54 = arith.constant 0 : i32
      %dma_start3A_55 = tpu.memref_slice %arg9[%add3A_36, %dma_start3A_54] : memref<10112x128xf32, #tpu.memory_space<vmem_shared>> -> memref<128x128xf32, #tpu.memory_space<vmem_shared>>
      tpu.enqueue_dma source(%dma_start3A_55 : memref<128x128xf32, #tpu.memory_space<vmem_shared>>) target(%dma_start3A_53 : memref<128x128xf32, #tpu.memory_space<vmem>>) target_semaphore(%run_scoped3A : memref<!tpu.dma_semaphore, #tpu.memory_space<semaphore_mem>>)
      %dma_wait3A = arith.constant 0 : i32
      %dma_wait3A_56 = arith.constant 0 : i32
      %dma_wait3A_57 = tpu.memref_slice %arg8[%dma_wait3A, %dma_wait3A_56] : memref<128x128xf32, #tpu.memory_space<vmem>> -> memref<128x128xf32, #tpu.memory_space<vmem>>
      %dma_wait3A_58 = arith.constant 0 : i32
      %dma_wait3A_59 = tpu.memref_slice %arg9[%add3A_36, %dma_wait3A_58] : memref<10112x128xf32, #tpu.memory_space<vmem_shared>> -> memref<128x128xf32, #tpu.memory_space<vmem_shared>>
      %dma_wait3A_60 = arith.constant 0 : i32
      %dma_wait3A_61 = arith.constant 0 : i32
      %dma_wait3A_62 = tpu.memref_slice %arg8[%dma_wait3A_60, %dma_wait3A_61] : memref<128x128xf32, #tpu.memory_space<vmem>> -> memref<128x128xf32, #tpu.memory_space<vmem>>
      %dma_wait3A_63 = arith.constant 0 : i32
      %dma_wait3A_64 = tpu.memref_slice %arg9[%add3A_36, %dma_wait3A_63] : memref<10112x128xf32, #tpu.memory_space<vmem_shared>> -> memref<128x128xf32, #tpu.memory_space<vmem_shared>>
      tpu.wait_dma2 semaphore(%run_scoped3A : memref<!tpu.dma_semaphore, #tpu.memory_space<semaphore_mem>>) src(%dma_wait3A_64 : memref<128x128xf32, #tpu.memory_space<vmem_shared>>) dst(%dma_wait3A_62 : memref<128x128xf32, #tpu.memory_space<vmem>>)
      tpu.yield
    }) : () -> ()
    %add3A_37 = arith.constant 256 : i32
    %add3A_38 = arith.addi %mul3A_2, %add3A_37 : i32
    "tpu.region"() ({
      %run_scoped3A = tpu.sem_alloc : memref<!tpu.dma_semaphore, #tpu.memory_space<semaphore_mem>>
      %dma_start3A = arith.constant 0 : i32
      %dma_start3A_47 = arith.constant 0 : i32
      %dma_start3A_48 = tpu.memref_slice %arg8[%dma_start3A, %dma_start3A_47] : memref<128x128xf32, #tpu.memory_space<vmem>> -> memref<128x128xf32, #tpu.memory_space<vmem>>
      %dma_start3A_49 = arith.constant 0 : i32
      %dma_start3A_50 = tpu.memref_slice %arg5[%arg0, %add3A_38, %dma_start3A_49] : memref<2x10112x128xf32, #tpu.memory_space<hbm>> -> memref<1x128x128xf32, #tpu.memory_space<hbm>>
      %dma_start3A_51 = tpu.memref_squeeze %dma_start3A_50 : memref<1x128x128xf32, #tpu.memory_space<hbm>> -> memref<128x128xf32, #tpu.memory_space<hbm>>
      %dma_start3A_52 = arith.constant 0 : i32
      %dma_start3A_53 = tpu.memref_slice %arg5[%arg0, %add3A_38, %dma_start3A_52] : memref<2x10112x128xf32, #tpu.memory_space<hbm>> -> memref<1x128x128xf32, #tpu.memory_space<hbm>>
      %dma_start3A_54 = tpu.memref_squeeze %dma_start3A_53 : memref<1x128x128xf32, #tpu.memory_space<hbm>> -> memref<128x128xf32, #tpu.memory_space<hbm>>
      %dma_start3A_55 = arith.constant 0 : i32
      %dma_start3A_56 = arith.constant 0 : i32
      %dma_start3A_57 = tpu.memref_slice %arg8[%dma_start3A_55, %dma_start3A_56] : memref<128x128xf32, #tpu.memory_space<vmem>> -> memref<128x128xf32, #tpu.memory_space<vmem>>
      tpu.enqueue_dma source(%dma_start3A_57 : memref<128x128xf32, #tpu.memory_space<vmem>>) target(%dma_start3A_54 : memref<128x128xf32, #tpu.memory_space<hbm>>) target_semaphore(%run_scoped3A : memref<!tpu.dma_semaphore, #tpu.memory_space<semaphore_mem>>)
      %dma_wait3A = arith.constant 0 : i32
      %dma_wait3A_58 = arith.constant 0 : i32
      %dma_wait3A_59 = tpu.memref_slice %arg8[%dma_wait3A, %dma_wait3A_58] : memref<128x128xf32, #tpu.memory_space<vmem>> -> memref<128x128xf32, #tpu.memory_space<vmem>>
      %dma_wait3A_60 = arith.constant 0 : i32
      %dma_wait3A_61 = tpu.memref_slice %arg5[%arg0, %add3A_38, %dma_wait3A_60] : memref<2x10112x128xf32, #tpu.memory_space<hbm>> -> memref<1x128x128xf32, #tpu.memory_space<hbm>>
      %dma_wait3A_62 = tpu.memref_squeeze %dma_wait3A_61 : memref<1x128x128xf32, #tpu.memory_space<hbm>> -> memref<128x128xf32, #tpu.memory_space<hbm>>
      %dma_wait3A_63 = arith.constant 0 : i32
      %dma_wait3A_64 = tpu.memref_slice %arg5[%arg0, %add3A_38, %dma_wait3A_63] : memref<2x10112x128xf32, #tpu.memory_space<hbm>> -> memref<1x128x128xf32, #tpu.memory_space<hbm>>
      %dma_wait3A_65 = tpu.memref_squeeze %dma_wait3A_64 : memref<1x128x128xf32, #tpu.memory_space<hbm>> -> memref<128x128xf32, #tpu.memory_space<hbm>>
      %dma_wait3A_66 = arith.constant 0 : i32
      %dma_wait3A_67 = arith.constant 0 : i32
      %dma_wait3A_68 = tpu.memref_slice %arg8[%dma_wait3A_66, %dma_wait3A_67] : memref<128x128xf32, #tpu.memory_space<vmem>> -> memref<128x128xf32, #tpu.memory_space<vmem>>
      tpu.wait_dma2 semaphore(%run_scoped3A : memref<!tpu.dma_semaphore, #tpu.memory_space<semaphore_mem>>) src(%dma_wait3A_68 : memref<128x128xf32, #tpu.memory_space<vmem>>) dst(%dma_wait3A_65 : memref<128x128xf32, #tpu.memory_space<hbm>>)
      tpu.yield
    }) : () -> ()
    %add3A_39 = arith.constant 384 : i32
    %add3A_40 = arith.addi %mul3A_2, %add3A_39 : i32
    "tpu.region"() ({
      %run_scoped3A = tpu.sem_alloc : memref<!tpu.dma_semaphore, #tpu.memory_space<semaphore_mem>>
      %dma_start3A = arith.constant 0 : i32
      %dma_start3A_47 = arith.constant 0 : i32
      %dma_start3A_48 = tpu.memref_slice %arg8[%dma_start3A, %dma_start3A_47] : memref<128x128xf32, #tpu.memory_space<vmem>> -> memref<128x128xf32, #tpu.memory_space<vmem>>
      %dma_start3A_49 = arith.constant 0 : i32
      %dma_start3A_50 = tpu.memref_slice %arg9[%add3A_40, %dma_start3A_49] : memref<10112x128xf32, #tpu.memory_space<vmem_shared>> -> memref<128x128xf32, #tpu.memory_space<vmem_shared>>
      %dma_start3A_51 = arith.constant 0 : i32
      %dma_start3A_52 = arith.constant 0 : i32
      %dma_start3A_53 = tpu.memref_slice %arg8[%dma_start3A_51, %dma_start3A_52] : memref<128x128xf32, #tpu.memory_space<vmem>> -> memref<128x128xf32, #tpu.memory_space<vmem>>
      %dma_start3A_54 = arith.constant 0 : i32
      %dma_start3A_55 = tpu.memref_slice %arg9[%add3A_40, %dma_start3A_54] : memref<10112x128xf32, #tpu.memory_space<vmem_shared>> -> memref<128x128xf32, #tpu.memory_space<vmem_shared>>
      tpu.enqueue_dma source(%dma_start3A_55 : memref<128x128xf32, #tpu.memory_space<vmem_shared>>) target(%dma_start3A_53 : memref<128x128xf32, #tpu.memory_space<vmem>>) target_semaphore(%run_scoped3A : memref<!tpu.dma_semaphore, #tpu.memory_space<semaphore_mem>>)
      %dma_wait3A = arith.constant 0 : i32
      %dma_wait3A_56 = arith.constant 0 : i32
      %dma_wait3A_57 = tpu.memref_slice %arg8[%dma_wait3A, %dma_wait3A_56] : memref<128x128xf32, #tpu.memory_space<vmem>> -> memref<128x128xf32, #tpu.memory_space<vmem>>
      %dma_wait3A_58 = arith.constant 0 : i32
      %dma_wait3A_59 = tpu.memref_slice %arg9[%add3A_40, %dma_wait3A_58] : memref<10112x128xf32, #tpu.memory_space<vmem_shared>> -> memref<128x128xf32, #tpu.memory_space<vmem_shared>>
      %dma_wait3A_60 = arith.constant 0 : i32
      %dma_wait3A_61 = arith.constant 0 : i32
      %dma_wait3A_62 = tpu.memref_slice %arg8[%dma_wait3A_60, %dma_wait3A_61] : memref<128x128xf32, #tpu.memory_space<vmem>> -> memref<128x128xf32, #tpu.memory_space<vmem>>
      %dma_wait3A_63 = arith.constant 0 : i32
      %dma_wait3A_64 = tpu.memref_slice %arg9[%add3A_40, %dma_wait3A_63] : memref<10112x128xf32, #tpu.memory_space<vmem_shared>> -> memref<128x128xf32, #tpu.memory_space<vmem_shared>>
      tpu.wait_dma2 semaphore(%run_scoped3A : memref<!tpu.dma_semaphore, #tpu.memory_space<semaphore_mem>>) src(%dma_wait3A_64 : memref<128x128xf32, #tpu.memory_space<vmem_shared>>) dst(%dma_wait3A_62 : memref<128x128xf32, #tpu.memory_space<vmem>>)
      tpu.yield
    }) : () -> ()
    %add3A_41 = arith.constant 384 : i32
    %add3A_42 = arith.addi %mul3A_2, %add3A_41 : i32
    "tpu.region"() ({
      %run_scoped3A = tpu.sem_alloc : memref<!tpu.dma_semaphore, #tpu.memory_space<semaphore_mem>>
      %dma_start3A = arith.constant 0 : i32
      %dma_start3A_47 = arith.constant 0 : i32
      %dma_start3A_48 = tpu.memref_slice %arg8[%dma_start3A, %dma_start3A_47] : memref<128x128xf32, #tpu.memory_space<vmem>> -> memref<128x128xf32, #tpu.memory_space<vmem>>
      %dma_start3A_49 = arith.constant 0 : i32
      %dma_start3A_50 = tpu.memref_slice %arg5[%arg0, %add3A_42, %dma_start3A_49] : memref<2x10112x128xf32, #tpu.memory_space<hbm>> -> memref<1x128x128xf32, #tpu.memory_space<hbm>>
      %dma_start3A_51 = tpu.memref_squeeze %dma_start3A_50 : memref<1x128x128xf32, #tpu.memory_space<hbm>> -> memref<128x128xf32, #tpu.memory_space<hbm>>
      %dma_start3A_52 = arith.constant 0 : i32
      %dma_start3A_53 = tpu.memref_slice %arg5[%arg0, %add3A_42, %dma_start3A_52] : memref<2x10112x128xf32, #tpu.memory_space<hbm>> -> memref<1x128x128xf32, #tpu.memory_space<hbm>>
      %dma_start3A_54 = tpu.memref_squeeze %dma_start3A_53 : memref<1x128x128xf32, #tpu.memory_space<hbm>> -> memref<128x128xf32, #tpu.memory_space<hbm>>
      %dma_start3A_55 = arith.constant 0 : i32
      %dma_start3A_56 = arith.constant 0 : i32
      %dma_start3A_57 = tpu.memref_slice %arg8[%dma_start3A_55, %dma_start3A_56] : memref<128x128xf32, #tpu.memory_space<vmem>> -> memref<128x128xf32, #tpu.memory_space<vmem>>
      tpu.enqueue_dma source(%dma_start3A_57 : memref<128x128xf32, #tpu.memory_space<vmem>>) target(%dma_start3A_54 : memref<128x128xf32, #tpu.memory_space<hbm>>) target_semaphore(%run_scoped3A : memref<!tpu.dma_semaphore, #tpu.memory_space<semaphore_mem>>)
      %dma_wait3A = arith.constant 0 : i32
      %dma_wait3A_58 = arith.constant 0 : i32
      %dma_wait3A_59 = tpu.memref_slice %arg8[%dma_wait3A, %dma_wait3A_58] : memref<128x128xf32, #tpu.memory_space<vmem>> -> memref<128x128xf32, #tpu.memory_space<vmem>>
      %dma_wait3A_60 = arith.constant 0 : i32
      %dma_wait3A_61 = tpu.memref_slice %arg5[%arg0, %add3A_42, %dma_wait3A_60] : memref<2x10112x128xf32, #tpu.memory_space<hbm>> -> memref<1x128x128xf32, #tpu.memory_space<hbm>>
      %dma_wait3A_62 = tpu.memref_squeeze %dma_wait3A_61 : memref<1x128x128xf32, #tpu.memory_space<hbm>> -> memref<128x128xf32, #tpu.memory_space<hbm>>
      %dma_wait3A_63 = arith.constant 0 : i32
      %dma_wait3A_64 = tpu.memref_slice %arg5[%arg0, %add3A_42, %dma_wait3A_63] : memref<2x10112x128xf32, #tpu.memory_space<hbm>> -> memref<1x128x128xf32, #tpu.memory_space<hbm>>
      %dma_wait3A_65 = tpu.memref_squeeze %dma_wait3A_64 : memref<1x128x128xf32, #tpu.memory_space<hbm>> -> memref<128x128xf32, #tpu.memory_space<hbm>>
      %dma_wait3A_66 = arith.constant 0 : i32
      %dma_wait3A_67 = arith.constant 0 : i32
      %dma_wait3A_68 = tpu.memref_slice %arg8[%dma_wait3A_66, %dma_wait3A_67] : memref<128x128xf32, #tpu.memory_space<vmem>> -> memref<128x128xf32, #tpu.memory_space<vmem>>
      tpu.wait_dma2 semaphore(%run_scoped3A : memref<!tpu.dma_semaphore, #tpu.memory_space<semaphore_mem>>) src(%dma_wait3A_68 : memref<128x128xf32, #tpu.memory_space<vmem>>) dst(%dma_wait3A_65 : memref<128x128xf32, #tpu.memory_space<hbm>>)
      tpu.yield
    }) : () -> ()
    %add3A_43 = arith.constant 512 : i32
    %add3A_44 = arith.addi %mul3A_2, %add3A_43 : i32
    "tpu.region"() ({
      %run_scoped3A = tpu.sem_alloc : memref<!tpu.dma_semaphore, #tpu.memory_space<semaphore_mem>>
      %dma_start3A = arith.constant 0 : i32
      %dma_start3A_47 = arith.constant 0 : i32
      %dma_start3A_48 = tpu.memref_slice %arg8[%dma_start3A, %dma_start3A_47] : memref<128x128xf32, #tpu.memory_space<vmem>> -> memref<120x128xf32, #tpu.memory_space<vmem>>
      %dma_start3A_49 = arith.constant 0 : i32
      %dma_start3A_50 = tpu.memref_slice %arg9[%add3A_44, %dma_start3A_49] : memref<10112x128xf32, #tpu.memory_space<vmem_shared>> -> memref<120x128xf32, #tpu.memory_space<vmem_shared>>
      %dma_start3A_51 = arith.constant 0 : i32
      %dma_start3A_52 = arith.constant 0 : i32
      %dma_start3A_53 = tpu.memref_slice %arg8[%dma_start3A_51, %dma_start3A_52] : memref<128x128xf32, #tpu.memory_space<vmem>> -> memref<120x128xf32, #tpu.memory_space<vmem>>
      %dma_start3A_54 = arith.constant 0 : i32
      %dma_start3A_55 = tpu.memref_slice %arg9[%add3A_44, %dma_start3A_54] : memref<10112x128xf32, #tpu.memory_space<vmem_shared>> -> memref<120x128xf32, #tpu.memory_space<vmem_shared>>
      tpu.enqueue_dma source(%dma_start3A_55 : memref<120x128xf32, #tpu.memory_space<vmem_shared>>) target(%dma_start3A_53 : memref<120x128xf32, #tpu.memory_space<vmem>>) target_semaphore(%run_scoped3A : memref<!tpu.dma_semaphore, #tpu.memory_space<semaphore_mem>>)
      %dma_wait3A = arith.constant 0 : i32
      %dma_wait3A_56 = arith.constant 0 : i32
      %dma_wait3A_57 = tpu.memref_slice %arg8[%dma_wait3A, %dma_wait3A_56] : memref<128x128xf32, #tpu.memory_space<vmem>> -> memref<120x128xf32, #tpu.memory_space<vmem>>
      %dma_wait3A_58 = arith.constant 0 : i32
      %dma_wait3A_59 = tpu.memref_slice %arg9[%add3A_44, %dma_wait3A_58] : memref<10112x128xf32, #tpu.memory_space<vmem_shared>> -> memref<120x128xf32, #tpu.memory_space<vmem_shared>>
      %dma_wait3A_60 = arith.constant 0 : i32
      %dma_wait3A_61 = arith.constant 0 : i32
      %dma_wait3A_62 = tpu.memref_slice %arg8[%dma_wait3A_60, %dma_wait3A_61] : memref<128x128xf32, #tpu.memory_space<vmem>> -> memref<120x128xf32, #tpu.memory_space<vmem>>
      %dma_wait3A_63 = arith.constant 0 : i32
      %dma_wait3A_64 = tpu.memref_slice %arg9[%add3A_44, %dma_wait3A_63] : memref<10112x128xf32, #tpu.memory_space<vmem_shared>> -> memref<120x128xf32, #tpu.memory_space<vmem_shared>>
      tpu.wait_dma2 semaphore(%run_scoped3A : memref<!tpu.dma_semaphore, #tpu.memory_space<semaphore_mem>>) src(%dma_wait3A_64 : memref<120x128xf32, #tpu.memory_space<vmem_shared>>) dst(%dma_wait3A_62 : memref<120x128xf32, #tpu.memory_space<vmem>>)
      tpu.yield
    }) : () -> ()
    %add3A_45 = arith.constant 512 : i32
    %add3A_46 = arith.addi %mul3A_2, %add3A_45 : i32
    "tpu.region"() ({
      %run_scoped3A = tpu.sem_alloc : memref<!tpu.dma_semaphore, #tpu.memory_space<semaphore_mem>>
      %dma_start3A = arith.constant 0 : i32
      %dma_start3A_47 = arith.constant 0 : i32
      %dma_start3A_48 = tpu.memref_slice %arg8[%dma_start3A, %dma_start3A_47] : memref<128x128xf32, #tpu.memory_space<vmem>> -> memref<120x128xf32, #tpu.memory_space<vmem>>
      %dma_start3A_49 = arith.constant 0 : i32
      %dma_start3A_50 = tpu.memref_slice %arg5[%arg0, %add3A_46, %dma_start3A_49] : memref<2x10112x128xf32, #tpu.memory_space<hbm>> -> memref<1x120x128xf32, #tpu.memory_space<hbm>>
      %dma_start3A_51 = tpu.memref_squeeze %dma_start3A_50 : memref<1x120x128xf32, #tpu.memory_space<hbm>> -> memref<120x128xf32, #tpu.memory_space<hbm>>
      %dma_start3A_52 = arith.constant 0 : i32
      %dma_start3A_53 = tpu.memref_slice %arg5[%arg0, %add3A_46, %dma_start3A_52] : memref<2x10112x128xf32, #tpu.memory_space<hbm>> -> memref<1x120x128xf32, #tpu.memory_space<hbm>>
      %dma_start3A_54 = tpu.memref_squeeze %dma_start3A_53 : memref<1x120x128xf32, #tpu.memory_space<hbm>> -> memref<120x128xf32, #tpu.memory_space<hbm>>
      %dma_start3A_55 = arith.constant 0 : i32
      %dma_start3A_56 = arith.constant 0 : i32
      %dma_start3A_57 = tpu.memref_slice %arg8[%dma_start3A_55, %dma_start3A_56] : memref<128x128xf32, #tpu.memory_space<vmem>> -> memref<120x128xf32, #tpu.memory_space<vmem>>
      tpu.enqueue_dma source(%dma_start3A_57 : memref<120x128xf32, #tpu.memory_space<vmem>>) target(%dma_start3A_54 : memref<120x128xf32, #tpu.memory_space<hbm>>) target_semaphore(%run_scoped3A : memref<!tpu.dma_semaphore, #tpu.memory_space<semaphore_mem>>)
      %dma_wait3A = arith.constant 0 : i32
      %dma_wait3A_58 = arith.constant 0 : i32
      %dma_wait3A_59 = tpu.memref_slice %arg8[%dma_wait3A, %dma_wait3A_58] : memref<128x128xf32, #tpu.memory_space<vmem>> -> memref<120x128xf32, #tpu.memory_space<vmem>>
      %dma_wait3A_60 = arith.constant 0 : i32
      %dma_wait3A_61 = tpu.memref_slice %arg5[%arg0, %add3A_46, %dma_wait3A_60] : memref<2x10112x128xf32, #tpu.memory_space<hbm>> -> memref<1x120x128xf32, #tpu.memory_space<hbm>>
      %dma_wait3A_62 = tpu.memref_squeeze %dma_wait3A_61 : memref<1x120x128xf32, #tpu.memory_space<hbm>> -> memref<120x128xf32, #tpu.memory_space<hbm>>
      %dma_wait3A_63 = arith.constant 0 : i32
      %dma_wait3A_64 = tpu.memref_slice %arg5[%arg0, %add3A_46, %dma_wait3A_63] : memref<2x10112x128xf32, #tpu.memory_space<hbm>> -> memref<1x120x128xf32, #tpu.memory_space<hbm>>
      %dma_wait3A_65 = tpu.memref_squeeze %dma_wait3A_64 : memref<1x120x128xf32, #tpu.memory_space<hbm>> -> memref<120x128xf32, #tpu.memory_space<hbm>>
      %dma_wait3A_66 = arith.constant 0 : i32
      %dma_wait3A_67 = arith.constant 0 : i32
      %dma_wait3A_68 = tpu.memref_slice %arg8[%dma_wait3A_66, %dma_wait3A_67] : memref<128x128xf32, #tpu.memory_space<vmem>> -> memref<120x128xf32, #tpu.memory_space<vmem>>
      tpu.wait_dma2 semaphore(%run_scoped3A : memref<!tpu.dma_semaphore, #tpu.memory_space<semaphore_mem>>) src(%dma_wait3A_68 : memref<120x128xf32, #tpu.memory_space<vmem>>) dst(%dma_wait3A_65 : memref<120x128xf32, #tpu.memory_space<hbm>>)
      tpu.yield
    }) : () -> ()
    return
  }
}

module attributes {stable_mosaic.version = 14 : i64} {
  func.func @_tc_prep(%arg0: memref<2x10112x16xf32, #tpu.memory_space<vmem>>, %arg1: memref<10000x128xf32, #tpu.memory_space<vmem>>, %arg2: memref<10112x1xf32, #tpu.memory_space<vmem>>, %arg3: memref<10000x128xf32, #tpu.memory_space<vmem>>) attributes {dimension_semantics = [], scalar_prefetch = 0 : i64, scratch_operands = 0 : i64, tpu.core_type = #tpu.core_type<tc>} {
    %get3A = arith.constant 0 : index
    %get3A_0 = arith.constant 0 : index
    %get3A_1 = arith.constant 0 : index
    %get3A_2 = vector.load %arg0[%get3A, %get3A_0, %get3A_1] : memref<2x10112x16xf32, #tpu.memory_space<vmem>>, vector<1x10112x16xf32>
    %get3A_3 = vector.shape_cast %get3A_2 : vector<1x10112x16xf32> to vector<10112x16xf32>
    %get3A_4 = arith.constant 1 : index
    %get3A_5 = arith.constant 0 : index
    %get3A_6 = arith.constant 0 : index
    %get3A_7 = vector.load %arg0[%get3A_4, %get3A_5, %get3A_6] : memref<2x10112x16xf32, #tpu.memory_space<vmem>>, vector<1x10112x16xf32>
    %get3A_8 = vector.shape_cast %get3A_7 : vector<1x10112x16xf32> to vector<10112x16xf32>
    %add3A = arith.addf %get3A_3, %get3A_8 : vector<10112x16xf32>
    %slice3A = vector.extract_strided_slice %add3A {offsets = [0, 0], sizes = [10112, 1], strides = [1, 1]} : vector<10112x16xf32> to vector<10112x1xf32>
    %add3A_9 = arith.constant 1.000000e+00 : f32
    %add3A_10 = vector.broadcast %add3A_9 : f32 to vector<10112x1xf32>
    %add3A_11 = arith.addf %slice3A, %add3A_10 : vector<10112x1xf32>
    %rsqrt3A = math.rsqrt %add3A_11 : vector<10112x1xf32>
    %swap3A = arith.constant 0 : index
    %swap3A_12 = arith.constant 0 : index
    %swap3A_13 = vector.load %arg2[%swap3A, %swap3A_12] : memref<10112x1xf32, #tpu.memory_space<vmem>>, vector<10112x1xf32>
    tpu.vector_store %arg2[%swap3A, %swap3A_12], %rsqrt3A {strides = array<i32>} : memref<10112x1xf32, #tpu.memory_space<vmem>>, vector<10112x1xf32>,
    %get3A_14 = arith.constant 0 : index
    %get3A_15 = arith.constant 0 : index
    %get3A_16 = vector.load %arg1[%get3A_14, %get3A_15] : memref<10000x128xf32, #tpu.memory_space<vmem>>, vector<10000x128xf32>
    %slice3A_17 = vector.extract_strided_slice %rsqrt3A {offsets = [0, 0], sizes = [10000, 1], strides = [1, 1]} : vector<10112x1xf32> to vector<10000x1xf32>
    %mul3A = vector.broadcast %slice3A_17 : vector<10000x1xf32> to vector<10000x128xf32>
    %mul3A_18 = arith.mulf %get3A_16, %mul3A : vector<10000x128xf32>
    %swap3A_19 = arith.constant 0 : index
    %swap3A_20 = arith.constant 0 : index
    %swap3A_21 = vector.load %arg3[%swap3A_19, %swap3A_20] : memref<10000x128xf32, #tpu.memory_space<vmem>>, vector<10000x128xf32>
    tpu.vector_store %arg3[%swap3A_19, %swap3A_20], %mul3A_18 {strides = array<i32>} : memref<10000x128xf32, #tpu.memory_space<vmem>>, vector<10000x128xf32>,
    return
  }
}

module attributes {stable_mosaic.version = 14 : i64} {
  func.func @_tc_layer(%arg0: memref<2x10112x128xf32, #tpu.memory_space<vmem>>, %arg1: memref<10000x128xf32, #tpu.memory_space<vmem>>, %arg2: memref<10112x1xf32, #tpu.memory_space<vmem>>, %arg3: memref<128x128xf32, #tpu.memory_space<vmem>>, %arg4: memref<128xf32, #tpu.memory_space<vmem>>, %arg5: memref<128xf32, #tpu.memory_space<vmem>>, %arg6: memref<128xf32, #tpu.memory_space<vmem>>, %arg7: memref<10000x128xf32, #tpu.memory_space<vmem>>) attributes {dimension_semantics = [], scalar_prefetch = 0 : i64, scratch_operands = 0 : i64, tpu.core_type = #tpu.core_type<tc>} {
    %get3A = arith.constant 0 : index
    %get3A_0 = arith.constant 0 : index
    %get3A_1 = arith.constant 0 : index
    %get3A_2 = vector.load %arg0[%get3A, %get3A_0, %get3A_1] : memref<2x10112x128xf32, #tpu.memory_space<vmem>>, vector<1x10000x128xf32>
    %get3A_3 = vector.shape_cast %get3A_2 : vector<1x10000x128xf32> to vector<10000x128xf32>
    %get3A_4 = arith.constant 1 : index
    %get3A_5 = arith.constant 0 : index
    %get3A_6 = arith.constant 0 : index
    %get3A_7 = vector.load %arg0[%get3A_4, %get3A_5, %get3A_6] : memref<2x10112x128xf32, #tpu.memory_space<vmem>>, vector<1x10000x128xf32>
    %get3A_8 = vector.shape_cast %get3A_7 : vector<1x10000x128xf32> to vector<10000x128xf32>
    %add3A = arith.addf %get3A_3, %get3A_8 : vector<10000x128xf32>
    %get3A_9 = arith.constant 0 : index
    %get3A_10 = arith.constant 0 : index
    %get3A_11 = vector.load %arg1[%get3A_9, %get3A_10] : memref<10000x128xf32, #tpu.memory_space<vmem>>, vector<10000x128xf32>
    %add3A_12 = arith.addf %add3A, %get3A_11 : vector<10000x128xf32>
    %get3A_13 = arith.constant 0 : index
    %get3A_14 = arith.constant 0 : index
    %get3A_15 = vector.load %arg2[%get3A_13, %get3A_14] : memref<10112x1xf32, #tpu.memory_space<vmem>>, vector<10000x1xf32>
    %mul3A = vector.broadcast %get3A_15 : vector<10000x1xf32> to vector<10000x128xf32>
    %mul3A_16 = arith.mulf %add3A_12, %mul3A : vector<10000x128xf32>
    %get3A_17 = arith.constant 0 : index
    %get3A_18 = arith.constant 0 : index
    %get3A_19 = vector.load %arg3[%get3A_17, %get3A_18] : memref<128x128xf32, #tpu.memory_space<vmem>>, vector<128x128xf32>
    %dot_general3A = arith.constant dense<0.000000e+00> : vector<10000x128xf32>
    %dot_general3A_20 = tpu.matmul %mul3A_16, %get3A_19, %dot_general3A {dimension_numbers = #tpu.dot_dimension_numbers<[1], [0], [0], [1], [0, 0, 1, 1], [], []>, transpose_lhs_hint = false} : vector<10000x128xf32>, vector<128x128xf32>, vector<10000x128xf32> -> vector<10000x128xf32>
    %get3A_21 = arith.constant 0 : index
    %get3A_22 = vector.load %arg4[%get3A_21] : memref<128xf32, #tpu.memory_space<vmem>>, vector<128xf32>
    %broadcast_in_dim3A = vector.shape_cast %get3A_22 : vector<128xf32> to vector<1x128xf32>
    %add3A_23 = vector.broadcast %broadcast_in_dim3A : vector<1x128xf32> to vector<10000x128xf32>
    %add3A_24 = arith.addf %dot_general3A_20, %add3A_23 : vector<10000x128xf32>
    %reduce_sum3A = arith.constant dense<0.000000e+00> : vector<128xf32>
    %reduce_sum3A_25 = vector.multi_reduction <add>, %add3A_24, %reduce_sum3A [0] : vector<10000x128xf32> to vector<128xf32>
    %broadcast_in_dim3A_26 = vector.shape_cast %reduce_sum3A_25 : vector<128xf32> to vector<1x128xf32>
    %div3A = arith.constant 1.000000e+04 : f32
    %div3A_27 = vector.broadcast %div3A : f32 to vector<1x128xf32>
    %div3A_28 = arith.divf %broadcast_in_dim3A_26, %div3A_27 : vector<1x128xf32>
    %sub3A = vector.broadcast %div3A_28 : vector<1x128xf32> to vector<10000x128xf32>
    %sub3A_29 = arith.subf %add3A_24, %sub3A : vector<10000x128xf32>
    %sub3A_30 = vector.broadcast %div3A_28 : vector<1x128xf32> to vector<10000x128xf32>
    %sub3A_31 = arith.subf %add3A_24, %sub3A_30 : vector<10000x128xf32>
    %mul3A_32 = arith.mulf %sub3A_29, %sub3A_31 : vector<10000x128xf32>
    %reduce_sum3A_33 = arith.constant dense<0.000000e+00> : vector<128xf32>
    %reduce_sum3A_34 = vector.multi_reduction <add>, %mul3A_32, %reduce_sum3A_33 [0] : vector<10000x128xf32> to vector<128xf32>
    %broadcast_in_dim3A_35 = vector.shape_cast %reduce_sum3A_34 : vector<128xf32> to vector<1x128xf32>
    %div3A_36 = arith.constant 1.000000e+04 : f32
    %div3A_37 = vector.broadcast %div3A_36 : f32 to vector<1x128xf32>
    %div3A_38 = arith.divf %broadcast_in_dim3A_35, %div3A_37 : vector<1x128xf32>
    %get3A_39 = arith.constant 0 : index
    %get3A_40 = vector.load %arg5[%get3A_39] : memref<128xf32, #tpu.memory_space<vmem>>, vector<128xf32>
    %sub3A_41 = vector.broadcast %div3A_28 : vector<1x128xf32> to vector<10000x128xf32>
    %sub3A_42 = arith.subf %add3A_24, %sub3A_41 : vector<10000x128xf32>
    %broadcast_in_dim3A_43 = vector.shape_cast %get3A_40 : vector<128xf32> to vector<1x128xf32>
    %mul3A_44 = vector.broadcast %broadcast_in_dim3A_43 : vector<1x128xf32> to vector<10000x128xf32>
    %mul3A_45 = arith.mulf %mul3A_44, %sub3A_42 : vector<10000x128xf32>
    %add3A_46 = arith.constant 9.99999974E-6 : f32
    %add3A_47 = vector.broadcast %add3A_46 : f32 to vector<1x128xf32>
    %add3A_48 = arith.addf %div3A_38, %add3A_47 : vector<1x128xf32>
    %rsqrt3A = math.rsqrt %add3A_48 : vector<1x128xf32>
    %mul3A_49 = vector.broadcast %rsqrt3A : vector<1x128xf32> to vector<10000x128xf32>
    %mul3A_50 = arith.mulf %mul3A_45, %mul3A_49 : vector<10000x128xf32>
    %get3A_51 = arith.constant 0 : index
    %get3A_52 = vector.load %arg6[%get3A_51] : memref<128xf32, #tpu.memory_space<vmem>>, vector<128xf32>
    %broadcast_in_dim3A_53 = vector.shape_cast %get3A_52 : vector<128xf32> to vector<1x128xf32>
    %add3A_54 = vector.broadcast %broadcast_in_dim3A_53 : vector<1x128xf32> to vector<10000x128xf32>
    %add3A_55 = arith.addf %mul3A_50, %add3A_54 : vector<10000x128xf32>
    %max3A = arith.constant 0.000000e+00 : f32
    %max3A_56 = vector.broadcast %max3A : f32 to vector<10000x128xf32>
    %max3A_57 = arith.maximumf %add3A_55, %max3A_56 : vector<10000x128xf32>
    %get3A_58 = arith.constant 0 : index
    %get3A_59 = arith.constant 0 : index
    %get3A_60 = vector.load %arg2[%get3A_58, %get3A_59] : memref<10112x1xf32, #tpu.memory_space<vmem>>, vector<10000x1xf32>
    %mul3A_61 = vector.broadcast %get3A_60 : vector<10000x1xf32> to vector<10000x128xf32>
    %mul3A_62 = arith.mulf %max3A_57, %mul3A_61 : vector<10000x128xf32>
    %swap3A = arith.constant 0 : index
    %swap3A_63 = arith.constant 0 : index
    %swap3A_64 = vector.load %arg7[%swap3A, %swap3A_63] : memref<10000x128xf32, #tpu.memory_space<vmem>>, vector<10000x128xf32>
    tpu.vector_store %arg7[%swap3A, %swap3A_63], %mul3A_62 {strides = array<i32>} : memref<10000x128xf32, #tpu.memory_space<vmem>>, vector<10000x128xf32>,
    return
  }
}

module attributes {stable_mosaic.version = 14 : i64} {
  func.func @_tc_final(%arg0: memref<2x10112x128xf32, #tpu.memory_space<vmem>>, %arg1: memref<10000x128xf32, #tpu.memory_space<vmem>>, %arg2: memref<10112x1xf32, #tpu.memory_space<vmem>>, %arg3: memref<128x128xf32, #tpu.memory_space<vmem>>, %arg4: memref<128xf32, #tpu.memory_space<vmem>>, %arg5: memref<128xf32, #tpu.memory_space<vmem>>, %arg6: memref<128xf32, #tpu.memory_space<vmem>>, %arg7: memref<128x70xf32, #tpu.memory_space<vmem>>, %arg8: memref<70xf32, #tpu.memory_space<vmem>>, %arg9: memref<10000x70xf32, #tpu.memory_space<vmem>>) attributes {dimension_semantics = [], scalar_prefetch = 0 : i64, scratch_operands = 0 : i64, tpu.core_type = #tpu.core_type<tc>} {
    %get3A = arith.constant 0 : index
    %get3A_0 = arith.constant 0 : index
    %get3A_1 = arith.constant 0 : index
    %get3A_2 = vector.load %arg0[%get3A, %get3A_0, %get3A_1] : memref<2x10112x128xf32, #tpu.memory_space<vmem>>, vector<1x10000x128xf32>
    %get3A_3 = vector.shape_cast %get3A_2 : vector<1x10000x128xf32> to vector<10000x128xf32>
    %get3A_4 = arith.constant 1 : index
    %get3A_5 = arith.constant 0 : index
    %get3A_6 = arith.constant 0 : index
    %get3A_7 = vector.load %arg0[%get3A_4, %get3A_5, %get3A_6] : memref<2x10112x128xf32, #tpu.memory_space<vmem>>, vector<1x10000x128xf32>
    %get3A_8 = vector.shape_cast %get3A_7 : vector<1x10000x128xf32> to vector<10000x128xf32>
    %add3A = arith.addf %get3A_3, %get3A_8 : vector<10000x128xf32>
    %get3A_9 = arith.constant 0 : index
    %get3A_10 = arith.constant 0 : index
    %get3A_11 = vector.load %arg1[%get3A_9, %get3A_10] : memref<10000x128xf32, #tpu.memory_space<vmem>>, vector<10000x128xf32>
    %add3A_12 = arith.addf %add3A, %get3A_11 : vector<10000x128xf32>
    %get3A_13 = arith.constant 0 : index
    %get3A_14 = arith.constant 0 : index
    %get3A_15 = vector.load %arg2[%get3A_13, %get3A_14] : memref<10112x1xf32, #tpu.memory_space<vmem>>, vector<10000x1xf32>
    %mul3A = vector.broadcast %get3A_15 : vector<10000x1xf32> to vector<10000x128xf32>
    %mul3A_16 = arith.mulf %add3A_12, %mul3A : vector<10000x128xf32>
    %get3A_17 = arith.constant 0 : index
    %get3A_18 = arith.constant 0 : index
    %get3A_19 = vector.load %arg3[%get3A_17, %get3A_18] : memref<128x128xf32, #tpu.memory_space<vmem>>, vector<128x128xf32>
    %dot_general3A = arith.constant dense<0.000000e+00> : vector<10000x128xf32>
    %dot_general3A_20 = tpu.matmul %mul3A_16, %get3A_19, %dot_general3A {dimension_numbers = #tpu.dot_dimension_numbers<[1], [0], [0], [1], [0, 0, 1, 1], [], []>, transpose_lhs_hint = false} : vector<10000x128xf32>, vector<128x128xf32>, vector<10000x128xf32> -> vector<10000x128xf32>
    %get3A_21 = arith.constant 0 : index
    %get3A_22 = vector.load %arg4[%get3A_21] : memref<128xf32, #tpu.memory_space<vmem>>, vector<128xf32>
    %broadcast_in_dim3A = vector.shape_cast %get3A_22 : vector<128xf32> to vector<1x128xf32>
    %add3A_23 = vector.broadcast %broadcast_in_dim3A : vector<1x128xf32> to vector<10000x128xf32>
    %add3A_24 = arith.addf %dot_general3A_20, %add3A_23 : vector<10000x128xf32>
    %reduce_sum3A = arith.constant dense<0.000000e+00> : vector<128xf32>
    %reduce_sum3A_25 = vector.multi_reduction <add>, %add3A_24, %reduce_sum3A [0] : vector<10000x128xf32> to vector<128xf32>
    %broadcast_in_dim3A_26 = vector.shape_cast %reduce_sum3A_25 : vector<128xf32> to vector<1x128xf32>
    %div3A = arith.constant 1.000000e+04 : f32
    %div3A_27 = vector.broadcast %div3A : f32 to vector<1x128xf32>
    %div3A_28 = arith.divf %broadcast_in_dim3A_26, %div3A_27 : vector<1x128xf32>
    %sub3A = vector.broadcast %div3A_28 : vector<1x128xf32> to vector<10000x128xf32>
    %sub3A_29 = arith.subf %add3A_24, %sub3A : vector<10000x128xf32>
    %sub3A_30 = vector.broadcast %div3A_28 : vector<1x128xf32> to vector<10000x128xf32>
    %sub3A_31 = arith.subf %add3A_24, %sub3A_30 : vector<10000x128xf32>
    %mul3A_32 = arith.mulf %sub3A_29, %sub3A_31 : vector<10000x128xf32>
    %reduce_sum3A_33 = arith.constant dense<0.000000e+00> : vector<128xf32>
    %reduce_sum3A_34 = vector.multi_reduction <add>, %mul3A_32, %reduce_sum3A_33 [0] : vector<10000x128xf32> to vector<128xf32>
    %broadcast_in_dim3A_35 = vector.shape_cast %reduce_sum3A_34 : vector<128xf32> to vector<1x128xf32>
    %div3A_36 = arith.constant 1.000000e+04 : f32
    %div3A_37 = vector.broadcast %div3A_36 : f32 to vector<1x128xf32>
    %div3A_38 = arith.divf %broadcast_in_dim3A_35, %div3A_37 : vector<1x128xf32>
    %get3A_39 = arith.constant 0 : index
    %get3A_40 = vector.load %arg5[%get3A_39] : memref<128xf32, #tpu.memory_space<vmem>>, vector<128xf32>
    %sub3A_41 = vector.broadcast %div3A_28 : vector<1x128xf32> to vector<10000x128xf32>
    %sub3A_42 = arith.subf %add3A_24, %sub3A_41 : vector<10000x128xf32>
    %broadcast_in_dim3A_43 = vector.shape_cast %get3A_40 : vector<128xf32> to vector<1x128xf32>
    %mul3A_44 = vector.broadcast %broadcast_in_dim3A_43 : vector<1x128xf32> to vector<10000x128xf32>
    %mul3A_45 = arith.mulf %mul3A_44, %sub3A_42 : vector<10000x128xf32>
    %add3A_46 = arith.constant 9.99999974E-6 : f32
    %add3A_47 = vector.broadcast %add3A_46 : f32 to vector<1x128xf32>
    %add3A_48 = arith.addf %div3A_38, %add3A_47 : vector<1x128xf32>
    %rsqrt3A = math.rsqrt %add3A_48 : vector<1x128xf32>
    %mul3A_49 = vector.broadcast %rsqrt3A : vector<1x128xf32> to vector<10000x128xf32>
    %mul3A_50 = arith.mulf %mul3A_45, %mul3A_49 : vector<10000x128xf32>
    %get3A_51 = arith.constant 0 : index
    %get3A_52 = vector.load %arg6[%get3A_51] : memref<128xf32, #tpu.memory_space<vmem>>, vector<128xf32>
    %broadcast_in_dim3A_53 = vector.shape_cast %get3A_52 : vector<128xf32> to vector<1x128xf32>
    %add3A_54 = vector.broadcast %broadcast_in_dim3A_53 : vector<1x128xf32> to vector<10000x128xf32>
    %add3A_55 = arith.addf %mul3A_50, %add3A_54 : vector<10000x128xf32>
    %get3A_56 = arith.constant 0 : index
    %get3A_57 = arith.constant 0 : index
    %get3A_58 = vector.load %arg7[%get3A_56, %get3A_57] : memref<128x70xf32, #tpu.memory_space<vmem>>, vector<128x70xf32>
    %dot_general3A_59 = arith.constant dense<0.000000e+00> : vector<10000x70xf32>
    %dot_general3A_60 = tpu.matmul %add3A_55, %get3A_58, %dot_general3A_59 {dimension_numbers = #tpu.dot_dimension_numbers<[1], [0], [0], [1], [0, 0, 1, 1], [], []>, transpose_lhs_hint = false} : vector<10000x128xf32>, vector<128x70xf32>, vector<10000x70xf32> -> vector<10000x70xf32>
    %get3A_61 = arith.constant 0 : index
    %get3A_62 = vector.load %arg8[%get3A_61] : memref<70xf32, #tpu.memory_space<vmem>>, vector<70xf32>
    %broadcast_in_dim3A_63 = vector.shape_cast %get3A_62 : vector<70xf32> to vector<1x70xf32>
    %add3A_64 = vector.broadcast %broadcast_in_dim3A_63 : vector<1x70xf32> to vector<10000x70xf32>
    %add3A_65 = arith.addf %dot_general3A_60, %add3A_64 : vector<10000x70xf32>
    %swap3A = arith.constant 0 : index
    %swap3A_66 = arith.constant 0 : index
    %swap3A_67 = vector.load %arg9[%swap3A, %swap3A_66] : memref<10000x70xf32, #tpu.memory_space<vmem>>, vector<10000x70xf32>
    tpu.vector_store %arg9[%swap3A, %swap3A_66], %add3A_65 {strides = array<i32>} : memref<10000x70xf32, #tpu.memory_space<vmem>>, vector<10000x70xf32>,
    return
  }
}

</mosaic_0001>

<sc_bundles>
// kernel: kernel.11.cloned.1.call-start
scs
__scs_entry_jumppad:
0x0: {  	(pc) =	sbr.rel $0x88, $3  }
0x1: {  	(tag) =	ssettag $0x0;
	lr =	simm.s32 $0x1  }
0x2: {  	[smem:$0x3F95] =	sst lr;
	_ =	strace $0xD0000000  }
0x3: {  	_ = 	snop  }
0x4: {  	_ = 	snop  }
0x5: {  	_ = 	snop  }
0x6: {  	_ = 	snop  }
0x7: {  	_ = 	snop  }
__scs_overlays_trampoline_lowered:
0x8: {  	[smem:$0x3FA4] =	sst s0  }
0x9: {  	[smem:$0x3FA5] =	sst s1  }
0xa: {  	[smem:$0x3FA6] =	sst s2  }
0xb: {  	[smem:$0x3FA7] =	sst s3  }
0xc: {  	[smem:$0x3FA8] =	sst s4  }
0xd: {  	[smem:$0x3FA9] =	sst s5  }
0xe: {  	[smem:$0x3FAA] =	sst s6  }
0xf: {  	[smem:$0x3FAB] =	sst s7  }
0x10: {  	[smem:$0x3FAC] =	sst s8  }
0x11: {  	[smem:$0x3FAD] =	sst s9;
	s0 =	simm.s32 @!p0 $0x0  }
0x12: {  	s1 =	sld [smem:$0x3F93];
	s0 =	simm.s32 @p0 $0x1  }
0x13: {  	[smem:$0x3FAE] =	sst s0;
	s0 =	simm.s32 @!p1 $0x0  }
0x14: {  	s2 =	sld [smem:$0x3F92];
	s0 =	simm.s32 @p1 $0x1  }
0x15: {  	[smem:$0x3FAF] =	sst s0;
	s0 =	simm.s32 @!p2 $0x0  }
0x16: {  	s3 =	sld [smem:$0x3FDB];
	s0 =	simm.s32 @p2 $0x1  }
0x17: {  	s4 =	simm.s32 $0x1BF5;
	[smem:$0x3FB1] =	sst s0  }
0x18: {  	s0 =	sld [smem:$0x3F94];
	_ =	swait.ge [sflag:s4], $0x0  }
0x19: {  	s7 =	sld [smem:$0x3F95]  }
0x1a: {  	s8 =	sadd.s32 $0xFFFFE003, lr  }
0x1b: {  	s9 =	sadd.s32 $0xFFFFFEF7, lr;
	s5 =	simm.s32 $0xFFFFFFFF;
	p2 =	slt.u32 s8, $0xFFFFF086  }
0x1c: {  	p1 =	slt.u32 s9, $0xF7A;
	s5 =	simm.s32 @!p2 $0x0  }
0x1d: {  	s5 =	simm.s32 @p1 $0x1;
	p0 =	seq.s32 s7, s2  }
0x1e: {  	s7 =	smul.u32 @!p0 $0xF7A, s2;
	p2 =	seq.s32 @!p0 s5, $0x0  }
0x1f: {  	s9 =	smul.u32 $0xF7A, s1;
	s8 =	simm.s32 @!p0 $0x1BF5;
	p2 =	por !p2, p0  }
0x20: {  	[sflag:s8] =	ssyncset.s32 @!p0 $0xFFFFF086;
	s6 =	sadd.s32 @!p0 s3, s7;
	s7 =	simm.s32 @!p0 $0x108  }
0x21: {  	s3 =	sadd.s32 s3, s9;
	s6 =	sadd.s32 @!p0 $0x88, s6;
	s7 =	simm.s32 @p2 $0x1082  }
0x22: {  	[simem:s7], [sflag:s8] =	dma.local @!p0 [hbm:s6], $0xF7A  }
0x23: {  	s9 =	sor.u32 $0xD0000000, s2;
	s6 =	simm.s32 $0x108;
	_ =	swait.ge @!p0 [sflag:s8], $0x0  }
0x24: {  	s3 =	sadd.s32 $0x88, s3;
	s6 =	simm.s32 @!p1 $0x1082;
	[sflag:s4] =	ssyncset.s32 $0xFFFFF086  }
0x25: {  	[simem:s6], [sflag:s4] =	dma.local [hbm:s3], $0xF7A  }
0x26: {  	[smem:$0x3F95] =	sst s1;
	(tag) =	ssettag s2;
	_ =	strace s9  }
0x27: {  	s1 =	sld [smem:$0x3FA5]  }
0x28: {  	s2 =	sld [smem:$0x3FA6]  }
0x29: {  	s4 =	sld [smem:$0x3FA8]  }
0x2a: {  	p0 =	seq.s32 s5, $0x0;
	s5 =	sld [smem:$0x3FA9]  }
0x2b: {  	s6 =	sld [smem:$0x3FAA]  }
0x2c: {  	s7 =	sld [smem:$0x3FAB]  }
0x2d: {  	s3 =	simm.s32 $0x108;
	s8 =	sld [smem:$0x3FAC]  }
0x2e: {  	s3 =	simm.s32 @!p0 $0x1082;
	s9 =	sld [smem:$0x3FAD]  }
0x2f: {  	lr =	sadd.s32 s0, s3;
	s0 =	sld [smem:$0x3FA4]  }
0x30: {  	s3 =	sld [smem:$0x3FA7]  }
0x31: {  	[smem:$0x3FB0] =	sst s10  }
0x32: {  	s10 =	sld [smem:$0x3FAE];
	_ =	sdelay $0x3  }
0x33: {  	p0 =	seq.s32 s10, $0x1;
	s10 =	sld [smem:$0x3FB0];
	_ =	sdelay $0x3  }
0x34: {  	[smem:$0x3FB0] =	sst s10  }
0x35: {  	s10 =	sld [smem:$0x3FAF];
	_ =	sdelay $0x3  }
0x36: {  	p1 =	seq.s32 s10, $0x1;
	s10 =	sld [smem:$0x3FB0];
	_ =	sdelay $0x3  }
0x37: {  	[smem:$0x3FB0] =	sst s10  }
0x38: {  	s10 =	sld [smem:$0x3FB1]  }
0x39: {  	_ = 	snop;
	(pc) =	sbr.ind lr, $3  }
0x3a: {  	_ = 	snop  }
0x3b: {  	_ = 	snop  }
0x3c: {  	p2 =	seq.s32 s10, $0x1;
	s10 =	sld [smem:$0x3FB0]  }
0x3d: {  	_ =	shalt  }
0x3e: {  	_ =	shalt  }
0x3f: {  	_ =	shalt  }
0x40: {  	_ =	shalt  }
0x41: {  	_ =	shalt  }
0x42: {  	_ =	shalt  }
0x43: {  	_ =	shalt  }
0x44: {  	_ =	shalt  }
0x45: {  	_ =	shalt  }
0x46: {  	_ =	shalt  }
0x47: {  	_ =	shalt  }
0x48: {  	_ =	shalt  }
0x49: {  	_ =	shalt  }
0x4a: {  	_ =	shalt  }
0x4b: {  	_ =	shalt  }
0x4c: {  	_ =	shalt  }
0x4d: {  	_ =	shalt  }
0x4e: {  	_ =	shalt  }
0x4f: {  	_ =	shalt  }
0x50: {  	_ =	shalt  }
0x51: {  	_ =	shalt  }
0x52: {  	_ =	shalt  }
0x53: {  	_ =	shalt  }
0x54: {  	_ =	shalt  }
0x55: {  	_ =	shalt  }
0x56: {  	_ =	shalt  }
0x57: {  	_ =	shalt  }
0x58: {  	_ =	shalt  }
0x59: {  	_ =	shalt  }
0x5a: {  	_ =	shalt  }
0x5b: {  	_ =	shalt  }
0x5c: {  	_ =	shalt  }
0x5d: {  	_ =	shalt  }
0x5e: {  	_ =	shalt  }
0x5f: {  	_ =	shalt  }
0x60: {  	_ =	shalt  }
0x61: {  	_ =	shalt  }
0x62: {  	_ =	shalt  }
0x63: {  	_ =	shalt  }
0x64: {  	_ =	shalt  }
0x65: {  	_ =	shalt  }
0x66: {  	_ =	shalt  }
0x67: {  	_ =	shalt  }
0x68: {  	_ =	shalt  }
0x69: {  	_ =	shalt  }
0x6a: {  	_ =	shalt  }
0x6b: {  	_ =	shalt  }
0x6c: {  	_ =	shalt  }
0x6d: {  	_ =	shalt  }
0x6e: {  	_ =	shalt  }
0x6f: {  	_ =	shalt  }
0x70: {  	_ =	shalt  }
0x71: {  	_ =	shalt  }
0x72: {  	_ =	shalt  }
0x73: {  	_ =	shalt  }
0x74: {  	_ =	shalt  }
0x75: {  	_ =	shalt  }
0x76: {  	_ =	shalt  }
0x77: {  	_ =	shalt  }
0x78: {  	_ =	shalt  }
0x79: {  	_ =	shalt  }
0x7a: {  	_ =	shalt  }
0x7b: {  	_ =	shalt  }
0x7c: {  	_ =	shalt  }
0x7d: {  	_ =	shalt  }
0x7e: {  	_ =	shalt  }
0x7f: {  	_ =	shalt  }
0x80: {  	_ =	shalt  }
0x81: {  	_ =	shalt  }
0x82: {  	_ =	shalt  }
0x83: {  	_ =	shalt  }
0x84: {  	_ =	shalt  }
0x85: {  	_ =	shalt  }
0x86: {  	_ =	shalt  }
0x87: {  	_ =	shalt  }
.Lfunc_end0:
.L_simem_size_0:
called_computation.1_lowered:
.L_overlay_start_0:
0x88: {  	s2 =	sld [smem:$0x3FD9]  }
0x89: {  	s3 =	sld [smem:$0x3FFE];
	_ =	sdelay $0x1  }
0x8a: {  	s1 =	srdreg.scid  }
0x8b: {  	s0 =	sand.u32 $0x1, s1  }
0x8c: {  	s17 =	sshll.u32 s0, $0xA;
	s2 =	sadd.s32 s3, s2  }
0x8d: {  	s2 =	sadd.s32 s2, s17  }
0x8e: {  	[smem:$0x3FBC] =	sst s2  }
0x8f: {  	_ = 	snop  }
0x90: {  	s2 =	sld [smem:$0x3FD0];
	(tm) =	ssettm $0x1  }
0x91: {  	s18 =	sld [smem:$0x3FFB];
	_ =	sdelay $0x3  }
0x92: {  	_ =	strace s18  }
0x93: {  	s3 =	sld [smem:$0x3FFC];
	_ =	sdelay $0x3  }
0x94: {  	_ =	strace s3  }
0x95: {  	s3 =	sld [smem:$0x3FFD];
	_ =	sdelay $0x3  }
0x96: {  	_ =	strace s3  }
0x97: {  	_ =	strace $0x8FFFFFFF  }
0x98: {  	s19 =	sld [smem:$0x3FDB];
	_ =	sdelay $0x1  }
0x99: {  	s4 =	simm.s32 $_scs_section_size  }
0x9a: {  	s5 =	simm.s32 $_size__tile_overlayer_lowered;
	s6 =	simm.s32 $_tile_overlayer_lowered  }
0x9b: {  	s22 =	simm.s32 $0x1BFF;
	s21 =	sshll.u32 s6, $0x1;
	s3 =	sadd.s32 s4, s19  }
0x9c: {  	s7 =	simm.s32 $0x0;
	s20 =	sshll.u32 s5, $0x1;
	s5 =	sadd.s32 s21, s3  }
0x9d: {  	[timem:s7], [sflag:s22] =	dma.local [hbm:s5], s20  }
0x9e: {  	_ =	swait.ge [sflag:s22], s20  }
0x9f: {  	s4 =	ssub.s32 $0x0, s20;
	[sflag:s22] =	ssyncset.done $0x0  }
0xa0: {  	[sflag:s22] =	ssyncadd.s32 s4;
	_ =	sdelay $0x1  }
0xa1: {  	s23 =	simm.s32 $0x1B8B  }
0xa2: {  	_ =	swait.ge [sflag:s23], $0x1  }
0xa3: {  	[sflag:s23] =	ssyncset.done $0x0  }
0xa4: {  	s25 =	simm.s32 $0x1B8E;
	s24 =	sld [smem:$0x3FFE];
	[sflag:s23] =	ssyncadd.s32 $0xFFFFFFFF  }
0xa5: {  	s26 =	simm.s32 $execute0_lowered;
	[smem:$0x3FD2] =	sst s25  }
0xa6: {  	s5 =	sshll.u32 s26, $0x1;
	_ =	strace $0x80000049;
	[dreg:$0x1] =	wrdreg $0xFFFFFFFF  }
0xa7: {  	s28 =	simm.s32 $_size_execute0_lowered;
	s3 =	sadd.s32 s3, s5;
	[dreg:$0x0] =	wrdreg $0x0  }
0xa8: {  	s5 =	sshll.u32 s28, $0x1;
	[dreg:$0x2] =	wrdreg s3  }
0xa9: {  	[dreg:$0x3] =	wrdreg s5  }
0xaa: {  	[dreg:$0x4] =	wrdreg $0xC0  }
0xab: {  	_ =	task [dreg:s7], $0x5FFFF  }
0xac: {  	[dreg:$0x1] =	wrdreg $0xFFFFFFFF  }
0xad: {  	[dreg:$0x0] =	wrdreg $0x60  }
0xae: {  	[dreg:$0x2] =	wrdreg s24  }
0xaf: {  	[dreg:$0x3] =	wrdreg s2  }
0xb0: {  	[dreg:$0x4] =	wrdreg $0x41000  }
0xb1: {  	[dreg:$0x5] =	wrdreg $0x9  }
0xb2: {  	_ =	task.clear_ibuf [dreg:s7], $0x6FFFF;
	_ =	strace $0x90000049  }
0xb3: {  	s29 =	simm.s32 $0x9;
	_ =	strace $0x8000004B  }
0xb4: {  	_ =	swait.ge [sflag:s29], $0x1  }
0xb5: {  	[sflag:s29] =	ssyncadd.s32 $0xFFFFFFFF  }
0xb6: {  	_ =	strace $0x9000004B  }
0xb7: {  	_ =	sfence  }
0xb8: {  	s30 =	sld [smem:$0x0];
	_ =	sdelay $0x2  }
0xb9: {  	s31 =	sshll.u32 s1, $0xD;
	s1 =	sshrl.u32 s1, $0x2  }
0xba: {  	s3 =	sand.u32 $0x4000, s31;
	s1 =	sadd.s32 s1, s30  }
0xbb: {  	s0 =	sor.u32 s3, s0;
	s1 =	sshll.u32 s1, $0x11  }
0xbc: {  	s0 =	sor.u32 s1, s0  }
0xbd: {  	s0 =	sadd.s32 $0x8F2B, s0  }
0xbe: {  	[sflag:s0] =	ssyncadd.remote.s32 $0x1  }
0xbf: {  	_ =	sfence.sel $0xFFFF  }
0xc0: {  	[dreg:$0x0] =	wrdreg $0xFFFFFFFF;
	(pc) =	sbr.abs _section_cstart, $3  }
0xc1: {  	[dreg:$0x1] =	wrdreg $0xFFFFFFFF  }
0xc2: {  	_ =	task.clear_ibuf [dreg:s7], $0x2FFFF;
	_ =	strace $0x9FFFFFFF  }
0xc3: {  	(tm) =	ssettm $0x7FFFFFFF  }
tec
execute0_lowered:
.L_overlay_start_1:
0x0: {  	(tag) =	ssettag $0x1  }
0x1: {  	s5 =	rddreg [dreg:$0x0]  }
0x2: {  	s15 =	rddreg [dreg:$0x1]  }
0x3: {  	s2 =	rddreg [dreg:$0x2]  }
0x4: {  	s0 =	rddreg [dreg:$0x3];
	s1 =	stileid.u32  }
0x5: {  	s3 =	simm.s32 $0x0;
	s6 =	srdreg.scid;
	s16 =	smul.u32 $0x9E0, s1  }
0x6: {  	s22 =	simm.s32 $0x0;
	[smem:$0x7FF] =	sst s3;
	s7 =	smul.u32 $0x4F000, s1  }
0x7: {  	s4 =	sadd.s32 $0x3000, s5;
	s13 =	sand.u32 $0x1, s6;
	s10 =	smul.u32 $0x13C00, s1  }
0x8: {  	s14 =	sadd.s32 $0x5BE00, s5;
	_ =	strace $0x8000004A;
	s20 =	smul.u32 $0x13C000, s13  }
0x9: {  	s29 =	ssub.s32 $0x2, s13;
	s31 =	smul.u32 $0x4F0, s13;
	s17 =	sadd.s32 s16, s5  }
0xa: {  	s30 =	sshrl.u32 s29, $0x1;
	s7 =	sshrl.u32 s7, $0x2;
	s11 =	sadd.s32 $0x4000, s10  }
0xb: {  	s12 =	sadd.s32 $0x8000, s10;
	s19 =	sadd.s32 $0xC000, s10;
	s21 =	sadd.s32 $0x10000, s10  }
0xc: {  	s16 =	sadd.s32 s16, s15;
	s18 =	ssub.s32 s29, s30;
	s5 =	sadd.s32 s7, s2  }
0xd: {  	s6 =	sadd.s32 s11, s2;
	s7 =	sadd.s32 s12, s2;
	s8 =	sadd.s32 s19, s2  }
0xe: {  	s9 =	sadd.s32 s21, s2;
	s10 =	sadd.s32 s10, s20;
	s11 =	sadd.s32 s20, s11  }
0xf: {  	s12 =	sadd.s32 s20, s12;
	s19 =	sadd.s32 s20, s19;
	s20 =	sadd.s32 s20, s21  }
0x10: {  	s16 =	sadd.s32 s31, s16;
	s17 =	sadd.s32 s31, s17;
	s21 =	simm.s32 $0x1  }
0x11: {  	s10 =	sshrl.u32 s10, $0x3;
	s11 =	sshrl.u32 s11, $0x3;
	s12 =	sshrl.u32 s12, $0x3  }
0x12: {  	s19 =	sshrl.u32 s19, $0x3;
	s20 =	sshrl.u32 s20, $0x3;
	s15 =	smax.u32 s18, $0x1  }
0x13: {  	s17 =	sadd.s32 $0x52000, s17;
	s18 =	simm.s32 $0x100;
	s10 =	sadd.s32 s14, s10  }
0x14: {  	s11 =	sadd.s32 s14, s11;
	s12 =	sadd.s32 s14, s12;
	s13 =	sadd.s32 s14, s19  }
0x15: {  	v0 =	vimm.f32 $0.0e+00;
	s14 =	sadd.s32 s14, s20;
	s19 =	simm.s32 $0x2;
	s20 =	simm.s32 $0x80  }
.LBB2_1:
0x16: {  	s23 =	simm.s32 $0x0;
	s24 =	simm.s32 $0x200  }
.LBB2_2:
0x17: {  	p0 =	sne.s32 s24, $0xFE00;
	[tilespmem:s23+$0x170] =	vst v0  }
0x18: {  	[tilespmem:s23+$0x100] =	vst v0  }
0x19: {  	[tilespmem:s23+$0x110] =	vst v0  }
.Ltmp0:
0x1a: {  	[tilespmem:s23+$0x120] =	vst v0;
	(pc) =	sbr.rel @p0 .LBB2_2-.Ltmp0, $4  }
0x1b: {  	[tilespmem:s23+$0x130] =	vst v0  }
0x1c: {  	[tilespmem:s23+$0x140] =	vst v0  }
0x1d: {  	[tilespmem:s23+$0x150] =	vst v0  }
0x1e: {  	[tilespmem:s23+$0x160] =	vst v0;
	s23 =	sshra.s32 s24, $0x2;
	s24 =	sadd.s32 $0x200, s24  }
0x1f: {  	[tilespmem:s23+$0x170] =	vst v0  }
0x20: {  	[tilespmem:s23+$0x100] =	vst v0  }
0x21: {  	[tilespmem:s23+$0x110] =	vst v0  }
0x22: {  	[tilespmem:s23+$0x120] =	vst v0  }
0x23: {  	[tilespmem:s23+$0x130] =	vst v0  }
0x24: {  	[tilespmem:s23+$0x140] =	vst v0  }
0x25: {  	[tilespmem:s23+$0x150] =	vst v0  }
0x26: {  	[tilespmem:s23+$0x160] =	vst v0  }
0x27: {  	[spmem:s5] =	stream.linear.scatter [tilespmem:s18], [sflag:$0x2], $0x4000, $0x38;
	[tilespmem:$0x17D00] =	vst v63  }
0x28: {  	_ =	swait.ge [sflag:s19], $0x4000  }
0x29: {  	[sflag:s19] =	ssyncset.done $0x0  }
0x2a: {  	[sflag:s19] =	ssyncadd.s32 $0xFFFFC000  }
0x2b: {  	[spmem:s6] =	stream.linear.scatter [tilespmem:s18], [sflag:$0x2], $0x4000, $0x38;
	[tilespmem:$0x17D00] =	vst v63  }
0x2c: {  	_ =	swait.ge [sflag:s19], $0x4000  }
0x2d: {  	[sflag:s19] =	ssyncset.done $0x0  }
0x2e: {  	[sflag:s19] =	ssyncadd.s32 $0xFFFFC000  }
0x2f: {  	[spmem:s7] =	stream.linear.scatter [tilespmem:s18], [sflag:$0x2], $0x4000, $0x38;
	[tilespmem:$0x17D00] =	vst v63  }
0x30: {  	_ =	swait.ge [sflag:s19], $0x4000  }
0x31: {  	[sflag:s19] =	ssyncset.done $0x0  }
0x32: {  	[sflag:s19] =	ssyncadd.s32 $0xFFFFC000  }
0x33: {  	[spmem:s8] =	stream.linear.scatter [tilespmem:s18], [sflag:$0x2], $0x4000, $0x38;
	[tilespmem:$0x17D00] =	vst v63  }
0x34: {  	_ =	swait.ge [sflag:s19], $0x4000  }
0x35: {  	[sflag:s19] =	ssyncset.done $0x0  }
0x36: {  	[sflag:s19] =	ssyncadd.s32 $0xFFFFC000  }
0x37: {  	[spmem:s9] =	stream.linear.scatter [tilespmem:s18], [sflag:$0x2], $0x3C00, $0x38;
	[tilespmem:$0x17D00] =	vst v63  }
0x38: {  	_ =	swait.ge [sflag:s19], $0x3C00  }
0x39: {  	[sflag:s19] =	ssyncset.done $0x0  }
0x3a: {  	[sflag:s19] =	ssyncadd.s32 $0xFFFFC400  }
0x3b: {  	s30 =	sadd.s32 $0x0, s17;
	[bflag:$0x0] =	sbarrier.arrive $0xFFFF  }
0x3c: {  	[tilespmem:s3], [sflag:$0x2] =	stream.linear.gather [hbm4b:s30+s3], $0x80, $0x38;
	[tilespmem:$0x17D00] =	vst v63  }
0x3d: {  	_ =	swait.ge [sflag:s19], $0x80  }
0x3e: {  	[sflag:s19] =	ssyncset.done $0x0  }
0x3f: {  	s31 =	sadd.s32 $0x0, s16;
	[sflag:s19] =	ssyncadd.s32 $0xFFFFFF80  }
0x40: {  	[tilespmem:s20], [sflag:$0x2] =	stream.linear.gather [hbm4b:s31+s3], $0x80, $0x38;
	[tilespmem:$0x17D00] =	vst v63  }
0x41: {  	_ =	swait.ge [sflag:s19], $0x80  }
0x42: {  	[sflag:s19] =	ssyncset.done $0x0  }
0x43: {  	[sflag:s19] =	ssyncadd.s32 $0xFFFFFF80  }
0x44: {  	[tilespmem:s18], [sflag:$0x1] =	stream.indirect.gather [hbm4b:s4+s20], $0x80, s3, s20, $0xb8;
	[tilespmem:$0x17D00] =	vst v63  }
0x45: {  	_ =	swait.ge [sflag:s21], $0x4000  }
0x46: {  	[sflag:s21] =	ssyncset.done $0x0  }
0x47: {  	[sflag:s21] =	ssyncadd.s32 $0xFFFFC000  }
0x48: {  	[spmem:s2] =	stream.indirect.scatter.add.f32 [tilespmem:s18], [sflag:$0x2], $0x80, s20, s20, $0xb8;
	[tilespmem:$0x17D00] =	vst v63  }
0x49: {  	_ =	swait.ge [sflag:s19], $0x4000  }
0x4a: {  	s23 =	simm.s32 $0x10;
	s24 =	simm.s32 $0x20;
	[sflag:s19] =	ssyncset.done $0x0  }
.LBB2_4:
0x4b: {  	s25 =	sadd.s32 s23, s17  }
0x4c: {  	[sflag:s19] =	ssyncadd.s32 $0xFFFFC000;
	s26 =	smov.u32 s24;
	s28 =	sadd.s32 $0x10, s24  }
0x4d: {  	[tilespmem:s3], [sflag:$0x2] =	stream.linear.gather [hbm4b:s25+s3], $0x80, $0x38;
	[tilespmem:$0x17D00] =	vst v63  }
0x4e: {  	p0 =	sne.s32 s24, $0x4E0;
	_ =	swait.ge [sflag:s19], $0x80  }
0x4f: {  	[sflag:s19] =	ssyncset.done $0x0  }
0x50: {  	s24 =	sadd.s32 s23, s16;
	s23 =	smov.u32 s26;
	[sflag:s19] =	ssyncadd.s32 $0xFFFFFF80  }
0x51: {  	[tilespmem:s20], [sflag:$0x2] =	stream.linear.gather [hbm4b:s24+s3], $0x80, $0x38;
	[tilespmem:$0x17D00] =	vst v63  }
0x52: {  	_ =	swait.ge [sflag:s19], $0x80  }
0x53: {  	[sflag:s19] =	ssyncset.done $0x0  }
0x54: {  	[sflag:s19] =	ssyncadd.s32 $0xFFFFFF80  }
0x55: {  	[tilespmem:s18], [sflag:$0x1] =	stream.indirect.gather [hbm4b:s4+s20], $0x80, s3, s20, $0xb8;
	[tilespmem:$0x17D00] =	vst v63  }
0x56: {  	_ =	swait.ge [sflag:s21], $0x4000  }
.Ltmp1:
0x57: {  	[sflag:s21] =	ssyncset.done $0x0;
	(pc) =	sbr.rel @p0 .LBB2_4-.Ltmp1, $4  }
0x58: {  	[sflag:s21] =	ssyncadd.s32 $0xFFFFC000  }
0x59: {  	[spmem:s2] =	stream.indirect.scatter.add.f32 [tilespmem:s18], [sflag:$0x2], $0x80, s20, s20, $0xb8;
	[tilespmem:$0x17D00] =	vst v63  }
0x5a: {  	_ =	swait.ge [sflag:s19], $0x4000  }
0x5b: {  	s24 =	smov.u32 s28;
	[sflag:s19] =	ssyncset.done $0x0  }
0x5c: {  	s24 =	sadd.s32 s23, s17;
	[sflag:s19] =	ssyncadd.s32 $0xFFFFC000  }
0x5d: {  	[tilespmem:s3], [sflag:$0x2] =	stream.linear.gather [hbm4b:s24+s3], $0x80, $0x38;
	[tilespmem:$0x17D00] =	vst v63  }
0x5e: {  	_ =	swait.ge [sflag:s19], $0x80  }
0x5f: {  	[sflag:s19] =	ssyncset.done $0x0  }
0x60: {  	s31 =	sadd.s32 s23, s16;
	[sflag:s19] =	ssyncadd.s32 $0xFFFFFF80  }
0x61: {  	[tilespmem:s20], [sflag:$0x2] =	stream.linear.gather [hbm4b:s31+s3], $0x80, $0x38;
	[tilespmem:$0x17D00] =	vst v63  }
0x62: {  	_ =	swait.ge [sflag:s19], $0x80  }
0x63: {  	[sflag:s19] =	ssyncset.done $0x0  }
0x64: {  	[sflag:s19] =	ssyncadd.s32 $0xFFFFFF80  }
0x65: {  	[tilespmem:s18], [sflag:$0x1] =	stream.indirect.gather [hbm4b:s4+s20], $0x80, s3, s20, $0xb8;
	[tilespmem:$0x17D00] =	vst v63  }
0x66: {  	_ =	swait.ge [sflag:s21], $0x4000  }
0x67: {  	[sflag:s21] =	ssyncset.done $0x0  }
0x68: {  	[sflag:s21] =	ssyncadd.s32 $0xFFFFC000  }
0x69: {  	[spmem:s2] =	stream.indirect.scatter.add.f32 [tilespmem:s18], [sflag:$0x2], $0x80, s20, s20, $0xb8;
	[tilespmem:$0x17D00] =	vst v63  }
0x6a: {  	_ =	swait.ge [sflag:s19], $0x4000  }
0x6b: {  	[sflag:s19] =	ssyncset.done $0x0  }
0x6c: {  	[sflag:s19] =	ssyncadd.s32 $0xFFFFC000  }
0x6d: {  	[bflag:$0x0] =	sbarrier.arrive $0xFFFF  }
0x6e: {  	[tilespmem:s18], [sflag:$0x2] =	stream.linear.gather [spmem:s5], $0x4000, $0x38;
	[tilespmem:$0x17D00] =	vst v63  }
0x6f: {  	_ =	swait.ge [sflag:s19], $0x4000  }
0x70: {  	[sflag:s19] =	ssyncset.done $0x0  }
0x71: {  	[sflag:s19] =	ssyncadd.s32 $0xFFFFC000  }
0x72: {  	[hbm4b:s10+s3] =	stream.linear.scatter [tilespmem:s18], [sflag:$0x2], $0x4000, $0x38;
	[tilespmem:$0x17D00] =	vst v63  }
0x73: {  	_ =	swait.ge [sflag:s19], $0x4000  }
0x74: {  	[sflag:s19] =	ssyncset.done $0x0  }
0x75: {  	[sflag:s19] =	ssyncadd.s32 $0xFFFFC000  }
0x76: {  	[tilespmem:s18], [sflag:$0x2] =	stream.linear.gather [spmem:s6], $0x4000, $0x38;
	[tilespmem:$0x17D00] =	vst v63  }
0x77: {  	_ =	swait.ge [sflag:s19], $0x4000  }
0x78: {  	[sflag:s19] =	ssyncset.done $0x0  }
0x79: {  	[sflag:s19] =	ssyncadd.s32 $0xFFFFC000  }
0x7a: {  	[hbm4b:s11+s3] =	stream.linear.scatter [tilespmem:s18], [sflag:$0x2], $0x4000, $0x38;
	[tilespmem:$0x17D00] =	vst v63  }
0x7b: {  	_ =	swait.ge [sflag:s19], $0x4000  }
0x7c: {  	[sflag:s19] =	ssyncset.done $0x0  }
0x7d: {  	[sflag:s19] =	ssyncadd.s32 $0xFFFFC000  }
0x7e: {  	[tilespmem:s18], [sflag:$0x2] =	stream.linear.gather [spmem:s7], $0x4000, $0x38;
	[tilespmem:$0x17D00] =	vst v63  }
0x7f: {  	_ =	swait.ge [sflag:s19], $0x4000  }
0x80: {  	[sflag:s19] =	ssyncset.done $0x0  }
0x81: {  	[sflag:s19] =	ssyncadd.s32 $0xFFFFC000  }
0x82: {  	[hbm4b:s12+s3] =	stream.linear.scatter [tilespmem:s18], [sflag:$0x2], $0x4000, $0x38;
	[tilespmem:$0x17D00] =	vst v63  }
0x83: {  	_ =	swait.ge [sflag:s19], $0x4000  }
0x84: {  	[sflag:s19] =	ssyncset.done $0x0  }
0x85: {  	[sflag:s19] =	ssyncadd.s32 $0xFFFFC000  }
0x86: {  	[tilespmem:s18], [sflag:$0x2] =	stream.linear.gather [spmem:s8], $0x4000, $0x38;
	[tilespmem:$0x17D00] =	vst v63  }
0x87: {  	_ =	swait.ge [sflag:s19], $0x4000  }
0x88: {  	[sflag:s19] =	ssyncset.done $0x0  }
0x89: {  	[sflag:s19] =	ssyncadd.s32 $0xFFFFC000  }
0x8a: {  	[hbm4b:s13+s3] =	stream.linear.scatter [tilespmem:s18], [sflag:$0x2], $0x4000, $0x38;
	[tilespmem:$0x17D00] =	vst v63  }
0x8b: {  	_ =	swait.ge [sflag:s19], $0x4000  }
0x8c: {  	[sflag:s19] =	ssyncset.done $0x0  }
0x8d: {  	[sflag:s19] =	ssyncadd.s32 $0xFFFFC000  }
0x8e: {  	[tilespmem:s18], [sflag:$0x2] =	stream.linear.gather [spmem:s9], $0x3C00, $0x38;
	[tilespmem:$0x17D00] =	vst v63  }
0x8f: {  	s22 =	sadd.s32 $0x1, s22;
	_ =	swait.ge [sflag:s19], $0x3C00  }
0x90: {  	p0 =	sne.s32 s22, s15;
	[sflag:s19] =	ssyncset.done $0x0  }
.Ltmp2:
0x91: {  	[sflag:s19] =	ssyncadd.s32 $0xFFFFC400;
	(pc) =	sbr.rel @p0 .LBB2_1-.Ltmp2, $4  }
0x92: {  	[hbm4b:s14+s3] =	stream.linear.scatter [tilespmem:s18], [sflag:$0x2], $0x3C00, $0x38;
	[tilespmem:$0x17D00] =	vst v63  }
0x93: {  	_ =	swait.ge [sflag:s19], $0x3C00  }
0x94: {  	[sflag:s19] =	ssyncset.done $0x0  }
0x95: {  	[sflag:s19] =	ssyncadd.s32 $0xFFFFC400  }
0x96: {  	_ =	sfence.sel $0x180000  }
0x97: {  	[bflag:$0x0] =	sbarrier.arrive $0xFFFF  }
0x98: {  	p0 =	sne.s32 s1, $0x0;
	_ =	strace $0x9000004A  }
0x99: {  	s0 =	sadd.s32 @!p0 $0x100000, s0;
	[bflag:$0x2] =	sbarrier.arrive $0xFFFF  }
0x9a: {  	[sflag:s0] =	ssyncadd.tile.s32 @!p0 $0x1;
	_ =	shalt  }
.Lfunc_end2:
_tile_overlayer_lowered:
.L_overlay_start_2:
0x9b: {  	(tag) =	ssettag $0x2  }
0x9c: {  	s0 =	rddreg [dreg:$0x0];
	s2 =	stileid.u32  }
0x9d: {  	s1 =	rddreg [dreg:$0x1];
	p0 =	sne.s32 s2, $0x0  }
0x9e: {  	s3 =	rddreg [dreg:$0x2];
	[bflag:$0x3] =	sbarrier.arrive $0xFFFF;
	s2 =	simm.s32 @!p0 $0x1C02  }
0x9f: {  	[timem:s3], [sflag:s2] =	dma.local @!p0 [hbm:s0], s1  }
0xa0: {  	s0 =	simm.s32 @!p0 $0x2  }
0xa1: {  	_ =	swait.ge @!p0 [sflag:s0], s1  }
0xa2: {  	s1 =	ssub.s32 @!p0 $0x0, s1;
	[sflag:s0] =	ssyncset.done @!p0 $0x0  }
0xa3: {  	[sflag:s0] =	ssyncadd.s32 @!p0 s1  }
0xa4: {  	[bflag:$0x3] =	sbarrier.arrive $0xFFFF  }
0xa5: {  	_ =	shalt  }

// kernel: kernel.14.cloned.1.call-start
scs
__scs_entry_jumppad:
0x0: {  	(pc) =	sbr.rel $0x88, $3  }
0x1: {  	(tag) =	ssettag $0x0;
	lr =	simm.s32 $0x1  }
0x2: {  	[smem:$0x3F95] =	sst lr;
	_ =	strace $0xD0000000  }
0x3: {  	_ = 	snop  }
0x4: {  	_ = 	snop  }
0x5: {  	_ = 	snop  }
0x6: {  	_ = 	snop  }
0x7: {  	_ = 	snop  }
__scs_overlays_trampoline_lowered:
0x8: {  	[smem:$0x3FA4] =	sst s0  }
0x9: {  	[smem:$0x3FA5] =	sst s1  }
0xa: {  	[smem:$0x3FA6] =	sst s2  }
0xb: {  	[smem:$0x3FA7] =	sst s3  }
0xc: {  	[smem:$0x3FA8] =	sst s4  }
0xd: {  	[smem:$0x3FA9] =	sst s5  }
0xe: {  	[smem:$0x3FAA] =	sst s6  }
0xf: {  	[smem:$0x3FAB] =	sst s7  }
0x10: {  	[smem:$0x3FAC] =	sst s8  }
0x11: {  	[smem:$0x3FAD] =	sst s9;
	s0 =	simm.s32 @!p0 $0x0  }
0x12: {  	s1 =	sld [smem:$0x3F93];
	s0 =	simm.s32 @p0 $0x1  }
0x13: {  	[smem:$0x3FAE] =	sst s0;
	s0 =	simm.s32 @!p1 $0x0  }
0x14: {  	s2 =	sld [smem:$0x3F92];
	s0 =	simm.s32 @p1 $0x1  }
0x15: {  	[smem:$0x3FAF] =	sst s0;
	s0 =	simm.s32 @!p2 $0x0  }
0x16: {  	s3 =	sld [smem:$0x3FDB];
	s0 =	simm.s32 @p2 $0x1  }
0x17: {  	s4 =	simm.s32 $0x1BF5;
	[smem:$0x3FB1] =	sst s0  }
0x18: {  	s0 =	sld [smem:$0x3F94];
	_ =	swait.ge [sflag:s4], $0x0  }
0x19: {  	s7 =	sld [smem:$0x3F95]  }
0x1a: {  	s8 =	sadd.s32 $0xFFFFE003, lr  }
0x1b: {  	s9 =	sadd.s32 $0xFFFFFEF7, lr;
	s5 =	simm.s32 $0xFFFFFFFF;
	p2 =	slt.u32 s8, $0xFFFFF086  }
0x1c: {  	p1 =	slt.u32 s9, $0xF7A;
	s5 =	simm.s32 @!p2 $0x0  }
0x1d: {  	s5 =	simm.s32 @p1 $0x1;
	p0 =	seq.s32 s7, s2  }
0x1e: {  	s7 =	smul.u32 @!p0 $0xF7A, s2;
	p2 =	seq.s32 @!p0 s5, $0x0  }
0x1f: {  	s9 =	smul.u32 $0xF7A, s1;
	s8 =	simm.s32 @!p0 $0x1BF5;
	p2 =	por !p2, p0  }
0x20: {  	[sflag:s8] =	ssyncset.s32 @!p0 $0xFFFFF086;
	s6 =	sadd.s32 @!p0 s3, s7;
	s7 =	simm.s32 @!p0 $0x108  }
0x21: {  	s3 =	sadd.s32 s3, s9;
	s6 =	sadd.s32 @!p0 $0x88, s6;
	s7 =	simm.s32 @p2 $0x1082  }
0x22: {  	[simem:s7], [sflag:s8] =	dma.local @!p0 [hbm:s6], $0xF7A  }
0x23: {  	s9 =	sor.u32 $0xD0000000, s2;
	s6 =	simm.s32 $0x108;
	_ =	swait.ge @!p0 [sflag:s8], $0x0  }
0x24: {  	s3 =	sadd.s32 $0x88, s3;
	s6 =	simm.s32 @!p1 $0x1082;
	[sflag:s4] =	ssyncset.s32 $0xFFFFF086  }
0x25: {  	[simem:s6], [sflag:s4] =	dma.local [hbm:s3], $0xF7A  }
0x26: {  	[smem:$0x3F95] =	sst s1;
	(tag) =	ssettag s2;
	_ =	strace s9  }
0x27: {  	s1 =	sld [smem:$0x3FA5]  }
0x28: {  	s2 =	sld [smem:$0x3FA6]  }
0x29: {  	s4 =	sld [smem:$0x3FA8]  }
0x2a: {  	p0 =	seq.s32 s5, $0x0;
	s5 =	sld [smem:$0x3FA9]  }
0x2b: {  	s6 =	sld [smem:$0x3FAA]  }
0x2c: {  	s7 =	sld [smem:$0x3FAB]  }
0x2d: {  	s3 =	simm.s32 $0x108;
	s8 =	sld [smem:$0x3FAC]  }
0x2e: {  	s3 =	simm.s32 @!p0 $0x1082;
	s9 =	sld [smem:$0x3FAD]  }
0x2f: {  	lr =	sadd.s32 s0, s3;
	s0 =	sld [smem:$0x3FA4]  }
0x30: {  	s3 =	sld [smem:$0x3FA7]  }
0x31: {  	[smem:$0x3FB0] =	sst s10  }
0x32: {  	s10 =	sld [smem:$0x3FAE];
	_ =	sdelay $0x3  }
0x33: {  	p0 =	seq.s32 s10, $0x1;
	s10 =	sld [smem:$0x3FB0];
	_ =	sdelay $0x3  }
0x34: {  	[smem:$0x3FB0] =	sst s10  }
0x35: {  	s10 =	sld [smem:$0x3FAF];
	_ =	sdelay $0x3  }
0x36: {  	p1 =	seq.s32 s10, $0x1;
	s10 =	sld [smem:$0x3FB0];
	_ =	sdelay $0x3  }
0x37: {  	[smem:$0x3FB0] =	sst s10  }
0x38: {  	s10 =	sld [smem:$0x3FB1]  }
0x39: {  	_ = 	snop;
	(pc) =	sbr.ind lr, $3  }
0x3a: {  	_ = 	snop  }
0x3b: {  	_ = 	snop  }
0x3c: {  	p2 =	seq.s32 s10, $0x1;
	s10 =	sld [smem:$0x3FB0]  }
0x3d: {  	_ =	shalt  }
0x3e: {  	_ =	shalt  }
0x3f: {  	_ =	shalt  }
0x40: {  	_ =	shalt  }
0x41: {  	_ =	shalt  }
0x42: {  	_ =	shalt  }
0x43: {  	_ =	shalt  }
0x44: {  	_ =	shalt  }
0x45: {  	_ =	shalt  }
0x46: {  	_ =	shalt  }
0x47: {  	_ =	shalt  }
0x48: {  	_ =	shalt  }
0x49: {  	_ =	shalt  }
0x4a: {  	_ =	shalt  }
0x4b: {  	_ =	shalt  }
0x4c: {  	_ =	shalt  }
0x4d: {  	_ =	shalt  }
0x4e: {  	_ =	shalt  }
0x4f: {  	_ =	shalt  }
0x50: {  	_ =	shalt  }
0x51: {  	_ =	shalt  }
0x52: {  	_ =	shalt  }
0x53: {  	_ =	shalt  }
0x54: {  	_ =	shalt  }
0x55: {  	_ =	shalt  }
0x56: {  	_ =	shalt  }
0x57: {  	_ =	shalt  }
0x58: {  	_ =	shalt  }
0x59: {  	_ =	shalt  }
0x5a: {  	_ =	shalt  }
0x5b: {  	_ =	shalt  }
0x5c: {  	_ =	shalt  }
0x5d: {  	_ =	shalt  }
0x5e: {  	_ =	shalt  }
0x5f: {  	_ =	shalt  }
0x60: {  	_ =	shalt  }
0x61: {  	_ =	shalt  }
0x62: {  	_ =	shalt  }
0x63: {  	_ =	shalt  }
0x64: {  	_ =	shalt  }
0x65: {  	_ =	shalt  }
0x66: {  	_ =	shalt  }
0x67: {  	_ =	shalt  }
0x68: {  	_ =	shalt  }
0x69: {  	_ =	shalt  }
0x6a: {  	_ =	shalt  }
0x6b: {  	_ =	shalt  }
0x6c: {  	_ =	shalt  }
0x6d: {  	_ =	shalt  }
0x6e: {  	_ =	shalt  }
0x6f: {  	_ =	shalt  }
0x70: {  	_ =	shalt  }
0x71: {  	_ =	shalt  }
0x72: {  	_ =	shalt  }
0x73: {  	_ =	shalt  }
0x74: {  	_ =	shalt  }
0x75: {  	_ =	shalt  }
0x76: {  	_ =	shalt  }
0x77: {  	_ =	shalt  }
0x78: {  	_ =	shalt  }
0x79: {  	_ =	shalt  }
0x7a: {  	_ =	shalt  }
0x7b: {  	_ =	shalt  }
0x7c: {  	_ =	shalt  }
0x7d: {  	_ =	shalt  }
0x7e: {  	_ =	shalt  }
0x7f: {  	_ =	shalt  }
0x80: {  	_ =	shalt  }
0x81: {  	_ =	shalt  }
0x82: {  	_ =	shalt  }
0x83: {  	_ =	shalt  }
0x84: {  	_ =	shalt  }
0x85: {  	_ =	shalt  }
0x86: {  	_ =	shalt  }
0x87: {  	_ =	shalt  }
.Lfunc_end0:
.L_simem_size_0:
called_computation.2_lowered:
.L_overlay_start_0:
0x88: {  	s2 =	sld [smem:$0x3FD9]  }
0x89: {  	s3 =	sld [smem:$0x3FFE];
	_ =	sdelay $0x1  }
0x8a: {  	s1 =	srdreg.scid  }
0x8b: {  	s0 =	sand.u32 $0x1, s1  }
0x8c: {  	s17 =	sshll.u32 s0, $0xA;
	s2 =	sadd.s32 s3, s2  }
0x8d: {  	s2 =	sadd.s32 s2, s17  }
0x8e: {  	[smem:$0x3FBC] =	sst s2  }
0x8f: {  	_ = 	snop  }
0x90: {  	s2 =	sld [smem:$0x3FD0];
	(tm) =	ssettm $0x1  }
0x91: {  	s18 =	sld [smem:$0x3FFB];
	_ =	sdelay $0x3  }
0x92: {  	_ =	strace s18  }
0x93: {  	s3 =	sld [smem:$0x3FFC];
	_ =	sdelay $0x3  }
0x94: {  	_ =	strace s3  }
0x95: {  	s3 =	sld [smem:$0x3FFD];
	_ =	sdelay $0x3  }
0x96: {  	_ =	strace s3  }
0x97: {  	_ =	strace $0x8FFFFFFF  }
0x98: {  	s19 =	sld [smem:$0x3FDB];
	_ =	sdelay $0x1  }
0x99: {  	s4 =	simm.s32 $_scs_section_size  }
0x9a: {  	s5 =	simm.s32 $_size__tile_overlayer_lowered;
	s6 =	simm.s32 $_tile_overlayer_lowered  }
0x9b: {  	s22 =	simm.s32 $0x1BFF;
	s21 =	sshll.u32 s6, $0x1;
	s3 =	sadd.s32 s4, s19  }
0x9c: {  	s7 =	simm.s32 $0x0;
	s20 =	sshll.u32 s5, $0x1;
	s5 =	sadd.s32 s21, s3  }
0x9d: {  	[timem:s7], [sflag:s22] =	dma.local [hbm:s5], s20  }
0x9e: {  	_ =	swait.ge [sflag:s22], s20  }
0x9f: {  	s4 =	ssub.s32 $0x0, s20;
	[sflag:s22] =	ssyncset.done $0x0  }
0xa0: {  	[sflag:s22] =	ssyncadd.s32 s4;
	_ =	sdelay $0x1  }
0xa1: {  	s23 =	simm.s32 $0x1B8B  }
0xa2: {  	_ =	swait.ge [sflag:s23], $0x1  }
0xa3: {  	[sflag:s23] =	ssyncset.done $0x0  }
0xa4: {  	s25 =	simm.s32 $0x1B8E;
	s24 =	sld [smem:$0x3FFE];
	[sflag:s23] =	ssyncadd.s32 $0xFFFFFFFF  }
0xa5: {  	s26 =	simm.s32 $execute0_lowered;
	[smem:$0x3FD2] =	sst s25  }
0xa6: {  	s5 =	sshll.u32 s26, $0x1;
	_ =	strace $0x8000004C;
	[dreg:$0x1] =	wrdreg $0xFFFFFFFF  }
0xa7: {  	s28 =	simm.s32 $_size_execute0_lowered;
	s3 =	sadd.s32 s3, s5;
	[dreg:$0x0] =	wrdreg $0x0  }
0xa8: {  	s5 =	sshll.u32 s28, $0x1;
	[dreg:$0x2] =	wrdreg s3  }
0xa9: {  	[dreg:$0x3] =	wrdreg s5  }
0xaa: {  	[dreg:$0x4] =	wrdreg $0xC0  }
0xab: {  	_ =	task [dreg:s7], $0x5FFFF  }
0xac: {  	[dreg:$0x1] =	wrdreg $0xFFFFFFFF  }
0xad: {  	[dreg:$0x0] =	wrdreg $0x60  }
0xae: {  	[dreg:$0x2] =	wrdreg s24  }
0xaf: {  	[dreg:$0x3] =	wrdreg s2  }
0xb0: {  	[dreg:$0x4] =	wrdreg $0x41000  }
0xb1: {  	[dreg:$0x5] =	wrdreg $0x9  }
0xb2: {  	_ =	task.clear_ibuf [dreg:s7], $0x6FFFF;
	_ =	strace $0x9000004C  }
0xb3: {  	s29 =	simm.s32 $0x9;
	_ =	strace $0x8000004E  }
0xb4: {  	_ =	swait.ge [sflag:s29], $0x1  }
0xb5: {  	[sflag:s29] =	ssyncadd.s32 $0xFFFFFFFF  }
0xb6: {  	_ =	strace $0x9000004E  }
0xb7: {  	_ =	sfence  }
0xb8: {  	s30 =	sld [smem:$0x0];
	_ =	sdelay $0x2  }
0xb9: {  	s31 =	sshll.u32 s1, $0xD;
	s1 =	sshrl.u32 s1, $0x2  }
0xba: {  	s3 =	sand.u32 $0x4000, s31;
	s1 =	sadd.s32 s1, s30  }
0xbb: {  	s0 =	sor.u32 s3, s0;
	s1 =	sshll.u32 s1, $0x11  }
0xbc: {  	s0 =	sor.u32 s1, s0  }
0xbd: {  	s0 =	sadd.s32 $0x8F2B, s0  }
0xbe: {  	[sflag:s0] =	ssyncadd.remote.s32 $0x1  }
0xbf: {  	_ =	sfence.sel $0xFFFF  }
0xc0: {  	[dreg:$0x0] =	wrdreg $0xFFFFFFFF;
	(pc) =	sbr.abs _section_cstart, $3  }
0xc1: {  	[dreg:$0x1] =	wrdreg $0xFFFFFFFF  }
0xc2: {  	_ =	task.clear_ibuf [dreg:s7], $0x2FFFF;
	_ =	strace $0x9FFFFFFF  }
0xc3: {  	(tm) =	ssettm $0x7FFFFFFF  }
tec
execute0_lowered:
.L_overlay_start_1:
0x0: {  	(tag) =	ssettag $0x1  }
0x1: {  	s5 =	rddreg [dreg:$0x0]  }
0x2: {  	s15 =	rddreg [dreg:$0x1]  }
0x3: {  	s2 =	rddreg [dreg:$0x2]  }
0x4: {  	s0 =	rddreg [dreg:$0x3];
	s1 =	stileid.u32  }
0x5: {  	s3 =	simm.s32 $0x0;
	s6 =	srdreg.scid;
	s16 =	smul.u32 $0x9E0, s1  }
0x6: {  	s22 =	simm.s32 $0x0;
	[smem:$0x7FF] =	sst s3;
	s7 =	smul.u32 $0x4F000, s1  }
0x7: {  	s4 =	sadd.s32 $0x3000, s5;
	s13 =	sand.u32 $0x1, s6;
	s10 =	smul.u32 $0x13C00, s1  }
0x8: {  	s14 =	sadd.s32 $0x5BE00, s5;
	_ =	strace $0x8000004D;
	s20 =	smul.u32 $0x13C000, s13  }
0x9: {  	s29 =	ssub.s32 $0x2, s13;
	s31 =	smul.u32 $0x4F0, s13;
	s17 =	sadd.s32 s16, s5  }
0xa: {  	s30 =	sshrl.u32 s29, $0x1;
	s7 =	sshrl.u32 s7, $0x2;
	s11 =	sadd.s32 $0x4000, s10  }
0xb: {  	s12 =	sadd.s32 $0x8000, s10;
	s19 =	sadd.s32 $0xC000, s10;
	s21 =	sadd.s32 $0x10000, s10  }
0xc: {  	s16 =	sadd.s32 s16, s15;
	s18 =	ssub.s32 s29, s30;
	s5 =	sadd.s32 s7, s2  }
0xd: {  	s6 =	sadd.s32 s11, s2;
	s7 =	sadd.s32 s12, s2;
	s8 =	sadd.s32 s19, s2  }
0xe: {  	s9 =	sadd.s32 s21, s2;
	s10 =	sadd.s32 s10, s20;
	s11 =	sadd.s32 s20, s11  }
0xf: {  	s12 =	sadd.s32 s20, s12;
	s19 =	sadd.s32 s20, s19;
	s20 =	sadd.s32 s20, s21  }
0x10: {  	s16 =	sadd.s32 s31, s16;
	s17 =	sadd.s32 s31, s17;
	s21 =	simm.s32 $0x1  }
0x11: {  	s10 =	sshrl.u32 s10, $0x3;
	s11 =	sshrl.u32 s11, $0x3;
	s12 =	sshrl.u32 s12, $0x3  }
0x12: {  	s19 =	sshrl.u32 s19, $0x3;
	s20 =	sshrl.u32 s20, $0x3;
	s15 =	smax.u32 s18, $0x1  }
0x13: {  	s17 =	sadd.s32 $0x52000, s17;
	s18 =	simm.s32 $0x100;
	s10 =	sadd.s32 s14, s10  }
0x14: {  	s11 =	sadd.s32 s14, s11;
	s12 =	sadd.s32 s14, s12;
	s13 =	sadd.s32 s14, s19  }
0x15: {  	v0 =	vimm.f32 $0.0e+00;
	s14 =	sadd.s32 s14, s20;
	s19 =	simm.s32 $0x2;
	s20 =	simm.s32 $0x80  }
.LBB2_1:
0x16: {  	s23 =	simm.s32 $0x0;
	s24 =	simm.s32 $0x200  }
.LBB2_2:
0x17: {  	p0 =	sne.s32 s24, $0xFE00;
	[tilespmem:s23+$0x170] =	vst v0  }
0x18: {  	[tilespmem:s23+$0x100] =	vst v0  }
0x19: {  	[tilespmem:s23+$0x110] =	vst v0  }
.Ltmp0:
0x1a: {  	[tilespmem:s23+$0x120] =	vst v0;
	(pc) =	sbr.rel @p0 .LBB2_2-.Ltmp0, $4  }
0x1b: {  	[tilespmem:s23+$0x130] =	vst v0  }
0x1c: {  	[tilespmem:s23+$0x140] =	vst v0  }
0x1d: {  	[tilespmem:s23+$0x150] =	vst v0  }
0x1e: {  	[tilespmem:s23+$0x160] =	vst v0;
	s23 =	sshra.s32 s24, $0x2;
	s24 =	sadd.s32 $0x200, s24  }
0x1f: {  	[tilespmem:s23+$0x170] =	vst v0  }
0x20: {  	[tilespmem:s23+$0x100] =	vst v0  }
0x21: {  	[tilespmem:s23+$0x110] =	vst v0  }
0x22: {  	[tilespmem:s23+$0x120] =	vst v0  }
0x23: {  	[tilespmem:s23+$0x130] =	vst v0  }
0x24: {  	[tilespmem:s23+$0x140] =	vst v0  }
0x25: {  	[tilespmem:s23+$0x150] =	vst v0  }
0x26: {  	[tilespmem:s23+$0x160] =	vst v0  }
0x27: {  	[spmem:s5] =	stream.linear.scatter [tilespmem:s18], [sflag:$0x2], $0x4000, $0x38;
	[tilespmem:$0x17D00] =	vst v63  }
0x28: {  	_ =	swait.ge [sflag:s19], $0x4000  }
0x29: {  	[sflag:s19] =	ssyncset.done $0x0  }
0x2a: {  	[sflag:s19] =	ssyncadd.s32 $0xFFFFC000  }
0x2b: {  	[spmem:s6] =	stream.linear.scatter [tilespmem:s18], [sflag:$0x2], $0x4000, $0x38;
	[tilespmem:$0x17D00] =	vst v63  }
0x2c: {  	_ =	swait.ge [sflag:s19], $0x4000  }
0x2d: {  	[sflag:s19] =	ssyncset.done $0x0  }
0x2e: {  	[sflag:s19] =	ssyncadd.s32 $0xFFFFC000  }
0x2f: {  	[spmem:s7] =	stream.linear.scatter [tilespmem:s18], [sflag:$0x2], $0x4000, $0x38;
	[tilespmem:$0x17D00] =	vst v63  }
0x30: {  	_ =	swait.ge [sflag:s19], $0x4000  }
0x31: {  	[sflag:s19] =	ssyncset.done $0x0  }
0x32: {  	[sflag:s19] =	ssyncadd.s32 $0xFFFFC000  }
0x33: {  	[spmem:s8] =	stream.linear.scatter [tilespmem:s18], [sflag:$0x2], $0x4000, $0x38;
	[tilespmem:$0x17D00] =	vst v63  }
0x34: {  	_ =	swait.ge [sflag:s19], $0x4000  }
0x35: {  	[sflag:s19] =	ssyncset.done $0x0  }
0x36: {  	[sflag:s19] =	ssyncadd.s32 $0xFFFFC000  }
0x37: {  	[spmem:s9] =	stream.linear.scatter [tilespmem:s18], [sflag:$0x2], $0x3C00, $0x38;
	[tilespmem:$0x17D00] =	vst v63  }
0x38: {  	_ =	swait.ge [sflag:s19], $0x3C00  }
0x39: {  	[sflag:s19] =	ssyncset.done $0x0  }
0x3a: {  	[sflag:s19] =	ssyncadd.s32 $0xFFFFC400  }
0x3b: {  	s30 =	sadd.s32 $0x0, s17;
	[bflag:$0x0] =	sbarrier.arrive $0xFFFF  }
0x3c: {  	[tilespmem:s3], [sflag:$0x2] =	stream.linear.gather [hbm4b:s30+s3], $0x80, $0x38;
	[tilespmem:$0x17D00] =	vst v63  }
0x3d: {  	_ =	swait.ge [sflag:s19], $0x80  }
0x3e: {  	[sflag:s19] =	ssyncset.done $0x0  }
0x3f: {  	s31 =	sadd.s32 $0x0, s16;
	[sflag:s19] =	ssyncadd.s32 $0xFFFFFF80  }
0x40: {  	[tilespmem:s20], [sflag:$0x2] =	stream.linear.gather [hbm4b:s31+s3], $0x80, $0x38;
	[tilespmem:$0x17D00] =	vst v63  }
0x41: {  	_ =	swait.ge [sflag:s19], $0x80  }
0x42: {  	[sflag:s19] =	ssyncset.done $0x0  }
0x43: {  	[sflag:s19] =	ssyncadd.s32 $0xFFFFFF80  }
0x44: {  	[tilespmem:s18], [sflag:$0x1] =	stream.indirect.gather [hbm4b:s4+s20], $0x80, s3, s20, $0xb8;
	[tilespmem:$0x17D00] =	vst v63  }
0x45: {  	_ =	swait.ge [sflag:s21], $0x4000  }
0x46: {  	[sflag:s21] =	ssyncset.done $0x0  }
0x47: {  	[sflag:s21] =	ssyncadd.s32 $0xFFFFC000  }
0x48: {  	[spmem:s2] =	stream.indirect.scatter.add.f32 [tilespmem:s18], [sflag:$0x2], $0x80, s20, s20, $0xb8;
	[tilespmem:$0x17D00] =	vst v63  }
0x49: {  	_ =	swait.ge [sflag:s19], $0x4000  }
0x4a: {  	s23 =	simm.s32 $0x10;
	s24 =	simm.s32 $0x20;
	[sflag:s19] =	ssyncset.done $0x0  }
.LBB2_4:
0x4b: {  	s25 =	sadd.s32 s23, s17  }
0x4c: {  	[sflag:s19] =	ssyncadd.s32 $0xFFFFC000;
	s26 =	smov.u32 s24;
	s28 =	sadd.s32 $0x10, s24  }
0x4d: {  	[tilespmem:s3], [sflag:$0x2] =	stream.linear.gather [hbm4b:s25+s3], $0x80, $0x38;
	[tilespmem:$0x17D00] =	vst v63  }
0x4e: {  	p0 =	sne.s32 s24, $0x4E0;
	_ =	swait.ge [sflag:s19], $0x80  }
0x4f: {  	[sflag:s19] =	ssyncset.done $0x0  }
0x50: {  	s24 =	sadd.s32 s23, s16;
	s23 =	smov.u32 s26;
	[sflag:s19] =	ssyncadd.s32 $0xFFFFFF80  }
0x51: {  	[tilespmem:s20], [sflag:$0x2] =	stream.linear.gather [hbm4b:s24+s3], $0x80, $0x38;
	[tilespmem:$0x17D00] =	vst v63  }
0x52: {  	_ =	swait.ge [sflag:s19], $0x80  }
0x53: {  	[sflag:s19] =	ssyncset.done $0x0  }
0x54: {  	[sflag:s19] =	ssyncadd.s32 $0xFFFFFF80  }
0x55: {  	[tilespmem:s18], [sflag:$0x1] =	stream.indirect.gather [hbm4b:s4+s20], $0x80, s3, s20, $0xb8;
	[tilespmem:$0x17D00] =	vst v63  }
0x56: {  	_ =	swait.ge [sflag:s21], $0x4000  }
.Ltmp1:
0x57: {  	[sflag:s21] =	ssyncset.done $0x0;
	(pc) =	sbr.rel @p0 .LBB2_4-.Ltmp1, $4  }
0x58: {  	[sflag:s21] =	ssyncadd.s32 $0xFFFFC000  }
0x59: {  	[spmem:s2] =	stream.indirect.scatter.add.f32 [tilespmem:s18], [sflag:$0x2], $0x80, s20, s20, $0xb8;
	[tilespmem:$0x17D00] =	vst v63  }
0x5a: {  	_ =	swait.ge [sflag:s19], $0x4000  }
0x5b: {  	s24 =	smov.u32 s28;
	[sflag:s19] =	ssyncset.done $0x0  }
0x5c: {  	s24 =	sadd.s32 s23, s17;
	[sflag:s19] =	ssyncadd.s32 $0xFFFFC000  }
0x5d: {  	[tilespmem:s3], [sflag:$0x2] =	stream.linear.gather [hbm4b:s24+s3], $0x80, $0x38;
	[tilespmem:$0x17D00] =	vst v63  }
0x5e: {  	_ =	swait.ge [sflag:s19], $0x80  }
0x5f: {  	[sflag:s19] =	ssyncset.done $0x0  }
0x60: {  	s31 =	sadd.s32 s23, s16;
	[sflag:s19] =	ssyncadd.s32 $0xFFFFFF80  }
0x61: {  	[tilespmem:s20], [sflag:$0x2] =	stream.linear.gather [hbm4b:s31+s3], $0x80, $0x38;
	[tilespmem:$0x17D00] =	vst v63  }
0x62: {  	_ =	swait.ge [sflag:s19], $0x80  }
0x63: {  	[sflag:s19] =	ssyncset.done $0x0  }
0x64: {  	[sflag:s19] =	ssyncadd.s32 $0xFFFFFF80  }
0x65: {  	[tilespmem:s18], [sflag:$0x1] =	stream.indirect.gather [hbm4b:s4+s20], $0x80, s3, s20, $0xb8;
	[tilespmem:$0x17D00] =	vst v63  }
0x66: {  	_ =	swait.ge [sflag:s21], $0x4000  }
0x67: {  	[sflag:s21] =	ssyncset.done $0x0  }
0x68: {  	[sflag:s21] =	ssyncadd.s32 $0xFFFFC000  }
0x69: {  	[spmem:s2] =	stream.indirect.scatter.add.f32 [tilespmem:s18], [sflag:$0x2], $0x80, s20, s20, $0xb8;
	[tilespmem:$0x17D00] =	vst v63  }
0x6a: {  	_ =	swait.ge [sflag:s19], $0x4000  }
0x6b: {  	[sflag:s19] =	ssyncset.done $0x0  }
0x6c: {  	[sflag:s19] =	ssyncadd.s32 $0xFFFFC000  }
0x6d: {  	[bflag:$0x0] =	sbarrier.arrive $0xFFFF  }
0x6e: {  	[tilespmem:s18], [sflag:$0x2] =	stream.linear.gather [spmem:s5], $0x4000, $0x38;
	[tilespmem:$0x17D00] =	vst v63  }
0x6f: {  	_ =	swait.ge [sflag:s19], $0x4000  }
0x70: {  	[sflag:s19] =	ssyncset.done $0x0  }
0x71: {  	[sflag:s19] =	ssyncadd.s32 $0xFFFFC000  }
0x72: {  	[hbm4b:s10+s3] =	stream.linear.scatter [tilespmem:s18], [sflag:$0x2], $0x4000, $0x38;
	[tilespmem:$0x17D00] =	vst v63  }
0x73: {  	_ =	swait.ge [sflag:s19], $0x4000  }
0x74: {  	[sflag:s19] =	ssyncset.done $0x0  }
0x75: {  	[sflag:s19] =	ssyncadd.s32 $0xFFFFC000  }
0x76: {  	[tilespmem:s18], [sflag:$0x2] =	stream.linear.gather [spmem:s6], $0x4000, $0x38;
	[tilespmem:$0x17D00] =	vst v63  }
0x77: {  	_ =	swait.ge [sflag:s19], $0x4000  }
0x78: {  	[sflag:s19] =	ssyncset.done $0x0  }
0x79: {  	[sflag:s19] =	ssyncadd.s32 $0xFFFFC000  }
0x7a: {  	[hbm4b:s11+s3] =	stream.linear.scatter [tilespmem:s18], [sflag:$0x2], $0x4000, $0x38;
	[tilespmem:$0x17D00] =	vst v63  }
0x7b: {  	_ =	swait.ge [sflag:s19], $0x4000  }
0x7c: {  	[sflag:s19] =	ssyncset.done $0x0  }
0x7d: {  	[sflag:s19] =	ssyncadd.s32 $0xFFFFC000  }
0x7e: {  	[tilespmem:s18], [sflag:$0x2] =	stream.linear.gather [spmem:s7], $0x4000, $0x38;
	[tilespmem:$0x17D00] =	vst v63  }
0x7f: {  	_ =	swait.ge [sflag:s19], $0x4000  }
0x80: {  	[sflag:s19] =	ssyncset.done $0x0  }
0x81: {  	[sflag:s19] =	ssyncadd.s32 $0xFFFFC000  }
0x82: {  	[hbm4b:s12+s3] =	stream.linear.scatter [tilespmem:s18], [sflag:$0x2], $0x4000, $0x38;
	[tilespmem:$0x17D00] =	vst v63  }
0x83: {  	_ =	swait.ge [sflag:s19], $0x4000  }
0x84: {  	[sflag:s19] =	ssyncset.done $0x0  }
0x85: {  	[sflag:s19] =	ssyncadd.s32 $0xFFFFC000  }
0x86: {  	[tilespmem:s18], [sflag:$0x2] =	stream.linear.gather [spmem:s8], $0x4000, $0x38;
	[tilespmem:$0x17D00] =	vst v63  }
0x87: {  	_ =	swait.ge [sflag:s19], $0x4000  }
0x88: {  	[sflag:s19] =	ssyncset.done $0x0  }
0x89: {  	[sflag:s19] =	ssyncadd.s32 $0xFFFFC000  }
0x8a: {  	[hbm4b:s13+s3] =	stream.linear.scatter [tilespmem:s18], [sflag:$0x2], $0x4000, $0x38;
	[tilespmem:$0x17D00] =	vst v63  }
0x8b: {  	_ =	swait.ge [sflag:s19], $0x4000  }
0x8c: {  	[sflag:s19] =	ssyncset.done $0x0  }
0x8d: {  	[sflag:s19] =	ssyncadd.s32 $0xFFFFC000  }
0x8e: {  	[tilespmem:s18], [sflag:$0x2] =	stream.linear.gather [spmem:s9], $0x3C00, $0x38;
	[tilespmem:$0x17D00] =	vst v63  }
0x8f: {  	s22 =	sadd.s32 $0x1, s22;
	_ =	swait.ge [sflag:s19], $0x3C00  }
0x90: {  	p0 =	sne.s32 s22, s15;
	[sflag:s19] =	ssyncset.done $0x0  }
.Ltmp2:
0x91: {  	[sflag:s19] =	ssyncadd.s32 $0xFFFFC400;
	(pc) =	sbr.rel @p0 .LBB2_1-.Ltmp2, $4  }
0x92: {  	[hbm4b:s14+s3] =	stream.linear.scatter [tilespmem:s18], [sflag:$0x2], $0x3C00, $0x38;
	[tilespmem:$0x17D00] =	vst v63  }
0x93: {  	_ =	swait.ge [sflag:s19], $0x3C00  }
0x94: {  	[sflag:s19] =	ssyncset.done $0x0  }
0x95: {  	[sflag:s19] =	ssyncadd.s32 $0xFFFFC400  }
0x96: {  	_ =	sfence.sel $0x180000  }
0x97: {  	[bflag:$0x0] =	sbarrier.arrive $0xFFFF  }
0x98: {  	p0 =	sne.s32 s1, $0x0;
	_ =	strace $0x9000004D  }
0x99: {  	s0 =	sadd.s32 @!p0 $0x100000, s0;
	[bflag:$0x2] =	sbarrier.arrive $0xFFFF  }
0x9a: {  	[sflag:s0] =	ssyncadd.tile.s32 @!p0 $0x1;
	_ =	shalt  }
.Lfunc_end2:
_tile_overlayer_lowered:
.L_overlay_start_2:
0x9b: {  	(tag) =	ssettag $0x2  }
0x9c: {  	s0 =	rddreg [dreg:$0x0];
	s2 =	stileid.u32  }
0x9d: {  	s1 =	rddreg [dreg:$0x1];
	p0 =	sne.s32 s2, $0x0  }
0x9e: {  	s3 =	rddreg [dreg:$0x2];
	[bflag:$0x3] =	sbarrier.arrive $0xFFFF;
	s2 =	simm.s32 @!p0 $0x1C02  }
0x9f: {  	[timem:s3], [sflag:s2] =	dma.local @!p0 [hbm:s0], s1  }
0xa0: {  	s0 =	simm.s32 @!p0 $0x2  }
0xa1: {  	_ =	swait.ge @!p0 [sflag:s0], s1  }
0xa2: {  	s1 =	ssub.s32 @!p0 $0x0, s1;
	[sflag:s0] =	ssyncset.done @!p0 $0x0  }
0xa3: {  	[sflag:s0] =	ssyncadd.s32 @!p0 s1  }
0xa4: {  	[bflag:$0x3] =	sbarrier.arrive $0xFFFF  }
0xa5: {  	_ =	shalt  }

// kernel: kernel.8.cloned.1.call-start
scs
__scs_entry_jumppad:
0x0: {  	(pc) =	sbr.rel $0x88, $3  }
0x1: {  	(tag) =	ssettag $0x0;
	lr =	simm.s32 $0x1  }
0x2: {  	[smem:$0x3F95] =	sst lr;
	_ =	strace $0xD0000000  }
0x3: {  	_ = 	snop  }
0x4: {  	_ = 	snop  }
0x5: {  	_ = 	snop  }
0x6: {  	_ = 	snop  }
0x7: {  	_ = 	snop  }
__scs_overlays_trampoline_lowered:
0x8: {  	[smem:$0x3FA4] =	sst s0  }
0x9: {  	[smem:$0x3FA5] =	sst s1  }
0xa: {  	[smem:$0x3FA6] =	sst s2  }
0xb: {  	[smem:$0x3FA7] =	sst s3  }
0xc: {  	[smem:$0x3FA8] =	sst s4  }
0xd: {  	[smem:$0x3FA9] =	sst s5  }
0xe: {  	[smem:$0x3FAA] =	sst s6  }
0xf: {  	[smem:$0x3FAB] =	sst s7  }
0x10: {  	[smem:$0x3FAC] =	sst s8  }
0x11: {  	[smem:$0x3FAD] =	sst s9;
	s0 =	simm.s32 @!p0 $0x0  }
0x12: {  	s1 =	sld [smem:$0x3F93];
	s0 =	simm.s32 @p0 $0x1  }
0x13: {  	[smem:$0x3FAE] =	sst s0;
	s0 =	simm.s32 @!p1 $0x0  }
0x14: {  	s2 =	sld [smem:$0x3F92];
	s0 =	simm.s32 @p1 $0x1  }
0x15: {  	[smem:$0x3FAF] =	sst s0;
	s0 =	simm.s32 @!p2 $0x0  }
0x16: {  	s3 =	sld [smem:$0x3FDB];
	s0 =	simm.s32 @p2 $0x1  }
0x17: {  	s4 =	simm.s32 $0x1BF5;
	[smem:$0x3FB1] =	sst s0  }
0x18: {  	s0 =	sld [smem:$0x3F94];
	_ =	swait.ge [sflag:s4], $0x0  }
0x19: {  	s7 =	sld [smem:$0x3F95]  }
0x1a: {  	s8 =	sadd.s32 $0xFFFFE003, lr  }
0x1b: {  	s9 =	sadd.s32 $0xFFFFFEF7, lr;
	s5 =	simm.s32 $0xFFFFFFFF;
	p2 =	slt.u32 s8, $0xFFFFF086  }
0x1c: {  	p1 =	slt.u32 s9, $0xF7A;
	s5 =	simm.s32 @!p2 $0x0  }
0x1d: {  	s5 =	simm.s32 @p1 $0x1;
	p0 =	seq.s32 s7, s2  }
0x1e: {  	s7 =	smul.u32 @!p0 $0xF7A, s2;
	p2 =	seq.s32 @!p0 s5, $0x0  }
0x1f: {  	s9 =	smul.u32 $0xF7A, s1;
	s8 =	simm.s32 @!p0 $0x1BF5;
	p2 =	por !p2, p0  }
0x20: {  	[sflag:s8] =	ssyncset.s32 @!p0 $0xFFFFF086;
	s6 =	sadd.s32 @!p0 s3, s7;
	s7 =	simm.s32 @!p0 $0x108  }
0x21: {  	s3 =	sadd.s32 s3, s9;
	s6 =	sadd.s32 @!p0 $0x88, s6;
	s7 =	simm.s32 @p2 $0x1082  }
0x22: {  	[simem:s7], [sflag:s8] =	dma.local @!p0 [hbm:s6], $0xF7A  }
0x23: {  	s9 =	sor.u32 $0xD0000000, s2;
	s6 =	simm.s32 $0x108;
	_ =	swait.ge @!p0 [sflag:s8], $0x0  }
0x24: {  	s3 =	sadd.s32 $0x88, s3;
	s6 =	simm.s32 @!p1 $0x1082;
	[sflag:s4] =	ssyncset.s32 $0xFFFFF086  }
0x25: {  	[simem:s6], [sflag:s4] =	dma.local [hbm:s3], $0xF7A  }
0x26: {  	[smem:$0x3F95] =	sst s1;
	(tag) =	ssettag s2;
	_ =	strace s9  }
0x27: {  	s1 =	sld [smem:$0x3FA5]  }
0x28: {  	s2 =	sld [smem:$0x3FA6]  }
0x29: {  	s4 =	sld [smem:$0x3FA8]  }
0x2a: {  	p0 =	seq.s32 s5, $0x0;
	s5 =	sld [smem:$0x3FA9]  }
0x2b: {  	s6 =	sld [smem:$0x3FAA]  }
0x2c: {  	s7 =	sld [smem:$0x3FAB]  }
0x2d: {  	s3 =	simm.s32 $0x108;
	s8 =	sld [smem:$0x3FAC]  }
0x2e: {  	s3 =	simm.s32 @!p0 $0x1082;
	s9 =	sld [smem:$0x3FAD]  }
0x2f: {  	lr =	sadd.s32 s0, s3;
	s0 =	sld [smem:$0x3FA4]  }
0x30: {  	s3 =	sld [smem:$0x3FA7]  }
0x31: {  	[smem:$0x3FB0] =	sst s10  }
0x32: {  	s10 =	sld [smem:$0x3FAE];
	_ =	sdelay $0x3  }
0x33: {  	p0 =	seq.s32 s10, $0x1;
	s10 =	sld [smem:$0x3FB0];
	_ =	sdelay $0x3  }
0x34: {  	[smem:$0x3FB0] =	sst s10  }
0x35: {  	s10 =	sld [smem:$0x3FAF];
	_ =	sdelay $0x3  }
0x36: {  	p1 =	seq.s32 s10, $0x1;
	s10 =	sld [smem:$0x3FB0];
	_ =	sdelay $0x3  }
0x37: {  	[smem:$0x3FB0] =	sst s10  }
0x38: {  	s10 =	sld [smem:$0x3FB1]  }
0x39: {  	_ = 	snop;
	(pc) =	sbr.ind lr, $3  }
0x3a: {  	_ = 	snop  }
0x3b: {  	_ = 	snop  }
0x3c: {  	p2 =	seq.s32 s10, $0x1;
	s10 =	sld [smem:$0x3FB0]  }
0x3d: {  	_ =	shalt  }
0x3e: {  	_ =	shalt  }
0x3f: {  	_ =	shalt  }
0x40: {  	_ =	shalt  }
0x41: {  	_ =	shalt  }
0x42: {  	_ =	shalt  }
0x43: {  	_ =	shalt  }
0x44: {  	_ =	shalt  }
0x45: {  	_ =	shalt  }
0x46: {  	_ =	shalt  }
0x47: {  	_ =	shalt  }
0x48: {  	_ =	shalt  }
0x49: {  	_ =	shalt  }
0x4a: {  	_ =	shalt  }
0x4b: {  	_ =	shalt  }
0x4c: {  	_ =	shalt  }
0x4d: {  	_ =	shalt  }
0x4e: {  	_ =	shalt  }
0x4f: {  	_ =	shalt  }
0x50: {  	_ =	shalt  }
0x51: {  	_ =	shalt  }
0x52: {  	_ =	shalt  }
0x53: {  	_ =	shalt  }
0x54: {  	_ =	shalt  }
0x55: {  	_ =	shalt  }
0x56: {  	_ =	shalt  }
0x57: {  	_ =	shalt  }
0x58: {  	_ =	shalt  }
0x59: {  	_ =	shalt  }
0x5a: {  	_ =	shalt  }
0x5b: {  	_ =	shalt  }
0x5c: {  	_ =	shalt  }
0x5d: {  	_ =	shalt  }
0x5e: {  	_ =	shalt  }
0x5f: {  	_ =	shalt  }
0x60: {  	_ =	shalt  }
0x61: {  	_ =	shalt  }
0x62: {  	_ =	shalt  }
0x63: {  	_ =	shalt  }
0x64: {  	_ =	shalt  }
0x65: {  	_ =	shalt  }
0x66: {  	_ =	shalt  }
0x67: {  	_ =	shalt  }
0x68: {  	_ =	shalt  }
0x69: {  	_ =	shalt  }
0x6a: {  	_ =	shalt  }
0x6b: {  	_ =	shalt  }
0x6c: {  	_ =	shalt  }
0x6d: {  	_ =	shalt  }
0x6e: {  	_ =	shalt  }
0x6f: {  	_ =	shalt  }
0x70: {  	_ =	shalt  }
0x71: {  	_ =	shalt  }
0x72: {  	_ =	shalt  }
0x73: {  	_ =	shalt  }
0x74: {  	_ =	shalt  }
0x75: {  	_ =	shalt  }
0x76: {  	_ =	shalt  }
0x77: {  	_ =	shalt  }
0x78: {  	_ =	shalt  }
0x79: {  	_ =	shalt  }
0x7a: {  	_ =	shalt  }
0x7b: {  	_ =	shalt  }
0x7c: {  	_ =	shalt  }
0x7d: {  	_ =	shalt  }
0x7e: {  	_ =	shalt  }
0x7f: {  	_ =	shalt  }
0x80: {  	_ =	shalt  }
0x81: {  	_ =	shalt  }
0x82: {  	_ =	shalt  }
0x83: {  	_ =	shalt  }
0x84: {  	_ =	shalt  }
0x85: {  	_ =	shalt  }
0x86: {  	_ =	shalt  }
0x87: {  	_ =	shalt  }
.Lfunc_end0:
.L_simem_size_0:
called_computation_lowered:
.L_overlay_start_0:
0x88: {  	s2 =	sld [smem:$0x3FD9]  }
0x89: {  	s3 =	sld [smem:$0x3FFE];
	_ =	sdelay $0x1  }
0x8a: {  	s1 =	srdreg.scid  }
0x8b: {  	s0 =	sand.u32 $0x1, s1  }
0x8c: {  	s17 =	sshll.u32 s0, $0xA;
	s2 =	sadd.s32 s3, s2  }
0x8d: {  	s2 =	sadd.s32 s2, s17  }
0x8e: {  	[smem:$0x3FBC] =	sst s2  }
0x8f: {  	_ = 	snop  }
0x90: {  	s2 =	sld [smem:$0x3FD0];
	(tm) =	ssettm $0x1  }
0x91: {  	s18 =	sld [smem:$0x3FFB];
	_ =	sdelay $0x3  }
0x92: {  	_ =	strace s18  }
0x93: {  	s3 =	sld [smem:$0x3FFC];
	_ =	sdelay $0x3  }
0x94: {  	_ =	strace s3  }
0x95: {  	s3 =	sld [smem:$0x3FFD];
	_ =	sdelay $0x3  }
0x96: {  	_ =	strace s3  }
0x97: {  	_ =	strace $0x8FFFFFFF  }
0x98: {  	s19 =	sld [smem:$0x3FDB];
	_ =	sdelay $0x1  }
0x99: {  	s4 =	simm.s32 $_scs_section_size  }
0x9a: {  	s5 =	simm.s32 $_size__tile_overlayer_lowered;
	s6 =	simm.s32 $_tile_overlayer_lowered  }
0x9b: {  	s22 =	simm.s32 $0x1BFF;
	s21 =	sshll.u32 s6, $0x1;
	s3 =	sadd.s32 s4, s19  }
0x9c: {  	s7 =	simm.s32 $0x0;
	s20 =	sshll.u32 s5, $0x1;
	s5 =	sadd.s32 s21, s3  }
0x9d: {  	[timem:s7], [sflag:s22] =	dma.local [hbm:s5], s20  }
0x9e: {  	_ =	swait.ge [sflag:s22], s20  }
0x9f: {  	s4 =	ssub.s32 $0x0, s20;
	[sflag:s22] =	ssyncset.done $0x0  }
0xa0: {  	[sflag:s22] =	ssyncadd.s32 s4;
	_ =	sdelay $0x1  }
0xa1: {  	s23 =	simm.s32 $0x1B8B  }
0xa2: {  	_ =	swait.ge [sflag:s23], $0x1  }
0xa3: {  	[sflag:s23] =	ssyncset.done $0x0  }
0xa4: {  	s25 =	simm.s32 $0x1B8E;
	s24 =	sld [smem:$0x3FFE];
	[sflag:s23] =	ssyncadd.s32 $0xFFFFFFFF  }
0xa5: {  	s26 =	simm.s32 $execute0_lowered;
	[smem:$0x3FD2] =	sst s25  }
0xa6: {  	s5 =	sshll.u32 s26, $0x1;
	_ =	strace $0x80000046;
	[dreg:$0x1] =	wrdreg $0xFFFFFFFF  }
0xa7: {  	s28 =	simm.s32 $_size_execute0_lowered;
	s3 =	sadd.s32 s3, s5;
	[dreg:$0x0] =	wrdreg $0x0  }
0xa8: {  	s5 =	sshll.u32 s28, $0x1;
	[dreg:$0x2] =	wrdreg s3  }
0xa9: {  	[dreg:$0x3] =	wrdreg s5  }
0xaa: {  	[dreg:$0x4] =	wrdreg $0xC0  }
0xab: {  	_ =	task [dreg:s7], $0x5FFFF  }
0xac: {  	[dreg:$0x1] =	wrdreg $0xFFFFFFFF  }
0xad: {  	[dreg:$0x0] =	wrdreg $0x60  }
0xae: {  	[dreg:$0x2] =	wrdreg s2  }
0xaf: {  	[dreg:$0x3] =	wrdreg s24  }
0xb0: {  	[dreg:$0x4] =	wrdreg $0x40800  }
0xb1: {  	[dreg:$0x5] =	wrdreg $0x9  }
0xb2: {  	_ =	task.clear_ibuf [dreg:s7], $0x6FFFF;
	_ =	strace $0x90000046  }
0xb3: {  	s29 =	simm.s32 $0x9;
	_ =	strace $0x80000048  }
0xb4: {  	_ =	swait.ge [sflag:s29], $0x1  }
0xb5: {  	[sflag:s29] =	ssyncadd.s32 $0xFFFFFFFF  }
0xb6: {  	_ =	strace $0x90000048  }
0xb7: {  	_ =	sfence  }
0xb8: {  	s30 =	sld [smem:$0x0];
	_ =	sdelay $0x2  }
0xb9: {  	s31 =	sshll.u32 s1, $0xD;
	s1 =	sshrl.u32 s1, $0x2  }
0xba: {  	s3 =	sand.u32 $0x4000, s31;
	s1 =	sadd.s32 s1, s30  }
0xbb: {  	s0 =	sor.u32 s3, s0;
	s1 =	sshll.u32 s1, $0x11  }
0xbc: {  	s0 =	sor.u32 s1, s0  }
0xbd: {  	s0 =	sadd.s32 $0x8F2B, s0  }
0xbe: {  	[sflag:s0] =	ssyncadd.remote.s32 $0x1  }
0xbf: {  	_ =	sfence.sel $0xFFFF  }
0xc0: {  	[dreg:$0x0] =	wrdreg $0xFFFFFFFF;
	(pc) =	sbr.abs _section_cstart, $3  }
0xc1: {  	[dreg:$0x1] =	wrdreg $0xFFFFFFFF  }
0xc2: {  	_ =	task.clear_ibuf [dreg:s7], $0x2FFFF;
	_ =	strace $0x9FFFFFFF  }
0xc3: {  	(tm) =	ssettm $0x7FFFFFFF  }
tec
execute0_lowered:
.L_overlay_start_1:
0x0: {  	(tag) =	ssettag $0x1  }
0x1: {  	s13 =	rddreg [dreg:$0x0]  }
0x2: {  	s4 =	rddreg [dreg:$0x1]  }
0x3: {  	s2 =	rddreg [dreg:$0x2];
	s1 =	stileid.u32  }
0x4: {  	s0 =	rddreg [dreg:$0x3];
	s6 =	smul.u32 $0x4F000, s1  }
0x5: {  	s5 =	srdreg.scid;
	s9 =	smul.u32 $0x13C00, s1  }
0x6: {  	s3 =	simm.s32 $0x0;
	s12 =	sand.u32 $0x1, s5;
	s29 =	smul.u32 $0x9E0, s1  }
0x7: {  	[smem:$0x7FF] =	sst s3;
	s14 =	sadd.s32 $0x3000, s4;
	s17 =	smul.u32 $0x13C000, s12  }
0x8: {  	_ =	strace $0x80000047;
	s26 =	ssub.s32 $0x2, s12;
	s19 =	smul.u32 $0x4F0, s12  }
0x9: {  	s28 =	sshrl.u32 s26, $0x1;
	s6 =	sshrl.u32 s6, $0x2;
	s10 =	sadd.s32 $0x4000, s9  }
0xa: {  	s11 =	sadd.s32 $0x8000, s9;
	s16 =	sadd.s32 $0xC000, s9;
	s18 =	sadd.s32 $0x10000, s9  }
0xb: {  	s31 =	sadd.s32 s29, s13;
	s15 =	ssub.s32 s26, s28;
	s4 =	sadd.s32 s6, s2  }
0xc: {  	s5 =	sadd.s32 s10, s2;
	s6 =	sadd.s32 s11, s2;
	s7 =	sadd.s32 s16, s2  }
0xd: {  	s8 =	sadd.s32 s18, s2;
	s9 =	sadd.s32 s9, s17;
	s10 =	sadd.s32 s17, s10  }
0xe: {  	s11 =	sadd.s32 s17, s11;
	s16 =	sadd.s32 s17, s16;
	s17 =	sadd.s32 s17, s18  }
0xf: {  	s18 =	simm.s32 $0x0;
	s9 =	sshrl.u32 s9, $0x3;
	s10 =	sshrl.u32 s10, $0x3  }
0x10: {  	s11 =	sshrl.u32 s11, $0x3;
	s16 =	sshrl.u32 s16, $0x3;
	s30 =	sshrl.u32 s17, $0x3  }
0x11: {  	s17 =	simm.s32 $0x1;
	s9 =	sadd.s32 s14, s9;
	s10 =	sadd.s32 s14, s10  }
0x12: {  	v0 =	vimm.f32 $0.0e+00;
	vm0 =	vcmask $0x300;
	s11 =	sadd.s32 s14, s11;
	s12 =	sadd.s32 s14, s16;
	s13 =	sadd.s32 s14, s30  }
0x13: {  	v1 =	vsel vm0, $0x3F800000, v0;
	s14 =	smax.u32 s15, $0x1;
	s15 =	sadd.s32 s19, s31;
	s16 =	simm.s32 $0x80  }
.LBB2_1:
0x14: {  	s19 =	simm.s32 $0x200;
	s20 =	simm.s32 $0x0  }
.LBB2_2:
0x15: {  	p0 =	sne.s32 s19, $0xFE00;
	[tilespmem:s20+$0x80] =	vst v0;
	s20 =	smov.u32 s19;
	s19 =	sadd.s32 $0x200, s19  }
.Ltmp0:
0x16: {  	(pc) =	sbr.rel @p0 .LBB2_2-.Ltmp0, $2  }
0x17: {  	_ =	sdelay $0x2  }
0x18: {  	s20 =	sshra.s32 s20, $0x2  }
0x19: {  	[tilespmem:s20+$0x80] =	vst v0  }
0x1a: {  	[spmem:s4] =	stream.linear.scatter [tilespmem:s16], [sflag:$0x1], $0x4000, $0x38;
	[tilespmem:$0x6800] =	vst v63  }
0x1b: {  	_ =	swait.ge [sflag:s17], $0x4000  }
0x1c: {  	[sflag:s17] =	ssyncset.done $0x0  }
0x1d: {  	[sflag:s17] =	ssyncadd.s32 $0xFFFFC000  }
0x1e: {  	[spmem:s5] =	stream.linear.scatter [tilespmem:s16], [sflag:$0x1], $0x4000, $0x38;
	[tilespmem:$0x6800] =	vst v63  }
0x1f: {  	_ =	swait.ge [sflag:s17], $0x4000  }
0x20: {  	[sflag:s17] =	ssyncset.done $0x0  }
0x21: {  	[sflag:s17] =	ssyncadd.s32 $0xFFFFC000  }
0x22: {  	[spmem:s6] =	stream.linear.scatter [tilespmem:s16], [sflag:$0x1], $0x4000, $0x38;
	[tilespmem:$0x6800] =	vst v63  }
0x23: {  	_ =	swait.ge [sflag:s17], $0x4000  }
0x24: {  	[sflag:s17] =	ssyncset.done $0x0  }
0x25: {  	[sflag:s17] =	ssyncadd.s32 $0xFFFFC000  }
0x26: {  	[spmem:s7] =	stream.linear.scatter [tilespmem:s16], [sflag:$0x1], $0x4000, $0x38;
	[tilespmem:$0x6800] =	vst v63  }
0x27: {  	_ =	swait.ge [sflag:s17], $0x4000  }
0x28: {  	[sflag:s17] =	ssyncset.done $0x0  }
0x29: {  	[sflag:s17] =	ssyncadd.s32 $0xFFFFC000  }
0x2a: {  	[spmem:s8] =	stream.linear.scatter [tilespmem:s16], [sflag:$0x1], $0x3C00, $0x38;
	[tilespmem:$0x6800] =	vst v63  }
0x2b: {  	_ =	swait.ge [sflag:s17], $0x3C00  }
0x2c: {  	[sflag:s17] =	ssyncset.done $0x0  }
0x2d: {  	s19 =	simm.s32 $0x200;
	s20 =	simm.s32 $0x0;
	[sflag:s17] =	ssyncadd.s32 $0xFFFFC400  }
.LBB2_4:
0x2e: {  	p0 =	sne.s32 s19, $0xFE00;
	[tilespmem:s20+$0x80] =	vst v1;
	s20 =	smov.u32 s19;
	s19 =	sadd.s32 $0x200, s19  }
.Ltmp1:
0x2f: {  	(pc) =	sbr.rel @p0 .LBB2_4-.Ltmp1, $2  }
0x30: {  	_ =	sdelay $0x2  }
0x31: {  	s20 =	sshra.s32 s20, $0x2  }
0x32: {  	[tilespmem:s20+$0x80] =	vst v1  }
0x33: {  	s19 =	sadd.s32 $0x0, s15;
	[bflag:$0x0] =	sbarrier.arrive $0xFFFF  }
0x34: {  	[tilespmem:s3], [sflag:$0x1] =	stream.linear.gather [hbm4b:s19+s3], $0x80, $0x38;
	[tilespmem:$0x6800] =	vst v63  }
0x35: {  	_ =	swait.ge [sflag:s17], $0x80  }
0x36: {  	[sflag:s17] =	ssyncset.done $0x0  }
0x37: {  	[sflag:s17] =	ssyncadd.s32 $0xFFFFFF80  }
0x38: {  	[spmem:s2] =	stream.indirect.scatter.add.f32 [tilespmem:s16], [sflag:$0x1], $0x10, s3, s16, $0xb8;
	[tilespmem:$0x6800] =	vst v63  }
0x39: {  	_ =	swait.ge [sflag:s17], $0x800  }
0x3a: {  	s20 =	simm.s32 $0x20;
	s19 =	simm.s32 $0x10;
	[sflag:s17] =	ssyncset.done $0x0  }
.LBB2_6:
0x3b: {  	s21 =	sadd.s32 s19, s15  }
0x3c: {  	[sflag:s17] =	ssyncadd.s32 $0xFFFFF800;
	s19 =	smov.u32 s20;
	s22 =	sadd.s32 $0x10, s20  }
0x3d: {  	[tilespmem:s3], [sflag:$0x1] =	stream.linear.gather [hbm4b:s21+s3], $0x80, $0x38;
	[tilespmem:$0x6800] =	vst v63  }
0x3e: {  	p0 =	sne.s32 s20, $0x4E0;
	_ =	swait.ge [sflag:s17], $0x80  }
.Ltmp2:
0x3f: {  	[sflag:s17] =	ssyncset.done $0x0;
	(pc) =	sbr.rel @p0 .LBB2_6-.Ltmp2, $4  }
0x40: {  	[sflag:s17] =	ssyncadd.s32 $0xFFFFFF80  }
0x41: {  	[spmem:s2] =	stream.indirect.scatter.add.f32 [tilespmem:s16], [sflag:$0x1], $0x10, s3, s16, $0xb8;
	[tilespmem:$0x6800] =	vst v63  }
0x42: {  	_ =	swait.ge [sflag:s17], $0x800  }
0x43: {  	s20 =	smov.u32 s22;
	[sflag:s17] =	ssyncset.done $0x0  }
0x44: {  	s19 =	sadd.s32 s19, s15;
	[sflag:s17] =	ssyncadd.s32 $0xFFFFF800  }
0x45: {  	[tilespmem:s3], [sflag:$0x1] =	stream.linear.gather [hbm4b:s19+s3], $0x80, $0x38;
	[tilespmem:$0x6800] =	vst v63  }
0x46: {  	_ =	swait.ge [sflag:s17], $0x80  }
0x47: {  	[sflag:s17] =	ssyncset.done $0x0  }
0x48: {  	[sflag:s17] =	ssyncadd.s32 $0xFFFFFF80  }
0x49: {  	[spmem:s2] =	stream.indirect.scatter.add.f32 [tilespmem:s16], [sflag:$0x1], $0x10, s3, s16, $0xb8;
	[tilespmem:$0x6800] =	vst v63  }
0x4a: {  	_ =	swait.ge [sflag:s17], $0x800  }
0x4b: {  	[sflag:s17] =	ssyncset.done $0x0  }
0x4c: {  	[sflag:s17] =	ssyncadd.s32 $0xFFFFF800  }
0x4d: {  	[bflag:$0x0] =	sbarrier.arrive $0xFFFF  }
0x4e: {  	[tilespmem:s16], [sflag:$0x1] =	stream.linear.gather [spmem:s4], $0x4000, $0x38;
	[tilespmem:$0x6800] =	vst v63  }
0x4f: {  	_ =	swait.ge [sflag:s17], $0x4000  }
0x50: {  	[sflag:s17] =	ssyncset.done $0x0  }
0x51: {  	[sflag:s17] =	ssyncadd.s32 $0xFFFFC000  }
0x52: {  	[hbm4b:s9+s3] =	stream.linear.scatter [tilespmem:s16], [sflag:$0x1], $0x4000, $0x38;
	[tilespmem:$0x6800] =	vst v63  }
0x53: {  	_ =	swait.ge [sflag:s17], $0x4000  }
0x54: {  	[sflag:s17] =	ssyncset.done $0x0  }
0x55: {  	[sflag:s17] =	ssyncadd.s32 $0xFFFFC000  }
0x56: {  	[tilespmem:s16], [sflag:$0x1] =	stream.linear.gather [spmem:s5], $0x4000, $0x38;
	[tilespmem:$0x6800] =	vst v63  }
0x57: {  	_ =	swait.ge [sflag:s17], $0x4000  }
0x58: {  	[sflag:s17] =	ssyncset.done $0x0  }
0x59: {  	[sflag:s17] =	ssyncadd.s32 $0xFFFFC000  }
0x5a: {  	[hbm4b:s10+s3] =	stream.linear.scatter [tilespmem:s16], [sflag:$0x1], $0x4000, $0x38;
	[tilespmem:$0x6800] =	vst v63  }
0x5b: {  	_ =	swait.ge [sflag:s17], $0x4000  }
0x5c: {  	[sflag:s17] =	ssyncset.done $0x0  }
0x5d: {  	[sflag:s17] =	ssyncadd.s32 $0xFFFFC000  }
0x5e: {  	[tilespmem:s16], [sflag:$0x1] =	stream.linear.gather [spmem:s6], $0x4000, $0x38;
	[tilespmem:$0x6800] =	vst v63  }
0x5f: {  	_ =	swait.ge [sflag:s17], $0x4000  }
0x60: {  	[sflag:s17] =	ssyncset.done $0x0  }
0x61: {  	[sflag:s17] =	ssyncadd.s32 $0xFFFFC000  }
0x62: {  	[hbm4b:s11+s3] =	stream.linear.scatter [tilespmem:s16], [sflag:$0x1], $0x4000, $0x38;
	[tilespmem:$0x6800] =	vst v63  }
0x63: {  	_ =	swait.ge [sflag:s17], $0x4000  }
0x64: {  	[sflag:s17] =	ssyncset.done $0x0  }
0x65: {  	[sflag:s17] =	ssyncadd.s32 $0xFFFFC000  }
0x66: {  	[tilespmem:s16], [sflag:$0x1] =	stream.linear.gather [spmem:s7], $0x4000, $0x38;
	[tilespmem:$0x6800] =	vst v63  }
0x67: {  	_ =	swait.ge [sflag:s17], $0x4000  }
0x68: {  	[sflag:s17] =	ssyncset.done $0x0  }
0x69: {  	[sflag:s17] =	ssyncadd.s32 $0xFFFFC000  }
0x6a: {  	[hbm4b:s12+s3] =	stream.linear.scatter [tilespmem:s16], [sflag:$0x1], $0x4000, $0x38;
	[tilespmem:$0x6800] =	vst v63  }
0x6b: {  	_ =	swait.ge [sflag:s17], $0x4000  }
0x6c: {  	[sflag:s17] =	ssyncset.done $0x0  }
0x6d: {  	[sflag:s17] =	ssyncadd.s32 $0xFFFFC000  }
0x6e: {  	[tilespmem:s16], [sflag:$0x1] =	stream.linear.gather [spmem:s8], $0x3C00, $0x38;
	[tilespmem:$0x6800] =	vst v63  }
0x6f: {  	s18 =	sadd.s32 $0x1, s18;
	_ =	swait.ge [sflag:s17], $0x3C00  }
0x70: {  	p0 =	sne.s32 s18, s14;
	[sflag:s17] =	ssyncset.done $0x0  }
.Ltmp3:
0x71: {  	[sflag:s17] =	ssyncadd.s32 $0xFFFFC400;
	(pc) =	sbr.rel @p0 .LBB2_1-.Ltmp3, $4  }
0x72: {  	[hbm4b:s13+s3] =	stream.linear.scatter [tilespmem:s16], [sflag:$0x1], $0x3C00, $0x38;
	[tilespmem:$0x6800] =	vst v63  }
0x73: {  	_ =	swait.ge [sflag:s17], $0x3C00  }
0x74: {  	[sflag:s17] =	ssyncset.done $0x0  }
0x75: {  	[sflag:s17] =	ssyncadd.s32 $0xFFFFC400  }
0x76: {  	_ =	sfence.sel $0x180000  }
0x77: {  	[bflag:$0x0] =	sbarrier.arrive $0xFFFF  }
0x78: {  	p0 =	sne.s32 s1, $0x0;
	_ =	strace $0x90000047  }
0x79: {  	s0 =	sadd.s32 @!p0 $0x100000, s0;
	[bflag:$0x2] =	sbarrier.arrive $0xFFFF  }
0x7a: {  	[sflag:s0] =	ssyncadd.tile.s32 @!p0 $0x1;
	_ =	shalt  }
.Lfunc_end2:
_tile_overlayer_lowered:
.L_overlay_start_2:
0x7b: {  	(tag) =	ssettag $0x2  }
0x7c: {  	s0 =	rddreg [dreg:$0x0];
	s2 =	stileid.u32  }
0x7d: {  	s1 =	rddreg [dreg:$0x1];
	p0 =	sne.s32 s2, $0x0  }
0x7e: {  	s3 =	rddreg [dreg:$0x2];
	[bflag:$0x3] =	sbarrier.arrive $0xFFFF;
	s2 =	simm.s32 @!p0 $0x1C01  }
0x7f: {  	[timem:s3], [sflag:s2] =	dma.local @!p0 [hbm:s0], s1  }
0x80: {  	s0 =	simm.s32 @!p0 $0x1  }
0x81: {  	_ =	swait.ge @!p0 [sflag:s0], s1  }
0x82: {  	s1 =	ssub.s32 @!p0 $0x0, s1;
	[sflag:s0] =	ssyncset.done @!p0 $0x0  }
0x83: {  	[sflag:s0] =	ssyncadd.s32 @!p0 s1  }
0x84: {  	[bflag:$0x3] =	sbarrier.arrive $0xFFFF  }
0x85: {  	_ =	shalt  }

</sc_bundles>
